<compile_context>
chip_gen: v7x
topology: tpu7x:2x2x1
jax: 0.10.2.dev20260603
libtpu: 0.0.44.dev20260713+nightly
codegen_flags: <defaults>
</compile_context>

<pallas_src>
import functools

import numpy as np
import jax
import jax.numpy as jnp
from jax import lax
from jax.experimental import pallas as pl
from jax.experimental.pallas import tpu as pltpu
from jax.experimental.pallas import tpu_sc as plsc

_B, _T, _C = 16, 2048, 512
_L = 16


def _static_plan(batch_size, max_len_seq, lanes, seed=0):
    rng = np.random.RandomState(seed)
    min_len_seg = 19
    max_len_seg = 32
    max_num_seg = max_len_seq // min_len_seg + 1
    n = batch_size * max_num_seg
    indices = np.broadcast_to(
        np.arange(max_len_seg * 2)[None, :], (n, max_len_seg * 2))
    scales = rng.rand(n) + 0.5
    idx_scaled = indices / scales[:, None]
    idx_scaled_fl = np.floor(idx_scaled)
    lambda_ = idx_scaled - idx_scaled_fl
    len_seg = rng.randint(min_len_seg, max_len_seg, size=(n, 1))
    idx_mask = idx_scaled_fl < (len_seg - 1)
    offset = np.cumsum(len_seg.reshape(batch_size, -1), axis=-1)
    offset = np.pad(offset[:, :-1], ((0, 0), (1, 0)),
                    constant_values=0).reshape(-1, 1)
    idx_scaled_org = idx_scaled_fl + offset
    idx_mask_org = idx_scaled_org < (max_len_seq - 1)
    idx_mask_final = idx_mask & idx_mask_org
    counts = idx_mask_final.sum(axis=-1).reshape(batch_size, -1).sum(axis=-1)
    index_1 = np.repeat(np.arange(batch_size), counts)
    index_2 = idx_scaled_org[idx_mask_final].astype(np.int64)
    lambda_f = lambda_[idx_mask_final]
    starts = np.concatenate([[0], np.cumsum(counts)[:-1]])
    pos = np.arange(index_1.shape[0]) - starts[index_1]
    keep = pos < max_len_seq
    i1, i2, lam, pos = index_1[keep], index_2[keep], lambda_f[keep], pos[keep]

    bt = batch_size * max_len_seq
    g0 = np.zeros(bt, np.int32)
    w0 = np.zeros(bt, np.float32)
    w1 = np.zeros(bt, np.float32)
    flatpos = i1 * max_len_seq + pos
    g0[flatpos] = (i1 * max_len_seq + i2).astype(np.int32)
    w0[flatpos] = (1.0 - lam).astype(np.float32)
    w1[flatpos] = lam.astype(np.float32)
    g1 = g0 + 1
    wrep = np.concatenate(
        [np.repeat(w0[:, None], lanes, axis=1),
         np.repeat(w1[:, None], lanes, axis=1)], axis=1)
    return g0, g1, np.ascontiguousarray(wrep, np.float32)


def _make_sc_call(n_sc, row_off):
    try:
        info = plsc.get_sparse_core_info()
        nc, ns = info.num_cores, info.num_subcores
    except Exception:
        nc, ns = 2, 16
    nw = nc * ns
    bt = n_sc
    rows_per_worker = bt // nw
    K = 32
    nchunk = rows_per_worker // K
    nstep = nchunk // 2
    assert rows_per_worker % (2 * K) == 0
    mesh = plsc.VectorSubcoreMesh(core_axis_name="c", subcore_axis_name="s")

    @functools.partial(
        pl.kernel,
        mesh=mesh,
        out_type=jax.ShapeDtypeStruct((_B * _T, _C), jnp.float32),
        scratch_types=[
            pltpu.VMEM((rows_per_worker,), jnp.int32),
            pltpu.VMEM((rows_per_worker,), jnp.int32),
            pltpu.VMEM((2, K, 2 * _L), jnp.float32),
            pltpu.VMEM((2, K, _C), jnp.float32),
            pltpu.VMEM((2, K, _C), jnp.float32),
            pltpu.VMEM((2, K, _C), jnp.float32),
            pltpu.SemaphoreType.DMA,
            pltpu.SemaphoreType.DMA,
            pltpu.SemaphoreType.DMA,
            pltpu.SemaphoreType.DMA,
            pltpu.SemaphoreType.DMA,
            pltpu.SemaphoreType.DMA,
            pltpu.SemaphoreType.DMA,
            pltpu.SemaphoreType.DMA,
        ],
    )
    def sc_call(x_hbm, g0_hbm, g1_hbm, w_hbm, out_hbm,
                g0_v, g1_v, w_v, a_v, b_v, o_v,
                sa0, sb0, sa1, sb1, so0, so1, sw0, sw1):
        wid = lax.axis_index("s") * nc + lax.axis_index("c")
        base = wid * rows_per_worker
        pltpu.sync_copy(g0_hbm.at[pl.ds(base, rows_per_worker)], g0_v)
        pltpu.sync_copy(g1_hbm.at[pl.ds(base, rows_per_worker)], g1_v)

        def gather(off, s, sem_a, sem_b, sem_w):
            pltpu.async_copy(x_hbm.at[g0_v.at[pl.ds(off, K)]], a_v.at[s],
                             sem_a)
            pltpu.async_copy(x_hbm.at[g1_v.at[pl.ds(off, K)]], b_v.at[s],
                             sem_b)
            pltpu.async_copy(w_hbm.at[pl.ds(base + off, K)], w_v.at[s],
                             sem_w)

        def drain(dst, sem):
            pltpu.make_async_copy(x_hbm.at[pl.ds(0, K)], dst, sem).wait()

        def drain_store(s, sem):
            pltpu.make_async_copy(o_v.at[s], out_hbm.at[pl.ds(0, K)],
                                  sem).wait()

        def compute(off, s, sem_a, sem_b, sem_w, sem_o, first):
            drain(a_v.at[s], sem_a)
            drain(b_v.at[s], sem_b)
            pltpu.make_async_copy(w_hbm.at[pl.ds(0, K)], w_v.at[s],
                                  sem_w).wait()

            @pl.when(jnp.logical_not(first))
            def _():
                drain_store(s, sem_o)

            def row_body(r, carry):
                w0v = w_v[s, r, pl.ds(0, _L)]
                w1v = w_v[s, r, pl.ds(_L, _L)]
                for c in range(_C // _L):
                    av = a_v[s, r, pl.ds(c * _L, _L)]
                    bv = b_v[s, r, pl.ds(c * _L, _L)]
                    o_v[s, r, pl.ds(c * _L, _L)] = w0v * av + w1v * bv
                return carry

            lax.fori_loop(0, K, row_body, 0)
            pltpu.async_copy(o_v.at[s],
                             out_hbm.at[pl.ds(row_off + base + off, K)],
                             sem_o)

        gather(0, 0, sa0, sb0, sw0)

        def step(j, carry):
            off0 = 2 * j * K
            off1 = off0 + K
            gather(off1, 1, sa1, sb1, sw1)
            compute(off0, 0, sa0, sb0, sw0, so0, j == 0)

            @pl.when(j < nstep - 1)
            def _():
                gather(off0 + 2 * K, 0, sa0, sb0, sw0)
            compute(off1, 1, sa1, sb1, sw1, so1, j == 0)
            return carry

        lax.fori_loop(0, nstep, step, 0)
        drain_store(0, so0)
        drain_store(1, so1)

    return sc_call


_G0, _G1, _WREP = _static_plan(_B, _T, _L)


def _tc_plan(g0, wrep, row_start, nrows, P):
    bt = g0.shape[0]
    nblk = nrows // P
    w0 = wrep[:, 0]
    w1 = wrep[:, _L]
    spans = []
    smins = []
    for i in range(nblk):
        lo = row_start + i * P
        rows = g0[lo:lo + P]
        real = rows[(w0[lo:lo + P] + w1[lo:lo + P]) > 0]
        if len(real) == 0:
            smins.append(0)
            spans.append(2)
        else:
            smin = (int(real.min()) // 8) * 8
            smins.append(smin)
            spans.append(int(real.max()) + 2 - smin)
    span = -(-max(spans) // 8) * 8
    s0 = np.minimum(np.array(smins, np.int32), bt - span).astype(np.int32)
    meta = np.zeros((nblk, P, 8), np.float32)
    for i in range(nblk):
        lo = row_start + i * P
        real = (w0[lo:lo + P] + w1[lo:lo + P]) > 0
        loc = np.where(real, g0[lo:lo + P] - s0[i], 0)
        meta[i, :, 0] = loc.astype(np.float32)
        meta[i, :, 1] = w0[lo:lo + P]
        meta[i, :, 2] = w1[lo:lo + P]
    return s0, meta, span


def _make_tc_call(row_start, nrows, P=256):
    s0_np, meta_np, span = _tc_plan(_G0, _WREP, row_start, nrows, P)
    nblk = nrows // P

    def tc_kernel(s0_ref, meta_ref, x_ref, o_ref, xbuf, sem):
        i = pl.program_id(0)

        @pl.when(i == 0)
        def _():
            pltpu.make_async_copy(
                x_ref.at[pl.ds(pl.multiple_of(s0_ref[0], 8), span)], xbuf.at[0], sem.at[0]
            ).start()

        par = lax.rem(i, 2)
        pltpu.make_async_copy(
            x_ref.at[pl.ds(pl.multiple_of(s0_ref[i], 8), span)], xbuf.at[par], sem.at[par]
        ).wait()

        @pl.when(i + 1 < nblk)
        def _():
            nxt = lax.rem(i + 1, 2)
            pltpu.make_async_copy(
                x_ref.at[pl.ds(pl.multiple_of(s0_ref[i + 1], 8), span)], xbuf.at[nxt],
                sem.at[nxt]
            ).start()

        meta = meta_ref[0]
        loc = meta[:, 0:1]
        w0 = meta[:, 1:2]
        w1 = meta[:, 2:3]
        ios = lax.broadcasted_iota(jnp.int32, (P, span), 1).astype(jnp.float32)
        W = (jnp.where(ios == loc, w0, 0.0)
             + jnp.where(ios == loc + 1.0, w1, 0.0))
        o_ref[...] = jax.lax.dot(
            W, xbuf[par], precision=jax.lax.Precision.DEFAULT,
            preferred_element_type=jnp.float32)

    call = pl.pallas_call(
        tc_kernel,
        grid=(nblk,),
        in_specs=[
            pl.BlockSpec(memory_space=pltpu.SMEM),
            pl.BlockSpec((1, P, 8), lambda i: (i, 0, 0)),
            pl.BlockSpec(memory_space=pl.ANY),
        ],
        out_specs=pl.BlockSpec((P, _C), lambda i: (i, 0)),
        out_shape=jax.ShapeDtypeStruct((nrows, _C), jnp.float32),
        scratch_shapes=[
            pltpu.VMEM((2, span, _C), jnp.float32),
            pltpu.SemaphoreType.DMA((2,)),
        ],
    )
    def run(xf):
        return call(jnp.asarray(s0_np), jnp.asarray(meta_np), xf)

    return run


_N_SC = 20480
_N_TC = _B * _T - _N_SC

_SC_CALL = _make_sc_call(_N_SC, _N_TC)
_TC_CALL = _make_tc_call(0, _N_TC, P=512)


@jax.jit
def kernel(x):
    xf = x.reshape(_B * _T, _C)
    sc_full = _SC_CALL(
        xf, jnp.asarray(_G0[_N_TC:]), jnp.asarray(_G1[_N_TC:]),
        jnp.asarray(_WREP[_N_TC:]))
    tc_part = _TC_CALL(xf)
    out = lax.dynamic_update_slice(sc_full, tc_part, (0, 0))
    return out.reshape(_B, _T, _C)

# --- scband reference (transcript-rebuilt; emitter-appended) ---
"""Pipeline reference for scband-interp-lnr-32942399161078 (READ-ONLY COPY).

The authoritative reference and input builder live on the scoring server;
editing this copy changes nothing except your own understanding.
"""

import jax, jax.numpy as jnp
import numpy as np


def _build_indices(batch_size, max_len_seq, seed=0):
    # Mirrors the torch module's internal random segment construction.
    rng = np.random.RandomState(seed)
    min_len_seg = 19
    max_len_seg = 32
    max_num_seg = max_len_seq // min_len_seg + 1
    n = batch_size * max_num_seg
    indices = np.broadcast_to(np.arange(max_len_seg * 2)[None, :], (n, max_len_seg * 2))
    scales = rng.rand(n) + 0.5  # uniform [0.5, 1.5)
    idx_scaled = indices / scales[:, None]
    idx_scaled_fl = np.floor(idx_scaled)
    lambda_ = idx_scaled - idx_scaled_fl
    len_seg = rng.randint(min_len_seg, max_len_seg, size=(n, 1))  # high exclusive, like torch.randint
    idx_mask = idx_scaled_fl < (len_seg - 1)
    offset = np.cumsum(len_seg.reshape(batch_size, -1), axis=-1)
    offset = np.pad(offset[:, :-1], ((0, 0), (1, 0)), constant_values=0).reshape(-1, 1)
    idx_scaled_org = idx_scaled_fl + offset
    # len_seq == max_len_pad == max_len_seq for every batch element
    idx_mask_org = idx_scaled_org < (max_len_seq - 1)
    idx_mask_final = idx_mask & idx_mask_org
    counts = idx_mask_final.sum(axis=-1).reshape(batch_size, -1).sum(axis=-1)
    index_1 = np.repeat(np.arange(batch_size), counts)
    index_2_fl = idx_scaled_org[idx_mask_final].astype(np.int64)
    lambda_f = lambda_[idx_mask_final]
    # position of each gathered row inside its batch element's output sequence
    starts = np.concatenate([[0], np.cumsum(counts)[:-1]])
    pos = np.arange(index_1.shape[0]) - starts[index_1]
    # torch pad_sequences truncates each sequence to max_len_pad rows
    keep = pos < max_len_seq
    return (index_1[keep], index_2_fl[keep], lambda_f[keep], pos[keep])


def setup_inputs(seed: int = 0) -> dict:
    key = jax.random.key(seed)
    x = jax.random.normal(key, (16, 2048, 512), dtype=jnp.float32)
    return {"x": x}


def reference(x):
    B, T, C = x.shape
    i1_np, i2_np, lam_np, pos_np = _build_indices(B, T)
    i1 = jnp.asarray(i1_np)
    i2 = jnp.asarray(i2_np)
    pos = jnp.asarray(pos_np)
    lam = jnp.asarray(lam_np, dtype=x.dtype)[:, None]
    y_fl = x[i1, i2, :]
    y_cl = x[i1, i2 + 1, :]
    y = (1.0 - lam) * y_fl + lam * y_cl
    out = jnp.zeros((B, T, C), dtype=x.dtype).at[i1, pos].set(y)
    return out

if __name__ == "__main__":
    import jax
    _d = setup_inputs()
    print(jax.jit(kernel)(*tuple(_d.values())))

</pallas_src>

<mosaic_0001>
#map = affine_map<(d0, d1) -> (0, 0)>
#map1 = affine_map<(d0, d1) -> (0)>
module attributes {stable_mosaic.version = 14 : i64} {
  func.func @sc_call(%arg0: i32, %arg1: i32, %arg2: memref<32768x512xf32, #tpu.memory_space<hbm>>, %arg3: memref<20480xi32, #tpu.memory_space<hbm>>, %arg4: memref<20480xi32, #tpu.memory_space<hbm>>, %arg5: memref<20480x32xf32, #tpu.memory_space<hbm>>, %arg6: memref<32768x512xf32, #tpu.memory_space<hbm>>, %arg7: memref<640xi32, #tpu.memory_space<vmem>>, %arg8: memref<640xi32, #tpu.memory_space<vmem>>, %arg9: memref<2x32x32xf32, #tpu.memory_space<vmem>>, %arg10: memref<2x32x512xf32, #tpu.memory_space<vmem>>, %arg11: memref<2x32x512xf32, #tpu.memory_space<vmem>>, %arg12: memref<2x32x512xf32, #tpu.memory_space<vmem>>, %arg13: memref<!tpu.dma_semaphore, #tpu.memory_space<semaphore_mem>>, %arg14: memref<!tpu.dma_semaphore, #tpu.memory_space<semaphore_mem>>, %arg15: memref<!tpu.dma_semaphore, #tpu.memory_space<semaphore_mem>>, %arg16: memref<!tpu.dma_semaphore, #tpu.memory_space<semaphore_mem>>, %arg17: memref<!tpu.dma_semaphore, #tpu.memory_space<semaphore_mem>>, %arg18: memref<!tpu.dma_semaphore, #tpu.memory_space<semaphore_mem>>, %arg19: memref<!tpu.dma_semaphore, #tpu.memory_space<semaphore_mem>>, %arg20: memref<!tpu.dma_semaphore, #tpu.memory_space<semaphore_mem>>) attributes {dimension_semantics = [#tpu.dimension_semantics<core_parallel>, #tpu.dimension_semantics<subcore_parallel>], iteration_bounds = array<i64: 2, 16>, scalar_prefetch = 0 : i64, scratch_operands = 14 : i64, tpu.core_type = #tpu.core_type<sc_vector_subcore>, window_params = [{transform_indices = #map}, {transform_indices = #map1}, {transform_indices = #map1}, {transform_indices = #map}, {transform_indices = #map}]} {
    %mul3A = arith.constant 2 : i32
    %mul3A_0 = arith.muli %arg1, %mul3A : i32
    %add3A = arith.addi %mul3A_0, %arg0 : i32
    %mul3A_1 = arith.constant 640 : i32
    %mul3A_2 = arith.muli %add3A, %mul3A_1 : i32
    "tpu.region"() ({
      %run_scoped3A = tpu.sem_alloc : memref<!tpu.dma_semaphore, #tpu.memory_space<semaphore_mem>>
      %dma_start3A_71 = tpu.memref_slice %arg3[%mul3A_2] : memref<20480xi32, #tpu.memory_space<hbm>> -> memref<640xi32, #tpu.memory_space<hbm>>
      %dma_start3A_72 = tpu.memref_slice %arg3[%mul3A_2] : memref<20480xi32, #tpu.memory_space<hbm>> -> memref<640xi32, #tpu.memory_space<hbm>>
      tpu.enqueue_dma source(%dma_start3A_72 : memref<640xi32, #tpu.memory_space<hbm>>) target(%arg7 : memref<640xi32, #tpu.memory_space<vmem>>) target_semaphore(%run_scoped3A : memref<!tpu.dma_semaphore, #tpu.memory_space<semaphore_mem>>)
      %dma_wait3A_73 = tpu.memref_slice %arg3[%mul3A_2] : memref<20480xi32, #tpu.memory_space<hbm>> -> memref<640xi32, #tpu.memory_space<hbm>>
      %dma_wait3A_74 = tpu.memref_slice %arg3[%mul3A_2] : memref<20480xi32, #tpu.memory_space<hbm>> -> memref<640xi32, #tpu.memory_space<hbm>>
      tpu.wait_dma2 semaphore(%run_scoped3A : memref<!tpu.dma_semaphore, #tpu.memory_space<semaphore_mem>>) src(%dma_wait3A_74 : memref<640xi32, #tpu.memory_space<hbm>>) dst(%arg7 : memref<640xi32, #tpu.memory_space<vmem>>)
      tpu.yield
    }) : () -> ()
    "tpu.region"() ({
      %run_scoped3A = tpu.sem_alloc : memref<!tpu.dma_semaphore, #tpu.memory_space<semaphore_mem>>
      %dma_start3A_71 = tpu.memref_slice %arg4[%mul3A_2] : memref<20480xi32, #tpu.memory_space<hbm>> -> memref<640xi32, #tpu.memory_space<hbm>>
      %dma_start3A_72 = tpu.memref_slice %arg4[%mul3A_2] : memref<20480xi32, #tpu.memory_space<hbm>> -> memref<640xi32, #tpu.memory_space<hbm>>
      tpu.enqueue_dma source(%dma_start3A_72 : memref<640xi32, #tpu.memory_space<hbm>>) target(%arg8 : memref<640xi32, #tpu.memory_space<vmem>>) target_semaphore(%run_scoped3A : memref<!tpu.dma_semaphore, #tpu.memory_space<semaphore_mem>>)
      %dma_wait3A_73 = tpu.memref_slice %arg4[%mul3A_2] : memref<20480xi32, #tpu.memory_space<hbm>> -> memref<640xi32, #tpu.memory_space<hbm>>
      %dma_wait3A_74 = tpu.memref_slice %arg4[%mul3A_2] : memref<20480xi32, #tpu.memory_space<hbm>> -> memref<640xi32, #tpu.memory_space<hbm>>
      tpu.wait_dma2 semaphore(%run_scoped3A : memref<!tpu.dma_semaphore, #tpu.memory_space<semaphore_mem>>) src(%dma_wait3A_74 : memref<640xi32, #tpu.memory_space<hbm>>) dst(%arg8 : memref<640xi32, #tpu.memory_space<vmem>>)
      tpu.yield
    }) : () -> ()
    %dma_start3A = arith.constant 0 : i32
    %dma_start3A_3 = arith.constant 0 : i32
    %dma_start3A_4 = arith.constant 0 : i32
    %dma_start3A_5 = tpu.memref_slice %arg10[%dma_start3A, %dma_start3A_3, %dma_start3A_4] : memref<2x32x512xf32, #tpu.memory_space<vmem>> -> memref<1x32x512xf32, #tpu.memory_space<vmem>>
    %dma_start3A_6 = tpu.memref_squeeze %dma_start3A_5 : memref<1x32x512xf32, #tpu.memory_space<vmem>> -> memref<32x512xf32, #tpu.memory_space<vmem>>
    %dma_start3A_7 = arith.constant 0 : i32
    %dma_start3A_8 = tpu.memref_slice %arg7[%dma_start3A_7] : memref<640xi32, #tpu.memory_space<vmem>> -> memref<32xi32, #tpu.memory_space<vmem>>
    %dma_start3A_9 = arith.constant 0 : i32
    %dma_start3A_10 = arith.constant 0 : i32
    %dma_start3A_11 = tpu.memref_slice %arg2[%dma_start3A_9, %dma_start3A_10] : memref<32768x512xf32, #tpu.memory_space<hbm>> -> memref<32768x512xf32, #tpu.memory_space<hbm>>
    tpu.enqueue_indirect_dma source(%dma_start3A_11 : memref<32768x512xf32, #tpu.memory_space<hbm>>) target(%dma_start3A_6 : memref<32x512xf32, #tpu.memory_space<vmem>>) offsets(%dma_start3A_8 : memref<32xi32, #tpu.memory_space<vmem>>) semaphore(%arg13 : memref<!tpu.dma_semaphore, #tpu.memory_space<semaphore_mem>>)
    %dma_start3A_12 = arith.constant 0 : i32
    %dma_start3A_13 = arith.constant 0 : i32
    %dma_start3A_14 = arith.constant 0 : i32
    %dma_start3A_15 = tpu.memref_slice %arg11[%dma_start3A_12, %dma_start3A_13, %dma_start3A_14] : memref<2x32x512xf32, #tpu.memory_space<vmem>> -> memref<1x32x512xf32, #tpu.memory_space<vmem>>
    %dma_start3A_16 = tpu.memref_squeeze %dma_start3A_15 : memref<1x32x512xf32, #tpu.memory_space<vmem>> -> memref<32x512xf32, #tpu.memory_space<vmem>>
    %dma_start3A_17 = arith.constant 0 : i32
    %dma_start3A_18 = tpu.memref_slice %arg8[%dma_start3A_17] : memref<640xi32, #tpu.memory_space<vmem>> -> memref<32xi32, #tpu.memory_space<vmem>>
    %dma_start3A_19 = arith.constant 0 : i32
    %dma_start3A_20 = arith.constant 0 : i32
    %dma_start3A_21 = tpu.memref_slice %arg2[%dma_start3A_19, %dma_start3A_20] : memref<32768x512xf32, #tpu.memory_space<hbm>> -> memref<32768x512xf32, #tpu.memory_space<hbm>>
    tpu.enqueue_indirect_dma source(%dma_start3A_21 : memref<32768x512xf32, #tpu.memory_space<hbm>>) target(%dma_start3A_16 : memref<32x512xf32, #tpu.memory_space<vmem>>) offsets(%dma_start3A_18 : memref<32xi32, #tpu.memory_space<vmem>>) semaphore(%arg14 : memref<!tpu.dma_semaphore, #tpu.memory_space<semaphore_mem>>)
    %add3A_22 = arith.constant 0 : i32
    %add3A_23 = arith.addi %mul3A_2, %add3A_22 : i32
    %dma_start3A_24 = arith.constant 0 : i32
    %dma_start3A_25 = arith.constant 0 : i32
    %dma_start3A_26 = arith.constant 0 : i32
    %dma_start3A_27 = tpu.memref_slice %arg9[%dma_start3A_24, %dma_start3A_25, %dma_start3A_26] : memref<2x32x32xf32, #tpu.memory_space<vmem>> -> memref<1x32x32xf32, #tpu.memory_space<vmem>>
    %dma_start3A_28 = tpu.memref_squeeze %dma_start3A_27 : memref<1x32x32xf32, #tpu.memory_space<vmem>> -> memref<32x32xf32, #tpu.memory_space<vmem>>
    %dma_start3A_29 = arith.constant 0 : i32
    %dma_start3A_30 = tpu.memref_slice %arg5[%add3A_23, %dma_start3A_29] : memref<20480x32xf32, #tpu.memory_space<hbm>> -> memref<32x32xf32, #tpu.memory_space<hbm>>
    %dma_start3A_31 = arith.constant 0 : i32
    %dma_start3A_32 = arith.constant 0 : i32
    %dma_start3A_33 = tpu.memref_slice %arg9[%dma_start3A_24, %dma_start3A_31, %dma_start3A_32] : memref<2x32x32xf32, #tpu.memory_space<vmem>> -> memref<1x32x32xf32, #tpu.memory_space<vmem>>
    %dma_start3A_34 = tpu.memref_squeeze %dma_start3A_33 : memref<1x32x32xf32, #tpu.memory_space<vmem>> -> memref<32x32xf32, #tpu.memory_space<vmem>>
    %dma_start3A_35 = arith.constant 0 : i32
    %dma_start3A_36 = tpu.memref_slice %arg5[%add3A_23, %dma_start3A_35] : memref<20480x32xf32, #tpu.memory_space<hbm>> -> memref<32x32xf32, #tpu.memory_space<hbm>>
    tpu.enqueue_dma source(%dma_start3A_36 : memref<32x32xf32, #tpu.memory_space<hbm>>) target(%dma_start3A_34 : memref<32x32xf32, #tpu.memory_space<vmem>>) target_semaphore(%arg19 : memref<!tpu.dma_semaphore, #tpu.memory_space<semaphore_mem>>)
    %scan3A = arith.constant 0 : i32
    %scan3A_37 = arith.constant 0 : i32
    %scan3A_38 = arith.constant 10 : i32
    %scan3A_39 = arith.addi %scan3A_37, %scan3A_38 : i32
    %scan3A_40 = arith.constant 1 : i32
    scf.for %scan3A_71 = %scan3A_37 to %scan3A_39 step %scan3A_40  : i32 {
      %mul3A_72 = arith.constant 2 : i32
      %mul3A_73 = arith.muli %mul3A_72, %scan3A_71 : i32
      %mul3A_74 = arith.constant 32 : i32
      %mul3A_75 = arith.muli %mul3A_73, %mul3A_74 : i32
      %add3A_76 = arith.constant 32 : i32
      %add3A_77 = arith.addi %mul3A_75, %add3A_76 : i32
      %dma_start3A_78 = arith.constant 1 : i32
      %dma_start3A_79 = arith.constant 0 : i32
      %dma_start3A_80 = arith.constant 0 : i32
      %dma_start3A_81 = tpu.memref_slice %arg10[%dma_start3A_78, %dma_start3A_79, %dma_start3A_80] : memref<2x32x512xf32, #tpu.memory_space<vmem>> -> memref<1x32x512xf32, #tpu.memory_space<vmem>>
      %dma_start3A_82 = tpu.memref_squeeze %dma_start3A_81 : memref<1x32x512xf32, #tpu.memory_space<vmem>> -> memref<32x512xf32, #tpu.memory_space<vmem>>
      %dma_start3A_83 = tpu.memref_slice %arg7[%add3A_77] : memref<640xi32, #tpu.memory_space<vmem>> -> memref<32xi32, #tpu.memory_space<vmem>>
      %dma_start3A_84 = arith.constant 0 : i32
      %dma_start3A_85 = arith.constant 0 : i32
      %dma_start3A_86 = tpu.memref_slice %arg2[%dma_start3A_84, %dma_start3A_85] : memref<32768x512xf32, #tpu.memory_space<hbm>> -> memref<32768x512xf32, #tpu.memory_space<hbm>>
      tpu.enqueue_indirect_dma source(%dma_start3A_86 : memref<32768x512xf32, #tpu.memory_space<hbm>>) target(%dma_start3A_82 : memref<32x512xf32, #tpu.memory_space<vmem>>) offsets(%dma_start3A_83 : memref<32xi32, #tpu.memory_space<vmem>>) semaphore(%arg15 : memref<!tpu.dma_semaphore, #tpu.memory_space<semaphore_mem>>)
      %dma_start3A_87 = arith.constant 1 : i32
      %dma_start3A_88 = arith.constant 0 : i32
      %dma_start3A_89 = arith.constant 0 : i32
      %dma_start3A_90 = tpu.memref_slice %arg11[%dma_start3A_87, %dma_start3A_88, %dma_start3A_89] : memref<2x32x512xf32, #tpu.memory_space<vmem>> -> memref<1x32x512xf32, #tpu.memory_space<vmem>>
      %dma_start3A_91 = tpu.memref_squeeze %dma_start3A_90 : memref<1x32x512xf32, #tpu.memory_space<vmem>> -> memref<32x512xf32, #tpu.memory_space<vmem>>
      %dma_start3A_92 = tpu.memref_slice %arg8[%add3A_77] : memref<640xi32, #tpu.memory_space<vmem>> -> memref<32xi32, #tpu.memory_space<vmem>>
      %dma_start3A_93 = arith.constant 0 : i32
      %dma_start3A_94 = arith.constant 0 : i32
      %dma_start3A_95 = tpu.memref_slice %arg2[%dma_start3A_93, %dma_start3A_94] : memref<32768x512xf32, #tpu.memory_space<hbm>> -> memref<32768x512xf32, #tpu.memory_space<hbm>>
      tpu.enqueue_indirect_dma source(%dma_start3A_95 : memref<32768x512xf32, #tpu.memory_space<hbm>>) target(%dma_start3A_91 : memref<32x512xf32, #tpu.memory_space<vmem>>) offsets(%dma_start3A_92 : memref<32xi32, #tpu.memory_space<vmem>>) semaphore(%arg16 : memref<!tpu.dma_semaphore, #tpu.memory_space<semaphore_mem>>)
      %add3A_96 = arith.addi %mul3A_2, %add3A_77 : i32
      %dma_start3A_97 = arith.constant 1 : i32
      %dma_start3A_98 = arith.constant 0 : i32
      %dma_start3A_99 = arith.constant 0 : i32
      %dma_start3A_100 = tpu.memref_slice %arg9[%dma_start3A_97, %dma_start3A_98, %dma_start3A_99] : memref<2x32x32xf32, #tpu.memory_space<vmem>> -> memref<1x32x32xf32, #tpu.memory_space<vmem>>
      %dma_start3A_101 = tpu.memref_squeeze %dma_start3A_100 : memref<1x32x32xf32, #tpu.memory_space<vmem>> -> memref<32x32xf32, #tpu.memory_space<vmem>>
      %dma_start3A_102 = arith.constant 0 : i32
      %dma_start3A_103 = tpu.memref_slice %arg5[%add3A_96, %dma_start3A_102] : memref<20480x32xf32, #tpu.memory_space<hbm>> -> memref<32x32xf32, #tpu.memory_space<hbm>>
      %dma_start3A_104 = arith.constant 0 : i32
      %dma_start3A_105 = arith.constant 0 : i32
      %dma_start3A_106 = tpu.memref_slice %arg9[%dma_start3A_97, %dma_start3A_104, %dma_start3A_105] : memref<2x32x32xf32, #tpu.memory_space<vmem>> -> memref<1x32x32xf32, #tpu.memory_space<vmem>>
      %dma_start3A_107 = tpu.memref_squeeze %dma_start3A_106 : memref<1x32x32xf32, #tpu.memory_space<vmem>> -> memref<32x32xf32, #tpu.memory_space<vmem>>
      %dma_start3A_108 = arith.constant 0 : i32
      %dma_start3A_109 = tpu.memref_slice %arg5[%add3A_96, %dma_start3A_108] : memref<20480x32xf32, #tpu.memory_space<hbm>> -> memref<32x32xf32, #tpu.memory_space<hbm>>
      tpu.enqueue_dma source(%dma_start3A_109 : memref<32x32xf32, #tpu.memory_space<hbm>>) target(%dma_start3A_107 : memref<32x32xf32, #tpu.memory_space<vmem>>) target_semaphore(%arg20 : memref<!tpu.dma_semaphore, #tpu.memory_space<semaphore_mem>>)
      %eq3A = arith.constant 0 : i32
      %eq3A_110 = arith.cmpi eq, %scan3A_71, %eq3A : i32
      %dma_wait3A_111 = arith.constant 0 : i32
      %dma_wait3A_112 = arith.constant 0 : i32
      %dma_wait3A_113 = arith.constant 0 : i32
      %dma_wait3A_114 = tpu.memref_slice %arg10[%dma_wait3A_111, %dma_wait3A_112, %dma_wait3A_113] : memref<2x32x512xf32, #tpu.memory_space<vmem>> -> memref<1x32x512xf32, #tpu.memory_space<vmem>>
      %dma_wait3A_115 = tpu.memref_squeeze %dma_wait3A_114 : memref<1x32x512xf32, #tpu.memory_space<vmem>> -> memref<32x512xf32, #tpu.memory_space<vmem>>
      %dma_wait3A_116 = arith.constant 0 : i32
      %dma_wait3A_117 = arith.constant 0 : i32
      %dma_wait3A_118 = tpu.memref_slice %arg2[%dma_wait3A_116, %dma_wait3A_117] : memref<32768x512xf32, #tpu.memory_space<hbm>> -> memref<32x512xf32, #tpu.memory_space<hbm>>
      %dma_wait3A_119 = arith.constant 0 : i32
      %dma_wait3A_120 = arith.constant 0 : i32
      %dma_wait3A_121 = tpu.memref_slice %arg10[%dma_wait3A_111, %dma_wait3A_119, %dma_wait3A_120] : memref<2x32x512xf32, #tpu.memory_space<vmem>> -> memref<1x32x512xf32, #tpu.memory_space<vmem>>
      %dma_wait3A_122 = tpu.memref_squeeze %dma_wait3A_121 : memref<1x32x512xf32, #tpu.memory_space<vmem>> -> memref<32x512xf32, #tpu.memory_space<vmem>>
      %dma_wait3A_123 = arith.constant 0 : i32
      %dma_wait3A_124 = arith.constant 0 : i32
      %dma_wait3A_125 = tpu.memref_slice %arg2[%dma_wait3A_123, %dma_wait3A_124] : memref<32768x512xf32, #tpu.memory_space<hbm>> -> memref<32x512xf32, #tpu.memory_space<hbm>>
      tpu.wait_dma2 semaphore(%arg13 : memref<!tpu.dma_semaphore, #tpu.memory_space<semaphore_mem>>) src(%dma_wait3A_125 : memref<32x512xf32, #tpu.memory_space<hbm>>) dst(%dma_wait3A_122 : memref<32x512xf32, #tpu.memory_space<vmem>>)
      %dma_wait3A_126 = arith.constant 0 : i32
      %dma_wait3A_127 = arith.constant 0 : i32
      %dma_wait3A_128 = arith.constant 0 : i32
      %dma_wait3A_129 = tpu.memref_slice %arg11[%dma_wait3A_126, %dma_wait3A_127, %dma_wait3A_128] : memref<2x32x512xf32, #tpu.memory_space<vmem>> -> memref<1x32x512xf32, #tpu.memory_space<vmem>>
      %dma_wait3A_130 = tpu.memref_squeeze %dma_wait3A_129 : memref<1x32x512xf32, #tpu.memory_space<vmem>> -> memref<32x512xf32, #tpu.memory_space<vmem>>
      %dma_wait3A_131 = arith.constant 0 : i32
      %dma_wait3A_132 = arith.constant 0 : i32
      %dma_wait3A_133 = tpu.memref_slice %arg2[%dma_wait3A_131, %dma_wait3A_132] : memref<32768x512xf32, #tpu.memory_space<hbm>> -> memref<32x512xf32, #tpu.memory_space<hbm>>
      %dma_wait3A_134 = arith.constant 0 : i32
      %dma_wait3A_135 = arith.constant 0 : i32
      %dma_wait3A_136 = tpu.memref_slice %arg11[%dma_wait3A_126, %dma_wait3A_134, %dma_wait3A_135] : memref<2x32x512xf32, #tpu.memory_space<vmem>> -> memref<1x32x512xf32, #tpu.memory_space<vmem>>
      %dma_wait3A_137 = tpu.memref_squeeze %dma_wait3A_136 : memref<1x32x512xf32, #tpu.memory_space<vmem>> -> memref<32x512xf32, #tpu.memory_space<vmem>>
      %dma_wait3A_138 = arith.constant 0 : i32
      %dma_wait3A_139 = arith.constant 0 : i32
      %dma_wait3A_140 = tpu.memref_slice %arg2[%dma_wait3A_138, %dma_wait3A_139] : memref<32768x512xf32, #tpu.memory_space<hbm>> -> memref<32x512xf32, #tpu.memory_space<hbm>>
      tpu.wait_dma2 semaphore(%arg14 : memref<!tpu.dma_semaphore, #tpu.memory_space<semaphore_mem>>) src(%dma_wait3A_140 : memref<32x512xf32, #tpu.memory_space<hbm>>) dst(%dma_wait3A_137 : memref<32x512xf32, #tpu.memory_space<vmem>>)
      %dma_wait3A_141 = arith.constant 0 : i32
      %dma_wait3A_142 = arith.constant 0 : i32
      %dma_wait3A_143 = arith.constant 0 : i32
      %dma_wait3A_144 = tpu.memref_slice %arg9[%dma_wait3A_141, %dma_wait3A_142, %dma_wait3A_143] : memref<2x32x32xf32, #tpu.memory_space<vmem>> -> memref<1x32x32xf32, #tpu.memory_space<vmem>>
      %dma_wait3A_145 = tpu.memref_squeeze %dma_wait3A_144 : memref<1x32x32xf32, #tpu.memory_space<vmem>> -> memref<32x32xf32, #tpu.memory_space<vmem>>
      %dma_wait3A_146 = arith.constant 0 : i32
      %dma_wait3A_147 = arith.constant 0 : i32
      %dma_wait3A_148 = tpu.memref_slice %arg5[%dma_wait3A_146, %dma_wait3A_147] : memref<20480x32xf32, #tpu.memory_space<hbm>> -> memref<32x32xf32, #tpu.memory_space<hbm>>
      %dma_wait3A_149 = arith.constant 0 : i32
      %dma_wait3A_150 = arith.constant 0 : i32
      %dma_wait3A_151 = tpu.memref_slice %arg9[%dma_wait3A_141, %dma_wait3A_149, %dma_wait3A_150] : memref<2x32x32xf32, #tpu.memory_space<vmem>> -> memref<1x32x32xf32, #tpu.memory_space<vmem>>
      %dma_wait3A_152 = tpu.memref_squeeze %dma_wait3A_151 : memref<1x32x32xf32, #tpu.memory_space<vmem>> -> memref<32x32xf32, #tpu.memory_space<vmem>>
      %dma_wait3A_153 = arith.constant 0 : i32
      %dma_wait3A_154 = arith.constant 0 : i32
      %dma_wait3A_155 = tpu.memref_slice %arg5[%dma_wait3A_153, %dma_wait3A_154] : memref<20480x32xf32, #tpu.memory_space<hbm>> -> memref<32x32xf32, #tpu.memory_space<hbm>>
      tpu.wait_dma2 semaphore(%arg19 : memref<!tpu.dma_semaphore, #tpu.memory_space<semaphore_mem>>) src(%dma_wait3A_155 : memref<32x32xf32, #tpu.memory_space<hbm>>) dst(%dma_wait3A_152 : memref<32x32xf32, #tpu.memory_space<vmem>>)
      %not3A = arith.constant true
      %not3A_156 = arith.xori %eq3A_110, %not3A : i1
      %convert_element_type3A = arith.extui %not3A_156 : i1 to i32
      %cond3A = arith.constant 0 : i32
      %cond3A_157 = arith.cmpi ne, %convert_element_type3A, %cond3A : i32
      scf.if %cond3A_157 {
        %dma_wait3A_258 = arith.constant 0 : i32
        %dma_wait3A_259 = arith.constant 0 : i32
        %dma_wait3A_260 = arith.constant 0 : i32
        %dma_wait3A_261 = tpu.memref_slice %arg12[%dma_wait3A_258, %dma_wait3A_259, %dma_wait3A_260] : memref<2x32x512xf32, #tpu.memory_space<vmem>> -> memref<1x32x512xf32, #tpu.memory_space<vmem>>
        %dma_wait3A_262 = tpu.memref_squeeze %dma_wait3A_261 : memref<1x32x512xf32, #tpu.memory_space<vmem>> -> memref<32x512xf32, #tpu.memory_space<vmem>>
        %dma_wait3A_263 = arith.constant 0 : i32
        %dma_wait3A_264 = arith.constant 0 : i32
        %dma_wait3A_265 = tpu.memref_slice %arg6[%dma_wait3A_263, %dma_wait3A_264] : memref<32768x512xf32, #tpu.memory_space<hbm>> -> memref<32x512xf32, #tpu.memory_space<hbm>>
        %dma_wait3A_266 = arith.constant 0 : i32
        %dma_wait3A_267 = arith.constant 0 : i32
        %dma_wait3A_268 = tpu.memref_slice %arg6[%dma_wait3A_266, %dma_wait3A_267] : memref<32768x512xf32, #tpu.memory_space<hbm>> -> memref<32x512xf32, #tpu.memory_space<hbm>>
        %dma_wait3A_269 = arith.constant 0 : i32
        %dma_wait3A_270 = arith.constant 0 : i32
        %dma_wait3A_271 = tpu.memref_slice %arg12[%dma_wait3A_258, %dma_wait3A_269, %dma_wait3A_270] : memref<2x32x512xf32, #tpu.memory_space<vmem>> -> memref<1x32x512xf32, #tpu.memory_space<vmem>>
        %dma_wait3A_272 = tpu.memref_squeeze %dma_wait3A_271 : memref<1x32x512xf32, #tpu.memory_space<vmem>> -> memref<32x512xf32, #tpu.memory_space<vmem>>
        tpu.wait_dma2 semaphore(%arg17 : memref<!tpu.dma_semaphore, #tpu.memory_space<semaphore_mem>>) src(%dma_wait3A_272 : memref<32x512xf32, #tpu.memory_space<vmem>>) dst(%dma_wait3A_268 : memref<32x512xf32, #tpu.memory_space<hbm>>)
      } else {
      }
      %scan3A_158 = arith.constant 0 : i32
      %scan3A_159 = arith.constant 0 : i32
      %scan3A_160 = arith.constant 32 : i32
      %scan3A_161 = arith.addi %scan3A_159, %scan3A_160 : i32
      %scan3A_162 = arith.constant 1 : i32
      scf.for %scan3A_258 = %scan3A_159 to %scan3A_161 step %scan3A_162  : i32 {
        %get3A = arith.constant 0 : i32
        %get3A_259 = arith.index_cast %get3A : i32 to index
        %get3A_260 = arith.index_cast %scan3A_258 : i32 to index
        %get3A_261 = arith.constant 0 : index
        %get3A_262 = tpu.vector_load %arg9[%get3A_259, %get3A_260, %get3A_261] {strides = array<i32>} : memref<2x32x32xf32, #tpu.memory_space<vmem>>, vector<1x1x16xf32>,
        %get3A_263 = vector.shape_cast %get3A_262 : vector<1x1x16xf32> to vector<16xf32>
        %get3A_264 = arith.constant 0 : i32
        %get3A_265 = arith.index_cast %get3A_264 : i32 to index
        %get3A_266 = arith.index_cast %scan3A_258 : i32 to index
        %get3A_267 = arith.constant 16 : index
        %get3A_268 = tpu.vector_load %arg9[%get3A_265, %get3A_266, %get3A_267] {strides = array<i32>} : memref<2x32x32xf32, #tpu.memory_space<vmem>>, vector<1x1x16xf32>,
        %get3A_269 = vector.shape_cast %get3A_268 : vector<1x1x16xf32> to vector<16xf32>
        %get3A_270 = arith.constant 0 : i32
        %get3A_271 = arith.index_cast %get3A_270 : i32 to index
        %get3A_272 = arith.index_cast %scan3A_258 : i32 to index
        %get3A_273 = arith.constant 0 : index
        %get3A_274 = tpu.vector_load %arg10[%get3A_271, %get3A_272, %get3A_273] {strides = array<i32>} : memref<2x32x512xf32, #tpu.memory_space<vmem>>, vector<1x1x16xf32>,
        %get3A_275 = vector.shape_cast %get3A_274 : vector<1x1x16xf32> to vector<16xf32>
        %get3A_276 = arith.constant 0 : i32
        %get3A_277 = arith.index_cast %get3A_276 : i32 to index
        %get3A_278 = arith.index_cast %scan3A_258 : i32 to index
        %get3A_279 = arith.constant 0 : index
        %get3A_280 = tpu.vector_load %arg11[%get3A_277, %get3A_278, %get3A_279] {strides = array<i32>} : memref<2x32x512xf32, #tpu.memory_space<vmem>>, vector<1x1x16xf32>,
        %get3A_281 = vector.shape_cast %get3A_280 : vector<1x1x16xf32> to vector<16xf32>
        %mul3A_282 = arith.mulf %get3A_263, %get3A_275 : vector<16xf32>
        %mul3A_283 = arith.mulf %get3A_269, %get3A_281 : vector<16xf32>
        %add3A_284 = arith.addf %mul3A_282, %mul3A_283 : vector<16xf32>
        %swap3A = arith.constant 0 : i32
        %swap3A_285 = arith.index_cast %swap3A : i32 to index
        %swap3A_286 = arith.index_cast %scan3A_258 : i32 to index
        %swap3A_287 = arith.constant 0 : index
        %swap3A_288 = tpu.vector_load %arg12[%swap3A_285, %swap3A_286, %swap3A_287] {strides = array<i32>} : memref<2x32x512xf32, #tpu.memory_space<vmem>>, vector<1x1x16xf32>,
        %swap3A_289 = vector.shape_cast %swap3A_288 : vector<1x1x16xf32> to vector<16xf32>
        %swap3A_290 = vector.shape_cast %add3A_284 : vector<16xf32> to vector<1x1x16xf32>
        tpu.vector_store %arg12[%swap3A_285, %swap3A_286, %swap3A_287], %swap3A_290 {strides = array<i32>} : memref<2x32x512xf32, #tpu.memory_space<vmem>>, vector<1x1x16xf32>,
        %get3A_291 = arith.constant 0 : i32
        %get3A_292 = arith.index_cast %get3A_291 : i32 to index
        %get3A_293 = arith.index_cast %scan3A_258 : i32 to index
        %get3A_294 = arith.constant 16 : index
        %get3A_295 = tpu.vector_load %arg10[%get3A_292, %get3A_293, %get3A_294] {strides = array<i32>} : memref<2x32x512xf32, #tpu.memory_space<vmem>>, vector<1x1x16xf32>,
        %get3A_296 = vector.shape_cast %get3A_295 : vector<1x1x16xf32> to vector<16xf32>
        %get3A_297 = arith.constant 0 : i32
        %get3A_298 = arith.index_cast %get3A_297 : i32 to index
        %get3A_299 = arith.index_cast %scan3A_258 : i32 to index
        %get3A_300 = arith.constant 16 : index
        %get3A_301 = tpu.vector_load %arg11[%get3A_298, %get3A_299, %get3A_300] {strides = array<i32>} : memref<2x32x512xf32, #tpu.memory_space<vmem>>, vector<1x1x16xf32>,
        %get3A_302 = vector.shape_cast %get3A_301 : vector<1x1x16xf32> to vector<16xf32>
        %mul3A_303 = arith.mulf %get3A_263, %get3A_296 : vector<16xf32>
        %mul3A_304 = arith.mulf %get3A_269, %get3A_302 : vector<16xf32>
        %add3A_305 = arith.addf %mul3A_303, %mul3A_304 : vector<16xf32>
        %swap3A_306 = arith.constant 0 : i32
        %swap3A_307 = arith.index_cast %swap3A_306 : i32 to index
        %swap3A_308 = arith.index_cast %scan3A_258 : i32 to index
        %swap3A_309 = arith.constant 16 : index
        %swap3A_310 = tpu.vector_load %arg12[%swap3A_307, %swap3A_308, %swap3A_309] {strides = array<i32>} : memref<2x32x512xf32, #tpu.memory_space<vmem>>, vector<1x1x16xf32>,
        %swap3A_311 = vector.shape_cast %swap3A_310 : vector<1x1x16xf32> to vector<16xf32>
        %swap3A_312 = vector.shape_cast %add3A_305 : vector<16xf32> to vector<1x1x16xf32>
        tpu.vector_store %arg12[%swap3A_307, %swap3A_308, %swap3A_309], %swap3A_312 {strides = array<i32>} : memref<2x32x512xf32, #tpu.memory_space<vmem>>, vector<1x1x16xf32>,
        %get3A_313 = arith.constant 0 : i32
        %get3A_314 = arith.index_cast %get3A_313 : i32 to index
        %get3A_315 = arith.index_cast %scan3A_258 : i32 to index
        %get3A_316 = arith.constant 32 : index
        %get3A_317 = tpu.vector_load %arg10[%get3A_314, %get3A_315, %get3A_316] {strides = array<i32>} : memref<2x32x512xf32, #tpu.memory_space<vmem>>, vector<1x1x16xf32>,
        %get3A_318 = vector.shape_cast %get3A_317 : vector<1x1x16xf32> to vector<16xf32>
        %get3A_319 = arith.constant 0 : i32
        %get3A_320 = arith.index_cast %get3A_319 : i32 to index
        %get3A_321 = arith.index_cast %scan3A_258 : i32 to index
        %get3A_322 = arith.constant 32 : index
        %get3A_323 = tpu.vector_load %arg11[%get3A_320, %get3A_321, %get3A_322] {strides = array<i32>} : memref<2x32x512xf32, #tpu.memory_space<vmem>>, vector<1x1x16xf32>,
        %get3A_324 = vector.shape_cast %get3A_323 : vector<1x1x16xf32> to vector<16xf32>
        %mul3A_325 = arith.mulf %get3A_263, %get3A_318 : vector<16xf32>
        %mul3A_326 = arith.mulf %get3A_269, %get3A_324 : vector<16xf32>
        %add3A_327 = arith.addf %mul3A_325, %mul3A_326 : vector<16xf32>
        %swap3A_328 = arith.constant 0 : i32
        %swap3A_329 = arith.index_cast %swap3A_328 : i32 to index
        %swap3A_330 = arith.index_cast %scan3A_258 : i32 to index
        %swap3A_331 = arith.constant 32 : index
        %swap3A_332 = tpu.vector_load %arg12[%swap3A_329, %swap3A_330, %swap3A_331] {strides = array<i32>} : memref<2x32x512xf32, #tpu.memory_space<vmem>>, vector<1x1x16xf32>,
        %swap3A_333 = vector.shape_cast %swap3A_332 : vector<1x1x16xf32> to vector<16xf32>
        %swap3A_334 = vector.shape_cast %add3A_327 : vector<16xf32> to vector<1x1x16xf32>
        tpu.vector_store %arg12[%swap3A_329, %swap3A_330, %swap3A_331], %swap3A_334 {strides = array<i32>} : memref<2x32x512xf32, #tpu.memory_space<vmem>>, vector<1x1x16xf32>,
        %get3A_335 = arith.constant 0 : i32
        %get3A_336 = arith.index_cast %get3A_335 : i32 to index
        %get3A_337 = arith.index_cast %scan3A_258 : i32 to index
        %get3A_338 = arith.constant 48 : index
        %get3A_339 = tpu.vector_load %arg10[%get3A_336, %get3A_337, %get3A_338] {strides = array<i32>} : memref<2x32x512xf32, #tpu.memory_space<vmem>>, vector<1x1x16xf32>,
        %get3A_340 = vector.shape_cast %get3A_339 : vector<1x1x16xf32> to vector<16xf32>
        %get3A_341 = arith.constant 0 : i32
        %get3A_342 = arith.index_cast %get3A_341 : i32 to index
        %get3A_343 = arith.index_cast %scan3A_258 : i32 to index
        %get3A_344 = arith.constant 48 : index
        %get3A_345 = tpu.vector_load %arg11[%get3A_342, %get3A_343, %get3A_344] {strides = array<i32>} : memref<2x32x512xf32, #tpu.memory_space<vmem>>, vector<1x1x16xf32>,
        %get3A_346 = vector.shape_cast %get3A_345 : vector<1x1x16xf32> to vector<16xf32>
        %mul3A_347 = arith.mulf %get3A_263, %get3A_340 : vector<16xf32>
        %mul3A_348 = arith.mulf %get3A_269, %get3A_346 : vector<16xf32>
        %add3A_349 = arith.addf %mul3A_347, %mul3A_348 : vector<16xf32>
        %swap3A_350 = arith.constant 0 : i32
        %swap3A_351 = arith.index_cast %swap3A_350 : i32 to index
        %swap3A_352 = arith.index_cast %scan3A_258 : i32 to index
        %swap3A_353 = arith.constant 48 : index
        %swap3A_354 = tpu.vector_load %arg12[%swap3A_351, %swap3A_352, %swap3A_353] {strides = array<i32>} : memref<2x32x512xf32, #tpu.memory_space<vmem>>, vector<1x1x16xf32>,
        %swap3A_355 = vector.shape_cast %swap3A_354 : vector<1x1x16xf32> to vector<16xf32>
        %swap3A_356 = vector.shape_cast %add3A_349 : vector<16xf32> to vector<1x1x16xf32>
        tpu.vector_store %arg12[%swap3A_351, %swap3A_352, %swap3A_353], %swap3A_356 {strides = array<i32>} : memref<2x32x512xf32, #tpu.memory_space<vmem>>, vector<1x1x16xf32>,
        %get3A_357 = arith.constant 0 : i32
        %get3A_358 = arith.index_cast %get3A_357 : i32 to index
        %get3A_359 = arith.index_cast %scan3A_258 : i32 to index
        %get3A_360 = arith.constant 64 : index
        %get3A_361 = tpu.vector_load %arg10[%get3A_358, %get3A_359, %get3A_360] {strides = array<i32>} : memref<2x32x512xf32, #tpu.memory_space<vmem>>, vector<1x1x16xf32>,
        %get3A_362 = vector.shape_cast %get3A_361 : vector<1x1x16xf32> to vector<16xf32>
        %get3A_363 = arith.constant 0 : i32
        %get3A_364 = arith.index_cast %get3A_363 : i32 to index
        %get3A_365 = arith.index_cast %scan3A_258 : i32 to index
        %get3A_366 = arith.constant 64 : index
        %get3A_367 = tpu.vector_load %arg11[%get3A_364, %get3A_365, %get3A_366] {strides = array<i32>} : memref<2x32x512xf32, #tpu.memory_space<vmem>>, vector<1x1x16xf32>,
        %get3A_368 = vector.shape_cast %get3A_367 : vector<1x1x16xf32> to vector<16xf32>
        %mul3A_369 = arith.mulf %get3A_263, %get3A_362 : vector<16xf32>
        %mul3A_370 = arith.mulf %get3A_269, %get3A_368 : vector<16xf32>
        %add3A_371 = arith.addf %mul3A_369, %mul3A_370 : vector<16xf32>
        %swap3A_372 = arith.constant 0 : i32
        %swap3A_373 = arith.index_cast %swap3A_372 : i32 to index
        %swap3A_374 = arith.index_cast %scan3A_258 : i32 to index
        %swap3A_375 = arith.constant 64 : index
        %swap3A_376 = tpu.vector_load %arg12[%swap3A_373, %swap3A_374, %swap3A_375] {strides = array<i32>} : memref<2x32x512xf32, #tpu.memory_space<vmem>>, vector<1x1x16xf32>,
        %swap3A_377 = vector.shape_cast %swap3A_376 : vector<1x1x16xf32> to vector<16xf32>
        %swap3A_378 = vector.shape_cast %add3A_371 : vector<16xf32> to vector<1x1x16xf32>
        tpu.vector_store %arg12[%swap3A_373, %swap3A_374, %swap3A_375], %swap3A_378 {strides = array<i32>} : memref<2x32x512xf32, #tpu.memory_space<vmem>>, vector<1x1x16xf32>,
        %get3A_379 = arith.constant 0 : i32
        %get3A_380 = arith.index_cast %get3A_379 : i32 to index
        %get3A_381 = arith.index_cast %scan3A_258 : i32 to index
        %get3A_382 = arith.constant 80 : index
        %get3A_383 = tpu.vector_load %arg10[%get3A_380, %get3A_381, %get3A_382] {strides = array<i32>} : memref<2x32x512xf32, #tpu.memory_space<vmem>>, vector<1x1x16xf32>,
        %get3A_384 = vector.shape_cast %get3A_383 : vector<1x1x16xf32> to vector<16xf32>
        %get3A_385 = arith.constant 0 : i32
        %get3A_386 = arith.index_cast %get3A_385 : i32 to index
        %get3A_387 = arith.index_cast %scan3A_258 : i32 to index
        %get3A_388 = arith.constant 80 : index
        %get3A_389 = tpu.vector_load %arg11[%get3A_386, %get3A_387, %get3A_388] {strides = array<i32>} : memref<2x32x512xf32, #tpu.memory_space<vmem>>, vector<1x1x16xf32>,
        %get3A_390 = vector.shape_cast %get3A_389 : vector<1x1x16xf32> to vector<16xf32>
        %mul3A_391 = arith.mulf %get3A_263, %get3A_384 : vector<16xf32>
        %mul3A_392 = arith.mulf %get3A_269, %get3A_390 : vector<16xf32>
        %add3A_393 = arith.addf %mul3A_391, %mul3A_392 : vector<16xf32>
        %swap3A_394 = arith.constant 0 : i32
        %swap3A_395 = arith.index_cast %swap3A_394 : i32 to index
        %swap3A_396 = arith.index_cast %scan3A_258 : i32 to index
        %swap3A_397 = arith.constant 80 : index
        %swap3A_398 = tpu.vector_load %arg12[%swap3A_395, %swap3A_396, %swap3A_397] {strides = array<i32>} : memref<2x32x512xf32, #tpu.memory_space<vmem>>, vector<1x1x16xf32>,
        %swap3A_399 = vector.shape_cast %swap3A_398 : vector<1x1x16xf32> to vector<16xf32>
        %swap3A_400 = vector.shape_cast %add3A_393 : vector<16xf32> to vector<1x1x16xf32>
        tpu.vector_store %arg12[%swap3A_395, %swap3A_396, %swap3A_397], %swap3A_400 {strides = array<i32>} : memref<2x32x512xf32, #tpu.memory_space<vmem>>, vector<1x1x16xf32>,
        %get3A_401 = arith.constant 0 : i32
        %get3A_402 = arith.index_cast %get3A_401 : i32 to index
        %get3A_403 = arith.index_cast %scan3A_258 : i32 to index
        %get3A_404 = arith.constant 96 : index
        %get3A_405 = tpu.vector_load %arg10[%get3A_402, %get3A_403, %get3A_404] {strides = array<i32>} : memref<2x32x512xf32, #tpu.memory_space<vmem>>, vector<1x1x16xf32>,
        %get3A_406 = vector.shape_cast %get3A_405 : vector<1x1x16xf32> to vector<16xf32>
        %get3A_407 = arith.constant 0 : i32
        %get3A_408 = arith.index_cast %get3A_407 : i32 to index
        %get3A_409 = arith.index_cast %scan3A_258 : i32 to index
        %get3A_410 = arith.constant 96 : index
        %get3A_411 = tpu.vector_load %arg11[%get3A_408, %get3A_409, %get3A_410] {strides = array<i32>} : memref<2x32x512xf32, #tpu.memory_space<vmem>>, vector<1x1x16xf32>,
        %get3A_412 = vector.shape_cast %get3A_411 : vector<1x1x16xf32> to vector<16xf32>
        %mul3A_413 = arith.mulf %get3A_263, %get3A_406 : vector<16xf32>
        %mul3A_414 = arith.mulf %get3A_269, %get3A_412 : vector<16xf32>
        %add3A_415 = arith.addf %mul3A_413, %mul3A_414 : vector<16xf32>
        %swap3A_416 = arith.constant 0 : i32
        %swap3A_417 = arith.index_cast %swap3A_416 : i32 to index
        %swap3A_418 = arith.index_cast %scan3A_258 : i32 to index
        %swap3A_419 = arith.constant 96 : index
        %swap3A_420 = tpu.vector_load %arg12[%swap3A_417, %swap3A_418, %swap3A_419] {strides = array<i32>} : memref<2x32x512xf32, #tpu.memory_space<vmem>>, vector<1x1x16xf32>,
        %swap3A_421 = vector.shape_cast %swap3A_420 : vector<1x1x16xf32> to vector<16xf32>
        %swap3A_422 = vector.shape_cast %add3A_415 : vector<16xf32> to vector<1x1x16xf32>
        tpu.vector_store %arg12[%swap3A_417, %swap3A_418, %swap3A_419], %swap3A_422 {strides = array<i32>} : memref<2x32x512xf32, #tpu.memory_space<vmem>>, vector<1x1x16xf32>,
        %get3A_423 = arith.constant 0 : i32
        %get3A_424 = arith.index_cast %get3A_423 : i32 to index
        %get3A_425 = arith.index_cast %scan3A_258 : i32 to index
        %get3A_426 = arith.constant 112 : index
        %get3A_427 = tpu.vector_load %arg10[%get3A_424, %get3A_425, %get3A_426] {strides = array<i32>} : memref<2x32x512xf32, #tpu.memory_space<vmem>>, vector<1x1x16xf32>,
        %get3A_428 = vector.shape_cast %get3A_427 : vector<1x1x16xf32> to vector<16xf32>
        %get3A_429 = arith.constant 0 : i32
        %get3A_430 = arith.index_cast %get3A_429 : i32 to index
        %get3A_431 = arith.index_cast %scan3A_258 : i32 to index
        %get3A_432 = arith.constant 112 : index
        %get3A_433 = tpu.vector_load %arg11[%get3A_430, %get3A_431, %get3A_432] {strides = array<i32>} : memref<2x32x512xf32, #tpu.memory_space<vmem>>, vector<1x1x16xf32>,
        %get3A_434 = vector.shape_cast %get3A_433 : vector<1x1x16xf32> to vector<16xf32>
        %mul3A_435 = arith.mulf %get3A_263, %get3A_428 : vector<16xf32>
        %mul3A_436 = arith.mulf %get3A_269, %get3A_434 : vector<16xf32>
        %add3A_437 = arith.addf %mul3A_435, %mul3A_436 : vector<16xf32>
        %swap3A_438 = arith.constant 0 : i32
        %swap3A_439 = arith.index_cast %swap3A_438 : i32 to index
        %swap3A_440 = arith.index_cast %scan3A_258 : i32 to index
        %swap3A_441 = arith.constant 112 : index
        %swap3A_442 = tpu.vector_load %arg12[%swap3A_439, %swap3A_440, %swap3A_441] {strides = array<i32>} : memref<2x32x512xf32, #tpu.memory_space<vmem>>, vector<1x1x16xf32>,
        %swap3A_443 = vector.shape_cast %swap3A_442 : vector<1x1x16xf32> to vector<16xf32>
        %swap3A_444 = vector.shape_cast %add3A_437 : vector<16xf32> to vector<1x1x16xf32>
        tpu.vector_store %arg12[%swap3A_439, %swap3A_440, %swap3A_441], %swap3A_444 {strides = array<i32>} : memref<2x32x512xf32, #tpu.memory_space<vmem>>, vector<1x1x16xf32>,
        %get3A_445 = arith.constant 0 : i32
        %get3A_446 = arith.index_cast %get3A_445 : i32 to index
        %get3A_447 = arith.index_cast %scan3A_258 : i32 to index
        %get3A_448 = arith.constant 128 : index
        %get3A_449 = tpu.vector_load %arg10[%get3A_446, %get3A_447, %get3A_448] {strides = array<i32>} : memref<2x32x512xf32, #tpu.memory_space<vmem>>, vector<1x1x16xf32>,
        %get3A_450 = vector.shape_cast %get3A_449 : vector<1x1x16xf32> to vector<16xf32>
        %get3A_451 = arith.constant 0 : i32
        %get3A_452 = arith.index_cast %get3A_451 : i32 to index
        %get3A_453 = arith.index_cast %scan3A_258 : i32 to index
        %get3A_454 = arith.constant 128 : index
        %get3A_455 = tpu.vector_load %arg11[%get3A_452, %get3A_453, %get3A_454] {strides = array<i32>} : memref<2x32x512xf32, #tpu.memory_space<vmem>>, vector<1x1x16xf32>,
        %get3A_456 = vector.shape_cast %get3A_455 : vector<1x1x16xf32> to vector<16xf32>
        %mul3A_457 = arith.mulf %get3A_263, %get3A_450 : vector<16xf32>
        %mul3A_458 = arith.mulf %get3A_269, %get3A_456 : vector<16xf32>
        %add3A_459 = arith.addf %mul3A_457, %mul3A_458 : vector<16xf32>
        %swap3A_460 = arith.constant 0 : i32
        %swap3A_461 = arith.index_cast %swap3A_460 : i32 to index
        %swap3A_462 = arith.index_cast %scan3A_258 : i32 to index
        %swap3A_463 = arith.constant 128 : index
        %swap3A_464 = tpu.vector_load %arg12[%swap3A_461, %swap3A_462, %swap3A_463] {strides = array<i32>} : memref<2x32x512xf32, #tpu.memory_space<vmem>>, vector<1x1x16xf32>,
        %swap3A_465 = vector.shape_cast %swap3A_464 : vector<1x1x16xf32> to vector<16xf32>
        %swap3A_466 = vector.shape_cast %add3A_459 : vector<16xf32> to vector<1x1x16xf32>
        tpu.vector_store %arg12[%swap3A_461, %swap3A_462, %swap3A_463], %swap3A_466 {strides = array<i32>} : memref<2x32x512xf32, #tpu.memory_space<vmem>>, vector<1x1x16xf32>,
        %get3A_467 = arith.constant 0 : i32
        %get3A_468 = arith.index_cast %get3A_467 : i32 to index
        %get3A_469 = arith.index_cast %scan3A_258 : i32 to index
        %get3A_470 = arith.constant 144 : index
        %get3A_471 = tpu.vector_load %arg10[%get3A_468, %get3A_469, %get3A_470] {strides = array<i32>} : memref<2x32x512xf32, #tpu.memory_space<vmem>>, vector<1x1x16xf32>,
        %get3A_472 = vector.shape_cast %get3A_471 : vector<1x1x16xf32> to vector<16xf32>
        %get3A_473 = arith.constant 0 : i32
        %get3A_474 = arith.index_cast %get3A_473 : i32 to index
        %get3A_475 = arith.index_cast %scan3A_258 : i32 to index
        %get3A_476 = arith.constant 144 : index
        %get3A_477 = tpu.vector_load %arg11[%get3A_474, %get3A_475, %get3A_476] {strides = array<i32>} : memref<2x32x512xf32, #tpu.memory_space<vmem>>, vector<1x1x16xf32>,
        %get3A_478 = vector.shape_cast %get3A_477 : vector<1x1x16xf32> to vector<16xf32>
        %mul3A_479 = arith.mulf %get3A_263, %get3A_472 : vector<16xf32>
        %mul3A_480 = arith.mulf %get3A_269, %get3A_478 : vector<16xf32>
        %add3A_481 = arith.addf %mul3A_479, %mul3A_480 : vector<16xf32>
        %swap3A_482 = arith.constant 0 : i32
        %swap3A_483 = arith.index_cast %swap3A_482 : i32 to index
        %swap3A_484 = arith.index_cast %scan3A_258 : i32 to index
        %swap3A_485 = arith.constant 144 : index
        %swap3A_486 = tpu.vector_load %arg12[%swap3A_483, %swap3A_484, %swap3A_485] {strides = array<i32>} : memref<2x32x512xf32, #tpu.memory_space<vmem>>, vector<1x1x16xf32>,
        %swap3A_487 = vector.shape_cast %swap3A_486 : vector<1x1x16xf32> to vector<16xf32>
        %swap3A_488 = vector.shape_cast %add3A_481 : vector<16xf32> to vector<1x1x16xf32>
        tpu.vector_store %arg12[%swap3A_483, %swap3A_484, %swap3A_485], %swap3A_488 {strides = array<i32>} : memref<2x32x512xf32, #tpu.memory_space<vmem>>, vector<1x1x16xf32>,
        %get3A_489 = arith.constant 0 : i32
        %get3A_490 = arith.index_cast %get3A_489 : i32 to index
        %get3A_491 = arith.index_cast %scan3A_258 : i32 to index
        %get3A_492 = arith.constant 160 : index
        %get3A_493 = tpu.vector_load %arg10[%get3A_490, %get3A_491, %get3A_492] {strides = array<i32>} : memref<2x32x512xf32, #tpu.memory_space<vmem>>, vector<1x1x16xf32>,
        %get3A_494 = vector.shape_cast %get3A_493 : vector<1x1x16xf32> to vector<16xf32>
        %get3A_495 = arith.constant 0 : i32
        %get3A_496 = arith.index_cast %get3A_495 : i32 to index
        %get3A_497 = arith.index_cast %scan3A_258 : i32 to index
        %get3A_498 = arith.constant 160 : index
        %get3A_499 = tpu.vector_load %arg11[%get3A_496, %get3A_497, %get3A_498] {strides = array<i32>} : memref<2x32x512xf32, #tpu.memory_space<vmem>>, vector<1x1x16xf32>,
        %get3A_500 = vector.shape_cast %get3A_499 : vector<1x1x16xf32> to vector<16xf32>
        %mul3A_501 = arith.mulf %get3A_263, %get3A_494 : vector<16xf32>
        %mul3A_502 = arith.mulf %get3A_269, %get3A_500 : vector<16xf32>
        %add3A_503 = arith.addf %mul3A_501, %mul3A_502 : vector<16xf32>
        %swap3A_504 = arith.constant 0 : i32
        %swap3A_505 = arith.index_cast %swap3A_504 : i32 to index
        %swap3A_506 = arith.index_cast %scan3A_258 : i32 to index
        %swap3A_507 = arith.constant 160 : index
        %swap3A_508 = tpu.vector_load %arg12[%swap3A_505, %swap3A_506, %swap3A_507] {strides = array<i32>} : memref<2x32x512xf32, #tpu.memory_space<vmem>>, vector<1x1x16xf32>,
        %swap3A_509 = vector.shape_cast %swap3A_508 : vector<1x1x16xf32> to vector<16xf32>
        %swap3A_510 = vector.shape_cast %add3A_503 : vector<16xf32> to vector<1x1x16xf32>
        tpu.vector_store %arg12[%swap3A_505, %swap3A_506, %swap3A_507], %swap3A_510 {strides = array<i32>} : memref<2x32x512xf32, #tpu.memory_space<vmem>>, vector<1x1x16xf32>,
        %get3A_511 = arith.constant 0 : i32
        %get3A_512 = arith.index_cast %get3A_511 : i32 to index
        %get3A_513 = arith.index_cast %scan3A_258 : i32 to index
        %get3A_514 = arith.constant 176 : index
        %get3A_515 = tpu.vector_load %arg10[%get3A_512, %get3A_513, %get3A_514] {strides = array<i32>} : memref<2x32x512xf32, #tpu.memory_space<vmem>>, vector<1x1x16xf32>,
        %get3A_516 = vector.shape_cast %get3A_515 : vector<1x1x16xf32> to vector<16xf32>
        %get3A_517 = arith.constant 0 : i32
        %get3A_518 = arith.index_cast %get3A_517 : i32 to index
        %get3A_519 = arith.index_cast %scan3A_258 : i32 to index
        %get3A_520 = arith.constant 176 : index
        %get3A_521 = tpu.vector_load %arg11[%get3A_518, %get3A_519, %get3A_520] {strides = array<i32>} : memref<2x32x512xf32, #tpu.memory_space<vmem>>, vector<1x1x16xf32>,
        %get3A_522 = vector.shape_cast %get3A_521 : vector<1x1x16xf32> to vector<16xf32>
        %mul3A_523 = arith.mulf %get3A_263, %get3A_516 : vector<16xf32>
        %mul3A_524 = arith.mulf %get3A_269, %get3A_522 : vector<16xf32>
        %add3A_525 = arith.addf %mul3A_523, %mul3A_524 : vector<16xf32>
        %swap3A_526 = arith.constant 0 : i32
        %swap3A_527 = arith.index_cast %swap3A_526 : i32 to index
        %swap3A_528 = arith.index_cast %scan3A_258 : i32 to index
        %swap3A_529 = arith.constant 176 : index
        %swap3A_530 = tpu.vector_load %arg12[%swap3A_527, %swap3A_528, %swap3A_529] {strides = array<i32>} : memref<2x32x512xf32, #tpu.memory_space<vmem>>, vector<1x1x16xf32>,
        %swap3A_531 = vector.shape_cast %swap3A_530 : vector<1x1x16xf32> to vector<16xf32>
        %swap3A_532 = vector.shape_cast %add3A_525 : vector<16xf32> to vector<1x1x16xf32>
        tpu.vector_store %arg12[%swap3A_527, %swap3A_528, %swap3A_529], %swap3A_532 {strides = array<i32>} : memref<2x32x512xf32, #tpu.memory_space<vmem>>, vector<1x1x16xf32>,
        %get3A_533 = arith.constant 0 : i32
        %get3A_534 = arith.index_cast %get3A_533 : i32 to index
        %get3A_535 = arith.index_cast %scan3A_258 : i32 to index
        %get3A_536 = arith.constant 192 : index
        %get3A_537 = tpu.vector_load %arg10[%get3A_534, %get3A_535, %get3A_536] {strides = array<i32>} : memref<2x32x512xf32, #tpu.memory_space<vmem>>, vector<1x1x16xf32>,
        %get3A_538 = vector.shape_cast %get3A_537 : vector<1x1x16xf32> to vector<16xf32>
        %get3A_539 = arith.constant 0 : i32
        %get3A_540 = arith.index_cast %get3A_539 : i32 to index
        %get3A_541 = arith.index_cast %scan3A_258 : i32 to index
        %get3A_542 = arith.constant 192 : index
        %get3A_543 = tpu.vector_load %arg11[%get3A_540, %get3A_541, %get3A_542] {strides = array<i32>} : memref<2x32x512xf32, #tpu.memory_space<vmem>>, vector<1x1x16xf32>,
        %get3A_544 = vector.shape_cast %get3A_543 : vector<1x1x16xf32> to vector<16xf32>
        %mul3A_545 = arith.mulf %get3A_263, %get3A_538 : vector<16xf32>
        %mul3A_546 = arith.mulf %get3A_269, %get3A_544 : vector<16xf32>
        %add3A_547 = arith.addf %mul3A_545, %mul3A_546 : vector<16xf32>
        %swap3A_548 = arith.constant 0 : i32
        %swap3A_549 = arith.index_cast %swap3A_548 : i32 to index
        %swap3A_550 = arith.index_cast %scan3A_258 : i32 to index
        %swap3A_551 = arith.constant 192 : index
        %swap3A_552 = tpu.vector_load %arg12[%swap3A_549, %swap3A_550, %swap3A_551] {strides = array<i32>} : memref<2x32x512xf32, #tpu.memory_space<vmem>>, vector<1x1x16xf32>,
        %swap3A_553 = vector.shape_cast %swap3A_552 : vector<1x1x16xf32> to vector<16xf32>
        %swap3A_554 = vector.shape_cast %add3A_547 : vector<16xf32> to vector<1x1x16xf32>
        tpu.vector_store %arg12[%swap3A_549, %swap3A_550, %swap3A_551], %swap3A_554 {strides = array<i32>} : memref<2x32x512xf32, #tpu.memory_space<vmem>>, vector<1x1x16xf32>,
        %get3A_555 = arith.constant 0 : i32
        %get3A_556 = arith.index_cast %get3A_555 : i32 to index
        %get3A_557 = arith.index_cast %scan3A_258 : i32 to index
        %get3A_558 = arith.constant 208 : index
        %get3A_559 = tpu.vector_load %arg10[%get3A_556, %get3A_557, %get3A_558] {strides = array<i32>} : memref<2x32x512xf32, #tpu.memory_space<vmem>>, vector<1x1x16xf32>,
        %get3A_560 = vector.shape_cast %get3A_559 : vector<1x1x16xf32> to vector<16xf32>
        %get3A_561 = arith.constant 0 : i32
        %get3A_562 = arith.index_cast %get3A_561 : i32 to index
        %get3A_563 = arith.index_cast %scan3A_258 : i32 to index
        %get3A_564 = arith.constant 208 : index
        %get3A_565 = tpu.vector_load %arg11[%get3A_562, %get3A_563, %get3A_564] {strides = array<i32>} : memref<2x32x512xf32, #tpu.memory_space<vmem>>, vector<1x1x16xf32>,
        %get3A_566 = vector.shape_cast %get3A_565 : vector<1x1x16xf32> to vector<16xf32>
        %mul3A_567 = arith.mulf %get3A_263, %get3A_560 : vector<16xf32>
        %mul3A_568 = arith.mulf %get3A_269, %get3A_566 : vector<16xf32>
        %add3A_569 = arith.addf %mul3A_567, %mul3A_568 : vector<16xf32>
        %swap3A_570 = arith.constant 0 : i32
        %swap3A_571 = arith.index_cast %swap3A_570 : i32 to index
        %swap3A_572 = arith.index_cast %scan3A_258 : i32 to index
        %swap3A_573 = arith.constant 208 : index
        %swap3A_574 = tpu.vector_load %arg12[%swap3A_571, %swap3A_572, %swap3A_573] {strides = array<i32>} : memref<2x32x512xf32, #tpu.memory_space<vmem>>, vector<1x1x16xf32>,
        %swap3A_575 = vector.shape_cast %swap3A_574 : vector<1x1x16xf32> to vector<16xf32>
        %swap3A_576 = vector.shape_cast %add3A_569 : vector<16xf32> to vector<1x1x16xf32>
        tpu.vector_store %arg12[%swap3A_571, %swap3A_572, %swap3A_573], %swap3A_576 {strides = array<i32>} : memref<2x32x512xf32, #tpu.memory_space<vmem>>, vector<1x1x16xf32>,
        %get3A_577 = arith.constant 0 : i32
        %get3A_578 = arith.index_cast %get3A_577 : i32 to index
        %get3A_579 = arith.index_cast %scan3A_258 : i32 to index
        %get3A_580 = arith.constant 224 : index
        %get3A_581 = tpu.vector_load %arg10[%get3A_578, %get3A_579, %get3A_580] {strides = array<i32>} : memref<2x32x512xf32, #tpu.memory_space<vmem>>, vector<1x1x16xf32>,
        %get3A_582 = vector.shape_cast %get3A_581 : vector<1x1x16xf32> to vector<16xf32>
        %get3A_583 = arith.constant 0 : i32
        %get3A_584 = arith.index_cast %get3A_583 : i32 to index
        %get3A_585 = arith.index_cast %scan3A_258 : i32 to index
        %get3A_586 = arith.constant 224 : index
        %get3A_587 = tpu.vector_load %arg11[%get3A_584, %get3A_585, %get3A_586] {strides = array<i32>} : memref<2x32x512xf32, #tpu.memory_space<vmem>>, vector<1x1x16xf32>,
        %get3A_588 = vector.shape_cast %get3A_587 : vector<1x1x16xf32> to vector<16xf32>
        %mul3A_589 = arith.mulf %get3A_263, %get3A_582 : vector<16xf32>
        %mul3A_590 = arith.mulf %get3A_269, %get3A_588 : vector<16xf32>
        %add3A_591 = arith.addf %mul3A_589, %mul3A_590 : vector<16xf32>
        %swap3A_592 = arith.constant 0 : i32
        %swap3A_593 = arith.index_cast %swap3A_592 : i32 to index
        %swap3A_594 = arith.index_cast %scan3A_258 : i32 to index
        %swap3A_595 = arith.constant 224 : index
        %swap3A_596 = tpu.vector_load %arg12[%swap3A_593, %swap3A_594, %swap3A_595] {strides = array<i32>} : memref<2x32x512xf32, #tpu.memory_space<vmem>>, vector<1x1x16xf32>,
        %swap3A_597 = vector.shape_cast %swap3A_596 : vector<1x1x16xf32> to vector<16xf32>
        %swap3A_598 = vector.shape_cast %add3A_591 : vector<16xf32> to vector<1x1x16xf32>
        tpu.vector_store %arg12[%swap3A_593, %swap3A_594, %swap3A_595], %swap3A_598 {strides = array<i32>} : memref<2x32x512xf32, #tpu.memory_space<vmem>>, vector<1x1x16xf32>,
        %get3A_599 = arith.constant 0 : i32
        %get3A_600 = arith.index_cast %get3A_599 : i32 to index
        %get3A_601 = arith.index_cast %scan3A_258 : i32 to index
        %get3A_602 = arith.constant 240 : index
        %get3A_603 = tpu.vector_load %arg10[%get3A_600, %get3A_601, %get3A_602] {strides = array<i32>} : memref<2x32x512xf32, #tpu.memory_space<vmem>>, vector<1x1x16xf32>,
        %get3A_604 = vector.shape_cast %get3A_603 : vector<1x1x16xf32> to vector<16xf32>
        %get3A_605 = arith.constant 0 : i32
        %get3A_606 = arith.index_cast %get3A_605 : i32 to index
        %get3A_607 = arith.index_cast %scan3A_258 : i32 to index
        %get3A_608 = arith.constant 240 : index
        %get3A_609 = tpu.vector_load %arg11[%get3A_606, %get3A_607, %get3A_608] {strides = array<i32>} : memref<2x32x512xf32, #tpu.memory_space<vmem>>, vector<1x1x16xf32>,
        %get3A_610 = vector.shape_cast %get3A_609 : vector<1x1x16xf32> to vector<16xf32>
        %mul3A_611 = arith.mulf %get3A_263, %get3A_604 : vector<16xf32>
        %mul3A_612 = arith.mulf %get3A_269, %get3A_610 : vector<16xf32>
        %add3A_613 = arith.addf %mul3A_611, %mul3A_612 : vector<16xf32>
        %swap3A_614 = arith.constant 0 : i32
        %swap3A_615 = arith.index_cast %swap3A_614 : i32 to index
        %swap3A_616 = arith.index_cast %scan3A_258 : i32 to index
        %swap3A_617 = arith.constant 240 : index
        %swap3A_618 = tpu.vector_load %arg12[%swap3A_615, %swap3A_616, %swap3A_617] {strides = array<i32>} : memref<2x32x512xf32, #tpu.memory_space<vmem>>, vector<1x1x16xf32>,
        %swap3A_619 = vector.shape_cast %swap3A_618 : vector<1x1x16xf32> to vector<16xf32>
        %swap3A_620 = vector.shape_cast %add3A_613 : vector<16xf32> to vector<1x1x16xf32>
        tpu.vector_store %arg12[%swap3A_615, %swap3A_616, %swap3A_617], %swap3A_620 {strides = array<i32>} : memref<2x32x512xf32, #tpu.memory_space<vmem>>, vector<1x1x16xf32>,
        %get3A_621 = arith.constant 0 : i32
        %get3A_622 = arith.index_cast %get3A_621 : i32 to index
        %get3A_623 = arith.index_cast %scan3A_258 : i32 to index
        %get3A_624 = arith.constant 256 : index
        %get3A_625 = tpu.vector_load %arg10[%get3A_622, %get3A_623, %get3A_624] {strides = array<i32>} : memref<2x32x512xf32, #tpu.memory_space<vmem>>, vector<1x1x16xf32>,
        %get3A_626 = vector.shape_cast %get3A_625 : vector<1x1x16xf32> to vector<16xf32>
        %get3A_627 = arith.constant 0 : i32
        %get3A_628 = arith.index_cast %get3A_627 : i32 to index
        %get3A_629 = arith.index_cast %scan3A_258 : i32 to index
        %get3A_630 = arith.constant 256 : index
        %get3A_631 = tpu.vector_load %arg11[%get3A_628, %get3A_629, %get3A_630] {strides = array<i32>} : memref<2x32x512xf32, #tpu.memory_space<vmem>>, vector<1x1x16xf32>,
        %get3A_632 = vector.shape_cast %get3A_631 : vector<1x1x16xf32> to vector<16xf32>
        %mul3A_633 = arith.mulf %get3A_263, %get3A_626 : vector<16xf32>
        %mul3A_634 = arith.mulf %get3A_269, %get3A_632 : vector<16xf32>
        %add3A_635 = arith.addf %mul3A_633, %mul3A_634 : vector<16xf32>
        %swap3A_636 = arith.constant 0 : i32
        %swap3A_637 = arith.index_cast %swap3A_636 : i32 to index
        %swap3A_638 = arith.index_cast %scan3A_258 : i32 to index
        %swap3A_639 = arith.constant 256 : index
        %swap3A_640 = tpu.vector_load %arg12[%swap3A_637, %swap3A_638, %swap3A_639] {strides = array<i32>} : memref<2x32x512xf32, #tpu.memory_space<vmem>>, vector<1x1x16xf32>,
        %swap3A_641 = vector.shape_cast %swap3A_640 : vector<1x1x16xf32> to vector<16xf32>
        %swap3A_642 = vector.shape_cast %add3A_635 : vector<16xf32> to vector<1x1x16xf32>
        tpu.vector_store %arg12[%swap3A_637, %swap3A_638, %swap3A_639], %swap3A_642 {strides = array<i32>} : memref<2x32x512xf32, #tpu.memory_space<vmem>>, vector<1x1x16xf32>,
        %get3A_643 = arith.constant 0 : i32
        %get3A_644 = arith.index_cast %get3A_643 : i32 to index
        %get3A_645 = arith.index_cast %scan3A_258 : i32 to index
        %get3A_646 = arith.constant 272 : index
        %get3A_647 = tpu.vector_load %arg10[%get3A_644, %get3A_645, %get3A_646] {strides = array<i32>} : memref<2x32x512xf32, #tpu.memory_space<vmem>>, vector<1x1x16xf32>,
        %get3A_648 = vector.shape_cast %get3A_647 : vector<1x1x16xf32> to vector<16xf32>
        %get3A_649 = arith.constant 0 : i32
        %get3A_650 = arith.index_cast %get3A_649 : i32 to index
        %get3A_651 = arith.index_cast %scan3A_258 : i32 to index
        %get3A_652 = arith.constant 272 : index
        %get3A_653 = tpu.vector_load %arg11[%get3A_650, %get3A_651, %get3A_652] {strides = array<i32>} : memref<2x32x512xf32, #tpu.memory_space<vmem>>, vector<1x1x16xf32>,
        %get3A_654 = vector.shape_cast %get3A_653 : vector<1x1x16xf32> to vector<16xf32>
        %mul3A_655 = arith.mulf %get3A_263, %get3A_648 : vector<16xf32>
        %mul3A_656 = arith.mulf %get3A_269, %get3A_654 : vector<16xf32>
        %add3A_657 = arith.addf %mul3A_655, %mul3A_656 : vector<16xf32>
        %swap3A_658 = arith.constant 0 : i32
        %swap3A_659 = arith.index_cast %swap3A_658 : i32 to index
        %swap3A_660 = arith.index_cast %scan3A_258 : i32 to index
        %swap3A_661 = arith.constant 272 : index
        %swap3A_662 = tpu.vector_load %arg12[%swap3A_659, %swap3A_660, %swap3A_661] {strides = array<i32>} : memref<2x32x512xf32, #tpu.memory_space<vmem>>, vector<1x1x16xf32>,
        %swap3A_663 = vector.shape_cast %swap3A_662 : vector<1x1x16xf32> to vector<16xf32>
        %swap3A_664 = vector.shape_cast %add3A_657 : vector<16xf32> to vector<1x1x16xf32>
        tpu.vector_store %arg12[%swap3A_659, %swap3A_660, %swap3A_661], %swap3A_664 {strides = array<i32>} : memref<2x32x512xf32, #tpu.memory_space<vmem>>, vector<1x1x16xf32>,
        %get3A_665 = arith.constant 0 : i32
        %get3A_666 = arith.index_cast %get3A_665 : i32 to index
        %get3A_667 = arith.index_cast %scan3A_258 : i32 to index
        %get3A_668 = arith.constant 288 : index
        %get3A_669 = tpu.vector_load %arg10[%get3A_666, %get3A_667, %get3A_668] {strides = array<i32>} : memref<2x32x512xf32, #tpu.memory_space<vmem>>, vector<1x1x16xf32>,
        %get3A_670 = vector.shape_cast %get3A_669 : vector<1x1x16xf32> to vector<16xf32>
        %get3A_671 = arith.constant 0 : i32
        %get3A_672 = arith.index_cast %get3A_671 : i32 to index
        %get3A_673 = arith.index_cast %scan3A_258 : i32 to index
        %get3A_674 = arith.constant 288 : index
        %get3A_675 = tpu.vector_load %arg11[%get3A_672, %get3A_673, %get3A_674] {strides = array<i32>} : memref<2x32x512xf32, #tpu.memory_space<vmem>>, vector<1x1x16xf32>,
        %get3A_676 = vector.shape_cast %get3A_675 : vector<1x1x16xf32> to vector<16xf32>
        %mul3A_677 = arith.mulf %get3A_263, %get3A_670 : vector<16xf32>
        %mul3A_678 = arith.mulf %get3A_269, %get3A_676 : vector<16xf32>
        %add3A_679 = arith.addf %mul3A_677, %mul3A_678 : vector<16xf32>
        %swap3A_680 = arith.constant 0 : i32
        %swap3A_681 = arith.index_cast %swap3A_680 : i32 to index
        %swap3A_682 = arith.index_cast %scan3A_258 : i32 to index
        %swap3A_683 = arith.constant 288 : index
        %swap3A_684 = tpu.vector_load %arg12[%swap3A_681, %swap3A_682, %swap3A_683] {strides = array<i32>} : memref<2x32x512xf32, #tpu.memory_space<vmem>>, vector<1x1x16xf32>,
        %swap3A_685 = vector.shape_cast %swap3A_684 : vector<1x1x16xf32> to vector<16xf32>
        %swap3A_686 = vector.shape_cast %add3A_679 : vector<16xf32> to vector<1x1x16xf32>
        tpu.vector_store %arg12[%swap3A_681, %swap3A_682, %swap3A_683], %swap3A_686 {strides = array<i32>} : memref<2x32x512xf32, #tpu.memory_space<vmem>>, vector<1x1x16xf32>,
        %get3A_687 = arith.constant 0 : i32
        %get3A_688 = arith.index_cast %get3A_687 : i32 to index
        %get3A_689 = arith.index_cast %scan3A_258 : i32 to index
        %get3A_690 = arith.constant 304 : index
        %get3A_691 = tpu.vector_load %arg10[%get3A_688, %get3A_689, %get3A_690] {strides = array<i32>} : memref<2x32x512xf32, #tpu.memory_space<vmem>>, vector<1x1x16xf32>,
        %get3A_692 = vector.shape_cast %get3A_691 : vector<1x1x16xf32> to vector<16xf32>
        %get3A_693 = arith.constant 0 : i32
        %get3A_694 = arith.index_cast %get3A_693 : i32 to index
        %get3A_695 = arith.index_cast %scan3A_258 : i32 to index
        %get3A_696 = arith.constant 304 : index
        %get3A_697 = tpu.vector_load %arg11[%get3A_694, %get3A_695, %get3A_696] {strides = array<i32>} : memref<2x32x512xf32, #tpu.memory_space<vmem>>, vector<1x1x16xf32>,
        %get3A_698 = vector.shape_cast %get3A_697 : vector<1x1x16xf32> to vector<16xf32>
        %mul3A_699 = arith.mulf %get3A_263, %get3A_692 : vector<16xf32>
        %mul3A_700 = arith.mulf %get3A_269, %get3A_698 : vector<16xf32>
        %add3A_701 = arith.addf %mul3A_699, %mul3A_700 : vector<16xf32>
        %swap3A_702 = arith.constant 0 : i32
        %swap3A_703 = arith.index_cast %swap3A_702 : i32 to index
        %swap3A_704 = arith.index_cast %scan3A_258 : i32 to index
        %swap3A_705 = arith.constant 304 : index
        %swap3A_706 = tpu.vector_load %arg12[%swap3A_703, %swap3A_704, %swap3A_705] {strides = array<i32>} : memref<2x32x512xf32, #tpu.memory_space<vmem>>, vector<1x1x16xf32>,
        %swap3A_707 = vector.shape_cast %swap3A_706 : vector<1x1x16xf32> to vector<16xf32>
        %swap3A_708 = vector.shape_cast %add3A_701 : vector<16xf32> to vector<1x1x16xf32>
        tpu.vector_store %arg12[%swap3A_703, %swap3A_704, %swap3A_705], %swap3A_708 {strides = array<i32>} : memref<2x32x512xf32, #tpu.memory_space<vmem>>, vector<1x1x16xf32>,
        %get3A_709 = arith.constant 0 : i32
        %get3A_710 = arith.index_cast %get3A_709 : i32 to index
        %get3A_711 = arith.index_cast %scan3A_258 : i32 to index
        %get3A_712 = arith.constant 320 : index
        %get3A_713 = tpu.vector_load %arg10[%get3A_710, %get3A_711, %get3A_712] {strides = array<i32>} : memref<2x32x512xf32, #tpu.memory_space<vmem>>, vector<1x1x16xf32>,
        %get3A_714 = vector.shape_cast %get3A_713 : vector<1x1x16xf32> to vector<16xf32>
        %get3A_715 = arith.constant 0 : i32
        %get3A_716 = arith.index_cast %get3A_715 : i32 to index
        %get3A_717 = arith.index_cast %scan3A_258 : i32 to index
        %get3A_718 = arith.constant 320 : index
        %get3A_719 = tpu.vector_load %arg11[%get3A_716, %get3A_717, %get3A_718] {strides = array<i32>} : memref<2x32x512xf32, #tpu.memory_space<vmem>>, vector<1x1x16xf32>,
        %get3A_720 = vector.shape_cast %get3A_719 : vector<1x1x16xf32> to vector<16xf32>
        %mul3A_721 = arith.mulf %get3A_263, %get3A_714 : vector<16xf32>
        %mul3A_722 = arith.mulf %get3A_269, %get3A_720 : vector<16xf32>
        %add3A_723 = arith.addf %mul3A_721, %mul3A_722 : vector<16xf32>
        %swap3A_724 = arith.constant 0 : i32
        %swap3A_725 = arith.index_cast %swap3A_724 : i32 to index
        %swap3A_726 = arith.index_cast %scan3A_258 : i32 to index
        %swap3A_727 = arith.constant 320 : index
        %swap3A_728 = tpu.vector_load %arg12[%swap3A_725, %swap3A_726, %swap3A_727] {strides = array<i32>} : memref<2x32x512xf32, #tpu.memory_space<vmem>>, vector<1x1x16xf32>,
        %swap3A_729 = vector.shape_cast %swap3A_728 : vector<1x1x16xf32> to vector<16xf32>
        %swap3A_730 = vector.shape_cast %add3A_723 : vector<16xf32> to vector<1x1x16xf32>
        tpu.vector_store %arg12[%swap3A_725, %swap3A_726, %swap3A_727], %swap3A_730 {strides = array<i32>} : memref<2x32x512xf32, #tpu.memory_space<vmem>>, vector<1x1x16xf32>,
        %get3A_731 = arith.constant 0 : i32
        %get3A_732 = arith.index_cast %get3A_731 : i32 to index
        %get3A_733 = arith.index_cast %scan3A_258 : i32 to index
        %get3A_734 = arith.constant 336 : index
        %get3A_735 = tpu.vector_load %arg10[%get3A_732, %get3A_733, %get3A_734] {strides = array<i32>} : memref<2x32x512xf32, #tpu.memory_space<vmem>>, vector<1x1x16xf32>,
        %get3A_736 = vector.shape_cast %get3A_735 : vector<1x1x16xf32> to vector<16xf32>
        %get3A_737 = arith.constant 0 : i32
        %get3A_738 = arith.index_cast %get3A_737 : i32 to index
        %get3A_739 = arith.index_cast %scan3A_258 : i32 to index
        %get3A_740 = arith.constant 336 : index
        %get3A_741 = tpu.vector_load %arg11[%get3A_738, %get3A_739, %get3A_740] {strides = array<i32>} : memref<2x32x512xf32, #tpu.memory_space<vmem>>, vector<1x1x16xf32>,
        %get3A_742 = vector.shape_cast %get3A_741 : vector<1x1x16xf32> to vector<16xf32>
        %mul3A_743 = arith.mulf %get3A_263, %get3A_736 : vector<16xf32>
        %mul3A_744 = arith.mulf %get3A_269, %get3A_742 : vector<16xf32>
        %add3A_745 = arith.addf %mul3A_743, %mul3A_744 : vector<16xf32>
        %swap3A_746 = arith.constant 0 : i32
        %swap3A_747 = arith.index_cast %swap3A_746 : i32 to index
        %swap3A_748 = arith.index_cast %scan3A_258 : i32 to index
        %swap3A_749 = arith.constant 336 : index
        %swap3A_750 = tpu.vector_load %arg12[%swap3A_747, %swap3A_748, %swap3A_749] {strides = array<i32>} : memref<2x32x512xf32, #tpu.memory_space<vmem>>, vector<1x1x16xf32>,
        %swap3A_751 = vector.shape_cast %swap3A_750 : vector<1x1x16xf32> to vector<16xf32>
        %swap3A_752 = vector.shape_cast %add3A_745 : vector<16xf32> to vector<1x1x16xf32>
        tpu.vector_store %arg12[%swap3A_747, %swap3A_748, %swap3A_749], %swap3A_752 {strides = array<i32>} : memref<2x32x512xf32, #tpu.memory_space<vmem>>, vector<1x1x16xf32>,
        %get3A_753 = arith.constant 0 : i32
        %get3A_754 = arith.index_cast %get3A_753 : i32 to index
        %get3A_755 = arith.index_cast %scan3A_258 : i32 to index
        %get3A_756 = arith.constant 352 : index
        %get3A_757 = tpu.vector_load %arg10[%get3A_754, %get3A_755, %get3A_756] {strides = array<i32>} : memref<2x32x512xf32, #tpu.memory_space<vmem>>, vector<1x1x16xf32>,
        %get3A_758 = vector.shape_cast %get3A_757 : vector<1x1x16xf32> to vector<16xf32>
        %get3A_759 = arith.constant 0 : i32
        %get3A_760 = arith.index_cast %get3A_759 : i32 to index
        %get3A_761 = arith.index_cast %scan3A_258 : i32 to index
        %get3A_762 = arith.constant 352 : index
        %get3A_763 = tpu.vector_load %arg11[%get3A_760, %get3A_761, %get3A_762] {strides = array<i32>} : memref<2x32x512xf32, #tpu.memory_space<vmem>>, vector<1x1x16xf32>,
        %get3A_764 = vector.shape_cast %get3A_763 : vector<1x1x16xf32> to vector<16xf32>
        %mul3A_765 = arith.mulf %get3A_263, %get3A_758 : vector<16xf32>
        %mul3A_766 = arith.mulf %get3A_269, %get3A_764 : vector<16xf32>
        %add3A_767 = arith.addf %mul3A_765, %mul3A_766 : vector<16xf32>
        %swap3A_768 = arith.constant 0 : i32
        %swap3A_769 = arith.index_cast %swap3A_768 : i32 to index
        %swap3A_770 = arith.index_cast %scan3A_258 : i32 to index
        %swap3A_771 = arith.constant 352 : index
        %swap3A_772 = tpu.vector_load %arg12[%swap3A_769, %swap3A_770, %swap3A_771] {strides = array<i32>} : memref<2x32x512xf32, #tpu.memory_space<vmem>>, vector<1x1x16xf32>,
        %swap3A_773 = vector.shape_cast %swap3A_772 : vector<1x1x16xf32> to vector<16xf32>
        %swap3A_774 = vector.shape_cast %add3A_767 : vector<16xf32> to vector<1x1x16xf32>
        tpu.vector_store %arg12[%swap3A_769, %swap3A_770, %swap3A_771], %swap3A_774 {strides = array<i32>} : memref<2x32x512xf32, #tpu.memory_space<vmem>>, vector<1x1x16xf32>,
        %get3A_775 = arith.constant 0 : i32
        %get3A_776 = arith.index_cast %get3A_775 : i32 to index
        %get3A_777 = arith.index_cast %scan3A_258 : i32 to index
        %get3A_778 = arith.constant 368 : index
        %get3A_779 = tpu.vector_load %arg10[%get3A_776, %get3A_777, %get3A_778] {strides = array<i32>} : memref<2x32x512xf32, #tpu.memory_space<vmem>>, vector<1x1x16xf32>,
        %get3A_780 = vector.shape_cast %get3A_779 : vector<1x1x16xf32> to vector<16xf32>
        %get3A_781 = arith.constant 0 : i32
        %get3A_782 = arith.index_cast %get3A_781 : i32 to index
        %get3A_783 = arith.index_cast %scan3A_258 : i32 to index
        %get3A_784 = arith.constant 368 : index
        %get3A_785 = tpu.vector_load %arg11[%get3A_782, %get3A_783, %get3A_784] {strides = array<i32>} : memref<2x32x512xf32, #tpu.memory_space<vmem>>, vector<1x1x16xf32>,
        %get3A_786 = vector.shape_cast %get3A_785 : vector<1x1x16xf32> to vector<16xf32>
        %mul3A_787 = arith.mulf %get3A_263, %get3A_780 : vector<16xf32>
        %mul3A_788 = arith.mulf %get3A_269, %get3A_786 : vector<16xf32>
        %add3A_789 = arith.addf %mul3A_787, %mul3A_788 : vector<16xf32>
        %swap3A_790 = arith.constant 0 : i32
        %swap3A_791 = arith.index_cast %swap3A_790 : i32 to index
        %swap3A_792 = arith.index_cast %scan3A_258 : i32 to index
        %swap3A_793 = arith.constant 368 : index
        %swap3A_794 = tpu.vector_load %arg12[%swap3A_791, %swap3A_792, %swap3A_793] {strides = array<i32>} : memref<2x32x512xf32, #tpu.memory_space<vmem>>, vector<1x1x16xf32>,
        %swap3A_795 = vector.shape_cast %swap3A_794 : vector<1x1x16xf32> to vector<16xf32>
        %swap3A_796 = vector.shape_cast %add3A_789 : vector<16xf32> to vector<1x1x16xf32>
        tpu.vector_store %arg12[%swap3A_791, %swap3A_792, %swap3A_793], %swap3A_796 {strides = array<i32>} : memref<2x32x512xf32, #tpu.memory_space<vmem>>, vector<1x1x16xf32>,
        %get3A_797 = arith.constant 0 : i32
        %get3A_798 = arith.index_cast %get3A_797 : i32 to index
        %get3A_799 = arith.index_cast %scan3A_258 : i32 to index
        %get3A_800 = arith.constant 384 : index
        %get3A_801 = tpu.vector_load %arg10[%get3A_798, %get3A_799, %get3A_800] {strides = array<i32>} : memref<2x32x512xf32, #tpu.memory_space<vmem>>, vector<1x1x16xf32>,
        %get3A_802 = vector.shape_cast %get3A_801 : vector<1x1x16xf32> to vector<16xf32>
        %get3A_803 = arith.constant 0 : i32
        %get3A_804 = arith.index_cast %get3A_803 : i32 to index
        %get3A_805 = arith.index_cast %scan3A_258 : i32 to index
        %get3A_806 = arith.constant 384 : index
        %get3A_807 = tpu.vector_load %arg11[%get3A_804, %get3A_805, %get3A_806] {strides = array<i32>} : memref<2x32x512xf32, #tpu.memory_space<vmem>>, vector<1x1x16xf32>,
        %get3A_808 = vector.shape_cast %get3A_807 : vector<1x1x16xf32> to vector<16xf32>
        %mul3A_809 = arith.mulf %get3A_263, %get3A_802 : vector<16xf32>
        %mul3A_810 = arith.mulf %get3A_269, %get3A_808 : vector<16xf32>
        %add3A_811 = arith.addf %mul3A_809, %mul3A_810 : vector<16xf32>
        %swap3A_812 = arith.constant 0 : i32
        %swap3A_813 = arith.index_cast %swap3A_812 : i32 to index
        %swap3A_814 = arith.index_cast %scan3A_258 : i32 to index
        %swap3A_815 = arith.constant 384 : index
        %swap3A_816 = tpu.vector_load %arg12[%swap3A_813, %swap3A_814, %swap3A_815] {strides = array<i32>} : memref<2x32x512xf32, #tpu.memory_space<vmem>>, vector<1x1x16xf32>,
        %swap3A_817 = vector.shape_cast %swap3A_816 : vector<1x1x16xf32> to vector<16xf32>
        %swap3A_818 = vector.shape_cast %add3A_811 : vector<16xf32> to vector<1x1x16xf32>
        tpu.vector_store %arg12[%swap3A_813, %swap3A_814, %swap3A_815], %swap3A_818 {strides = array<i32>} : memref<2x32x512xf32, #tpu.memory_space<vmem>>, vector<1x1x16xf32>,
        %get3A_819 = arith.constant 0 : i32
        %get3A_820 = arith.index_cast %get3A_819 : i32 to index
        %get3A_821 = arith.index_cast %scan3A_258 : i32 to index
        %get3A_822 = arith.constant 400 : index
        %get3A_823 = tpu.vector_load %arg10[%get3A_820, %get3A_821, %get3A_822] {strides = array<i32>} : memref<2x32x512xf32, #tpu.memory_space<vmem>>, vector<1x1x16xf32>,
        %get3A_824 = vector.shape_cast %get3A_823 : vector<1x1x16xf32> to vector<16xf32>
        %get3A_825 = arith.constant 0 : i32
        %get3A_826 = arith.index_cast %get3A_825 : i32 to index
        %get3A_827 = arith.index_cast %scan3A_258 : i32 to index
        %get3A_828 = arith.constant 400 : index
        %get3A_829 = tpu.vector_load %arg11[%get3A_826, %get3A_827, %get3A_828] {strides = array<i32>} : memref<2x32x512xf32, #tpu.memory_space<vmem>>, vector<1x1x16xf32>,
        %get3A_830 = vector.shape_cast %get3A_829 : vector<1x1x16xf32> to vector<16xf32>
        %mul3A_831 = arith.mulf %get3A_263, %get3A_824 : vector<16xf32>
        %mul3A_832 = arith.mulf %get3A_269, %get3A_830 : vector<16xf32>
        %add3A_833 = arith.addf %mul3A_831, %mul3A_832 : vector<16xf32>
        %swap3A_834 = arith.constant 0 : i32
        %swap3A_835 = arith.index_cast %swap3A_834 : i32 to index
        %swap3A_836 = arith.index_cast %scan3A_258 : i32 to index
        %swap3A_837 = arith.constant 400 : index
        %swap3A_838 = tpu.vector_load %arg12[%swap3A_835, %swap3A_836, %swap3A_837] {strides = array<i32>} : memref<2x32x512xf32, #tpu.memory_space<vmem>>, vector<1x1x16xf32>,
        %swap3A_839 = vector.shape_cast %swap3A_838 : vector<1x1x16xf32> to vector<16xf32>
        %swap3A_840 = vector.shape_cast %add3A_833 : vector<16xf32> to vector<1x1x16xf32>
        tpu.vector_store %arg12[%swap3A_835, %swap3A_836, %swap3A_837], %swap3A_840 {strides = array<i32>} : memref<2x32x512xf32, #tpu.memory_space<vmem>>, vector<1x1x16xf32>,
        %get3A_841 = arith.constant 0 : i32
        %get3A_842 = arith.index_cast %get3A_841 : i32 to index
        %get3A_843 = arith.index_cast %scan3A_258 : i32 to index
        %get3A_844 = arith.constant 416 : index
        %get3A_845 = tpu.vector_load %arg10[%get3A_842, %get3A_843, %get3A_844] {strides = array<i32>} : memref<2x32x512xf32, #tpu.memory_space<vmem>>, vector<1x1x16xf32>,
        %get3A_846 = vector.shape_cast %get3A_845 : vector<1x1x16xf32> to vector<16xf32>
        %get3A_847 = arith.constant 0 : i32
        %get3A_848 = arith.index_cast %get3A_847 : i32 to index
        %get3A_849 = arith.index_cast %scan3A_258 : i32 to index
        %get3A_850 = arith.constant 416 : index
        %get3A_851 = tpu.vector_load %arg11[%get3A_848, %get3A_849, %get3A_850] {strides = array<i32>} : memref<2x32x512xf32, #tpu.memory_space<vmem>>, vector<1x1x16xf32>,
        %get3A_852 = vector.shape_cast %get3A_851 : vector<1x1x16xf32> to vector<16xf32>
        %mul3A_853 = arith.mulf %get3A_263, %get3A_846 : vector<16xf32>
        %mul3A_854 = arith.mulf %get3A_269, %get3A_852 : vector<16xf32>
        %add3A_855 = arith.addf %mul3A_853, %mul3A_854 : vector<16xf32>
        %swap3A_856 = arith.constant 0 : i32
        %swap3A_857 = arith.index_cast %swap3A_856 : i32 to index
        %swap3A_858 = arith.index_cast %scan3A_258 : i32 to index
        %swap3A_859 = arith.constant 416 : index
        %swap3A_860 = tpu.vector_load %arg12[%swap3A_857, %swap3A_858, %swap3A_859] {strides = array<i32>} : memref<2x32x512xf32, #tpu.memory_space<vmem>>, vector<1x1x16xf32>,
        %swap3A_861 = vector.shape_cast %swap3A_860 : vector<1x1x16xf32> to vector<16xf32>
        %swap3A_862 = vector.shape_cast %add3A_855 : vector<16xf32> to vector<1x1x16xf32>
        tpu.vector_store %arg12[%swap3A_857, %swap3A_858, %swap3A_859], %swap3A_862 {strides = array<i32>} : memref<2x32x512xf32, #tpu.memory_space<vmem>>, vector<1x1x16xf32>,
        %get3A_863 = arith.constant 0 : i32
        %get3A_864 = arith.index_cast %get3A_863 : i32 to index
        %get3A_865 = arith.index_cast %scan3A_258 : i32 to index
        %get3A_866 = arith.constant 432 : index
        %get3A_867 = tpu.vector_load %arg10[%get3A_864, %get3A_865, %get3A_866] {strides = array<i32>} : memref<2x32x512xf32, #tpu.memory_space<vmem>>, vector<1x1x16xf32>,
        %get3A_868 = vector.shape_cast %get3A_867 : vector<1x1x16xf32> to vector<16xf32>
        %get3A_869 = arith.constant 0 : i32
        %get3A_870 = arith.index_cast %get3A_869 : i32 to index
        %get3A_871 = arith.index_cast %scan3A_258 : i32 to index
        %get3A_872 = arith.constant 432 : index
        %get3A_873 = tpu.vector_load %arg11[%get3A_870, %get3A_871, %get3A_872] {strides = array<i32>} : memref<2x32x512xf32, #tpu.memory_space<vmem>>, vector<1x1x16xf32>,
        %get3A_874 = vector.shape_cast %get3A_873 : vector<1x1x16xf32> to vector<16xf32>
        %mul3A_875 = arith.mulf %get3A_263, %get3A_868 : vector<16xf32>
        %mul3A_876 = arith.mulf %get3A_269, %get3A_874 : vector<16xf32>
        %add3A_877 = arith.addf %mul3A_875, %mul3A_876 : vector<16xf32>
        %swap3A_878 = arith.constant 0 : i32
        %swap3A_879 = arith.index_cast %swap3A_878 : i32 to index
        %swap3A_880 = arith.index_cast %scan3A_258 : i32 to index
        %swap3A_881 = arith.constant 432 : index
        %swap3A_882 = tpu.vector_load %arg12[%swap3A_879, %swap3A_880, %swap3A_881] {strides = array<i32>} : memref<2x32x512xf32, #tpu.memory_space<vmem>>, vector<1x1x16xf32>,
        %swap3A_883 = vector.shape_cast %swap3A_882 : vector<1x1x16xf32> to vector<16xf32>
        %swap3A_884 = vector.shape_cast %add3A_877 : vector<16xf32> to vector<1x1x16xf32>
        tpu.vector_store %arg12[%swap3A_879, %swap3A_880, %swap3A_881], %swap3A_884 {strides = array<i32>} : memref<2x32x512xf32, #tpu.memory_space<vmem>>, vector<1x1x16xf32>,
        %get3A_885 = arith.constant 0 : i32
        %get3A_886 = arith.index_cast %get3A_885 : i32 to index
        %get3A_887 = arith.index_cast %scan3A_258 : i32 to index
        %get3A_888 = arith.constant 448 : index
        %get3A_889 = tpu.vector_load %arg10[%get3A_886, %get3A_887, %get3A_888] {strides = array<i32>} : memref<2x32x512xf32, #tpu.memory_space<vmem>>, vector<1x1x16xf32>,
        %get3A_890 = vector.shape_cast %get3A_889 : vector<1x1x16xf32> to vector<16xf32>
        %get3A_891 = arith.constant 0 : i32
        %get3A_892 = arith.index_cast %get3A_891 : i32 to index
        %get3A_893 = arith.index_cast %scan3A_258 : i32 to index
        %get3A_894 = arith.constant 448 : index
        %get3A_895 = tpu.vector_load %arg11[%get3A_892, %get3A_893, %get3A_894] {strides = array<i32>} : memref<2x32x512xf32, #tpu.memory_space<vmem>>, vector<1x1x16xf32>,
        %get3A_896 = vector.shape_cast %get3A_895 : vector<1x1x16xf32> to vector<16xf32>
        %mul3A_897 = arith.mulf %get3A_263, %get3A_890 : vector<16xf32>
        %mul3A_898 = arith.mulf %get3A_269, %get3A_896 : vector<16xf32>
        %add3A_899 = arith.addf %mul3A_897, %mul3A_898 : vector<16xf32>
        %swap3A_900 = arith.constant 0 : i32
        %swap3A_901 = arith.index_cast %swap3A_900 : i32 to index
        %swap3A_902 = arith.index_cast %scan3A_258 : i32 to index
        %swap3A_903 = arith.constant 448 : index
        %swap3A_904 = tpu.vector_load %arg12[%swap3A_901, %swap3A_902, %swap3A_903] {strides = array<i32>} : memref<2x32x512xf32, #tpu.memory_space<vmem>>, vector<1x1x16xf32>,
        %swap3A_905 = vector.shape_cast %swap3A_904 : vector<1x1x16xf32> to vector<16xf32>
        %swap3A_906 = vector.shape_cast %add3A_899 : vector<16xf32> to vector<1x1x16xf32>
        tpu.vector_store %arg12[%swap3A_901, %swap3A_902, %swap3A_903], %swap3A_906 {strides = array<i32>} : memref<2x32x512xf32, #tpu.memory_space<vmem>>, vector<1x1x16xf32>,
        %get3A_907 = arith.constant 0 : i32
        %get3A_908 = arith.index_cast %get3A_907 : i32 to index
        %get3A_909 = arith.index_cast %scan3A_258 : i32 to index
        %get3A_910 = arith.constant 464 : index
        %get3A_911 = tpu.vector_load %arg10[%get3A_908, %get3A_909, %get3A_910] {strides = array<i32>} : memref<2x32x512xf32, #tpu.memory_space<vmem>>, vector<1x1x16xf32>,
        %get3A_912 = vector.shape_cast %get3A_911 : vector<1x1x16xf32> to vector<16xf32>
        %get3A_913 = arith.constant 0 : i32
        %get3A_914 = arith.index_cast %get3A_913 : i32 to index
        %get3A_915 = arith.index_cast %scan3A_258 : i32 to index
        %get3A_916 = arith.constant 464 : index
        %get3A_917 = tpu.vector_load %arg11[%get3A_914, %get3A_915, %get3A_916] {strides = array<i32>} : memref<2x32x512xf32, #tpu.memory_space<vmem>>, vector<1x1x16xf32>,
        %get3A_918 = vector.shape_cast %get3A_917 : vector<1x1x16xf32> to vector<16xf32>
        %mul3A_919 = arith.mulf %get3A_263, %get3A_912 : vector<16xf32>
        %mul3A_920 = arith.mulf %get3A_269, %get3A_918 : vector<16xf32>
        %add3A_921 = arith.addf %mul3A_919, %mul3A_920 : vector<16xf32>
        %swap3A_922 = arith.constant 0 : i32
        %swap3A_923 = arith.index_cast %swap3A_922 : i32 to index
        %swap3A_924 = arith.index_cast %scan3A_258 : i32 to index
        %swap3A_925 = arith.constant 464 : index
        %swap3A_926 = tpu.vector_load %arg12[%swap3A_923, %swap3A_924, %swap3A_925] {strides = array<i32>} : memref<2x32x512xf32, #tpu.memory_space<vmem>>, vector<1x1x16xf32>,
        %swap3A_927 = vector.shape_cast %swap3A_926 : vector<1x1x16xf32> to vector<16xf32>
        %swap3A_928 = vector.shape_cast %add3A_921 : vector<16xf32> to vector<1x1x16xf32>
        tpu.vector_store %arg12[%swap3A_923, %swap3A_924, %swap3A_925], %swap3A_928 {strides = array<i32>} : memref<2x32x512xf32, #tpu.memory_space<vmem>>, vector<1x1x16xf32>,
        %get3A_929 = arith.constant 0 : i32
        %get3A_930 = arith.index_cast %get3A_929 : i32 to index
        %get3A_931 = arith.index_cast %scan3A_258 : i32 to index
        %get3A_932 = arith.constant 480 : index
        %get3A_933 = tpu.vector_load %arg10[%get3A_930, %get3A_931, %get3A_932] {strides = array<i32>} : memref<2x32x512xf32, #tpu.memory_space<vmem>>, vector<1x1x16xf32>,
        %get3A_934 = vector.shape_cast %get3A_933 : vector<1x1x16xf32> to vector<16xf32>
        %get3A_935 = arith.constant 0 : i32
        %get3A_936 = arith.index_cast %get3A_935 : i32 to index
        %get3A_937 = arith.index_cast %scan3A_258 : i32 to index
        %get3A_938 = arith.constant 480 : index
        %get3A_939 = tpu.vector_load %arg11[%get3A_936, %get3A_937, %get3A_938] {strides = array<i32>} : memref<2x32x512xf32, #tpu.memory_space<vmem>>, vector<1x1x16xf32>,
        %get3A_940 = vector.shape_cast %get3A_939 : vector<1x1x16xf32> to vector<16xf32>
        %mul3A_941 = arith.mulf %get3A_263, %get3A_934 : vector<16xf32>
        %mul3A_942 = arith.mulf %get3A_269, %get3A_940 : vector<16xf32>
        %add3A_943 = arith.addf %mul3A_941, %mul3A_942 : vector<16xf32>
        %swap3A_944 = arith.constant 0 : i32
        %swap3A_945 = arith.index_cast %swap3A_944 : i32 to index
        %swap3A_946 = arith.index_cast %scan3A_258 : i32 to index
        %swap3A_947 = arith.constant 480 : index
        %swap3A_948 = tpu.vector_load %arg12[%swap3A_945, %swap3A_946, %swap3A_947] {strides = array<i32>} : memref<2x32x512xf32, #tpu.memory_space<vmem>>, vector<1x1x16xf32>,
        %swap3A_949 = vector.shape_cast %swap3A_948 : vector<1x1x16xf32> to vector<16xf32>
        %swap3A_950 = vector.shape_cast %add3A_943 : vector<16xf32> to vector<1x1x16xf32>
        tpu.vector_store %arg12[%swap3A_945, %swap3A_946, %swap3A_947], %swap3A_950 {strides = array<i32>} : memref<2x32x512xf32, #tpu.memory_space<vmem>>, vector<1x1x16xf32>,
        %get3A_951 = arith.constant 0 : i32
        %get3A_952 = arith.index_cast %get3A_951 : i32 to index
        %get3A_953 = arith.index_cast %scan3A_258 : i32 to index
        %get3A_954 = arith.constant 496 : index
        %get3A_955 = tpu.vector_load %arg10[%get3A_952, %get3A_953, %get3A_954] {strides = array<i32>} : memref<2x32x512xf32, #tpu.memory_space<vmem>>, vector<1x1x16xf32>,
        %get3A_956 = vector.shape_cast %get3A_955 : vector<1x1x16xf32> to vector<16xf32>
        %get3A_957 = arith.constant 0 : i32
        %get3A_958 = arith.index_cast %get3A_957 : i32 to index
        %get3A_959 = arith.index_cast %scan3A_258 : i32 to index
        %get3A_960 = arith.constant 496 : index
        %get3A_961 = tpu.vector_load %arg11[%get3A_958, %get3A_959, %get3A_960] {strides = array<i32>} : memref<2x32x512xf32, #tpu.memory_space<vmem>>, vector<1x1x16xf32>,
        %get3A_962 = vector.shape_cast %get3A_961 : vector<1x1x16xf32> to vector<16xf32>
        %mul3A_963 = arith.mulf %get3A_263, %get3A_956 : vector<16xf32>
        %mul3A_964 = arith.mulf %get3A_269, %get3A_962 : vector<16xf32>
        %add3A_965 = arith.addf %mul3A_963, %mul3A_964 : vector<16xf32>
        %swap3A_966 = arith.constant 0 : i32
        %swap3A_967 = arith.index_cast %swap3A_966 : i32 to index
        %swap3A_968 = arith.index_cast %scan3A_258 : i32 to index
        %swap3A_969 = arith.constant 496 : index
        %swap3A_970 = tpu.vector_load %arg12[%swap3A_967, %swap3A_968, %swap3A_969] {strides = array<i32>} : memref<2x32x512xf32, #tpu.memory_space<vmem>>, vector<1x1x16xf32>,
        %swap3A_971 = vector.shape_cast %swap3A_970 : vector<1x1x16xf32> to vector<16xf32>
        %swap3A_972 = vector.shape_cast %add3A_965 : vector<16xf32> to vector<1x1x16xf32>
        tpu.vector_store %arg12[%swap3A_967, %swap3A_968, %swap3A_969], %swap3A_972 {strides = array<i32>} : memref<2x32x512xf32, #tpu.memory_space<vmem>>, vector<1x1x16xf32>,
      }
      %scan3A_163 = arith.constant 32 : i32
      %add3A_164 = arith.constant 12288 : i32
      %add3A_165 = arith.addi %add3A_164, %mul3A_2 : i32
      %add3A_166 = arith.addi %add3A_165, %mul3A_75 : i32
      %dma_start3A_167 = arith.constant 0 : i32
      %dma_start3A_168 = arith.constant 0 : i32
      %dma_start3A_169 = arith.constant 0 : i32
      %dma_start3A_170 = tpu.memref_slice %arg12[%dma_start3A_167, %dma_start3A_168, %dma_start3A_169] : memref<2x32x512xf32, #tpu.memory_space<vmem>> -> memref<1x32x512xf32, #tpu.memory_space<vmem>>
      %dma_start3A_171 = tpu.memref_squeeze %dma_start3A_170 : memref<1x32x512xf32, #tpu.memory_space<vmem>> -> memref<32x512xf32, #tpu.memory_space<vmem>>
      %dma_start3A_172 = arith.constant 0 : i32
      %dma_start3A_173 = tpu.memref_slice %arg6[%add3A_166, %dma_start3A_172] : memref<32768x512xf32, #tpu.memory_space<hbm>> -> memref<32x512xf32, #tpu.memory_space<hbm>>
      %dma_start3A_174 = arith.constant 0 : i32
      %dma_start3A_175 = tpu.memref_slice %arg6[%add3A_166, %dma_start3A_174] : memref<32768x512xf32, #tpu.memory_space<hbm>> -> memref<32x512xf32, #tpu.memory_space<hbm>>
      %dma_start3A_176 = arith.constant 0 : i32
      %dma_start3A_177 = arith.constant 0 : i32
      %dma_start3A_178 = tpu.memref_slice %arg12[%dma_start3A_167, %dma_start3A_176, %dma_start3A_177] : memref<2x32x512xf32, #tpu.memory_space<vmem>> -> memref<1x32x512xf32, #tpu.memory_space<vmem>>
      %dma_start3A_179 = tpu.memref_squeeze %dma_start3A_178 : memref<1x32x512xf32, #tpu.memory_space<vmem>> -> memref<32x512xf32, #tpu.memory_space<vmem>>
      tpu.enqueue_dma source(%dma_start3A_179 : memref<32x512xf32, #tpu.memory_space<vmem>>) target(%dma_start3A_175 : memref<32x512xf32, #tpu.memory_space<hbm>>) target_semaphore(%arg17 : memref<!tpu.dma_semaphore, #tpu.memory_space<semaphore_mem>>)
      %lt3A = arith.constant 9 : i32
      %lt3A_180 = arith.cmpi slt, %scan3A_71, %lt3A : i32
      %convert_element_type3A_181 = arith.extui %lt3A_180 : i1 to i32
      %cond3A_182 = arith.constant 0 : i32
      %cond3A_183 = arith.cmpi ne, %convert_element_type3A_181, %cond3A_182 : i32
      scf.if %cond3A_183 {
        %add3A_258 = arith.constant 64 : i32
        %add3A_259 = arith.addi %mul3A_75, %add3A_258 : i32
        %dma_start3A_260 = arith.constant 0 : i32
        %dma_start3A_261 = arith.constant 0 : i32
        %dma_start3A_262 = arith.constant 0 : i32
        %dma_start3A_263 = tpu.memref_slice %arg10[%dma_start3A_260, %dma_start3A_261, %dma_start3A_262] : memref<2x32x512xf32, #tpu.memory_space<vmem>> -> memref<1x32x512xf32, #tpu.memory_space<vmem>>
        %dma_start3A_264 = tpu.memref_squeeze %dma_start3A_263 : memref<1x32x512xf32, #tpu.memory_space<vmem>> -> memref<32x512xf32, #tpu.memory_space<vmem>>
        %dma_start3A_265 = tpu.memref_slice %arg7[%add3A_259] : memref<640xi32, #tpu.memory_space<vmem>> -> memref<32xi32, #tpu.memory_space<vmem>>
        %dma_start3A_266 = arith.constant 0 : i32
        %dma_start3A_267 = arith.constant 0 : i32
        %dma_start3A_268 = tpu.memref_slice %arg2[%dma_start3A_266, %dma_start3A_267] : memref<32768x512xf32, #tpu.memory_space<hbm>> -> memref<32768x512xf32, #tpu.memory_space<hbm>>
        tpu.enqueue_indirect_dma source(%dma_start3A_268 : memref<32768x512xf32, #tpu.memory_space<hbm>>) target(%dma_start3A_264 : memref<32x512xf32, #tpu.memory_space<vmem>>) offsets(%dma_start3A_265 : memref<32xi32, #tpu.memory_space<vmem>>) semaphore(%arg13 : memref<!tpu.dma_semaphore, #tpu.memory_space<semaphore_mem>>)
        %dma_start3A_269 = arith.constant 0 : i32
        %dma_start3A_270 = arith.constant 0 : i32
        %dma_start3A_271 = arith.constant 0 : i32
        %dma_start3A_272 = tpu.memref_slice %arg11[%dma_start3A_269, %dma_start3A_270, %dma_start3A_271] : memref<2x32x512xf32, #tpu.memory_space<vmem>> -> memref<1x32x512xf32, #tpu.memory_space<vmem>>
        %dma_start3A_273 = tpu.memref_squeeze %dma_start3A_272 : memref<1x32x512xf32, #tpu.memory_space<vmem>> -> memref<32x512xf32, #tpu.memory_space<vmem>>
        %dma_start3A_274 = tpu.memref_slice %arg8[%add3A_259] : memref<640xi32, #tpu.memory_space<vmem>> -> memref<32xi32, #tpu.memory_space<vmem>>
        %dma_start3A_275 = arith.constant 0 : i32
        %dma_start3A_276 = arith.constant 0 : i32
        %dma_start3A_277 = tpu.memref_slice %arg2[%dma_start3A_275, %dma_start3A_276] : memref<32768x512xf32, #tpu.memory_space<hbm>> -> memref<32768x512xf32, #tpu.memory_space<hbm>>
        tpu.enqueue_indirect_dma source(%dma_start3A_277 : memref<32768x512xf32, #tpu.memory_space<hbm>>) target(%dma_start3A_273 : memref<32x512xf32, #tpu.memory_space<vmem>>) offsets(%dma_start3A_274 : memref<32xi32, #tpu.memory_space<vmem>>) semaphore(%arg14 : memref<!tpu.dma_semaphore, #tpu.memory_space<semaphore_mem>>)
        %add3A_278 = arith.addi %mul3A_2, %add3A_259 : i32
        %dma_start3A_279 = arith.constant 0 : i32
        %dma_start3A_280 = arith.constant 0 : i32
        %dma_start3A_281 = arith.constant 0 : i32
        %dma_start3A_282 = tpu.memref_slice %arg9[%dma_start3A_279, %dma_start3A_280, %dma_start3A_281] : memref<2x32x32xf32, #tpu.memory_space<vmem>> -> memref<1x32x32xf32, #tpu.memory_space<vmem>>
        %dma_start3A_283 = tpu.memref_squeeze %dma_start3A_282 : memref<1x32x32xf32, #tpu.memory_space<vmem>> -> memref<32x32xf32, #tpu.memory_space<vmem>>
        %dma_start3A_284 = arith.constant 0 : i32
        %dma_start3A_285 = tpu.memref_slice %arg5[%add3A_278, %dma_start3A_284] : memref<20480x32xf32, #tpu.memory_space<hbm>> -> memref<32x32xf32, #tpu.memory_space<hbm>>
        %dma_start3A_286 = arith.constant 0 : i32
        %dma_start3A_287 = arith.constant 0 : i32
        %dma_start3A_288 = tpu.memref_slice %arg9[%dma_start3A_279, %dma_start3A_286, %dma_start3A_287] : memref<2x32x32xf32, #tpu.memory_space<vmem>> -> memref<1x32x32xf32, #tpu.memory_space<vmem>>
        %dma_start3A_289 = tpu.memref_squeeze %dma_start3A_288 : memref<1x32x32xf32, #tpu.memory_space<vmem>> -> memref<32x32xf32, #tpu.memory_space<vmem>>
        %dma_start3A_290 = arith.constant 0 : i32
        %dma_start3A_291 = tpu.memref_slice %arg5[%add3A_278, %dma_start3A_290] : memref<20480x32xf32, #tpu.memory_space<hbm>> -> memref<32x32xf32, #tpu.memory_space<hbm>>
        tpu.enqueue_dma source(%dma_start3A_291 : memref<32x32xf32, #tpu.memory_space<hbm>>) target(%dma_start3A_289 : memref<32x32xf32, #tpu.memory_space<vmem>>) target_semaphore(%arg19 : memref<!tpu.dma_semaphore, #tpu.memory_space<semaphore_mem>>)
      } else {
      }
      %eq3A_184 = arith.constant 0 : i32
      %eq3A_185 = arith.cmpi eq, %scan3A_71, %eq3A_184 : i32
      %dma_wait3A_186 = arith.constant 1 : i32
      %dma_wait3A_187 = arith.constant 0 : i32
      %dma_wait3A_188 = arith.constant 0 : i32
      %dma_wait3A_189 = tpu.memref_slice %arg10[%dma_wait3A_186, %dma_wait3A_187, %dma_wait3A_188] : memref<2x32x512xf32, #tpu.memory_space<vmem>> -> memref<1x32x512xf32, #tpu.memory_space<vmem>>
      %dma_wait3A_190 = tpu.memref_squeeze %dma_wait3A_189 : memref<1x32x512xf32, #tpu.memory_space<vmem>> -> memref<32x512xf32, #tpu.memory_space<vmem>>
      %dma_wait3A_191 = arith.constant 0 : i32
      %dma_wait3A_192 = arith.constant 0 : i32
      %dma_wait3A_193 = tpu.memref_slice %arg2[%dma_wait3A_191, %dma_wait3A_192] : memref<32768x512xf32, #tpu.memory_space<hbm>> -> memref<32x512xf32, #tpu.memory_space<hbm>>
      %dma_wait3A_194 = arith.constant 0 : i32
      %dma_wait3A_195 = arith.constant 0 : i32
      %dma_wait3A_196 = tpu.memref_slice %arg10[%dma_wait3A_186, %dma_wait3A_194, %dma_wait3A_195] : memref<2x32x512xf32, #tpu.memory_space<vmem>> -> memref<1x32x512xf32, #tpu.memory_space<vmem>>
      %dma_wait3A_197 = tpu.memref_squeeze %dma_wait3A_196 : memref<1x32x512xf32, #tpu.memory_space<vmem>> -> memref<32x512xf32, #tpu.memory_space<vmem>>
      %dma_wait3A_198 = arith.constant 0 : i32
      %dma_wait3A_199 = arith.constant 0 : i32
      %dma_wait3A_200 = tpu.memref_slice %arg2[%dma_wait3A_198, %dma_wait3A_199] : memref<32768x512xf32, #tpu.memory_space<hbm>> -> memref<32x512xf32, #tpu.memory_space<hbm>>
      tpu.wait_dma2 semaphore(%arg15 : memref<!tpu.dma_semaphore, #tpu.memory_space<semaphore_mem>>) src(%dma_wait3A_200 : memref<32x512xf32, #tpu.memory_space<hbm>>) dst(%dma_wait3A_197 : memref<32x512xf32, #tpu.memory_space<vmem>>)
      %dma_wait3A_201 = arith.constant 1 : i32
      %dma_wait3A_202 = arith.constant 0 : i32
      %dma_wait3A_203 = arith.constant 0 : i32
      %dma_wait3A_204 = tpu.memref_slice %arg11[%dma_wait3A_201, %dma_wait3A_202, %dma_wait3A_203] : memref<2x32x512xf32, #tpu.memory_space<vmem>> -> memref<1x32x512xf32, #tpu.memory_space<vmem>>
      %dma_wait3A_205 = tpu.memref_squeeze %dma_wait3A_204 : memref<1x32x512xf32, #tpu.memory_space<vmem>> -> memref<32x512xf32, #tpu.memory_space<vmem>>
      %dma_wait3A_206 = arith.constant 0 : i32
      %dma_wait3A_207 = arith.constant 0 : i32
      %dma_wait3A_208 = tpu.memref_slice %arg2[%dma_wait3A_206, %dma_wait3A_207] : memref<32768x512xf32, #tpu.memory_space<hbm>> -> memref<32x512xf32, #tpu.memory_space<hbm>>
      %dma_wait3A_209 = arith.constant 0 : i32
      %dma_wait3A_210 = arith.constant 0 : i32
      %dma_wait3A_211 = tpu.memref_slice %arg11[%dma_wait3A_201, %dma_wait3A_209, %dma_wait3A_210] : memref<2x32x512xf32, #tpu.memory_space<vmem>> -> memref<1x32x512xf32, #tpu.memory_space<vmem>>
      %dma_wait3A_212 = tpu.memref_squeeze %dma_wait3A_211 : memref<1x32x512xf32, #tpu.memory_space<vmem>> -> memref<32x512xf32, #tpu.memory_space<vmem>>
      %dma_wait3A_213 = arith.constant 0 : i32
      %dma_wait3A_214 = arith.constant 0 : i32
      %dma_wait3A_215 = tpu.memref_slice %arg2[%dma_wait3A_213, %dma_wait3A_214] : memref<32768x512xf32, #tpu.memory_space<hbm>> -> memref<32x512xf32, #tpu.memory_space<hbm>>
      tpu.wait_dma2 semaphore(%arg16 : memref<!tpu.dma_semaphore, #tpu.memory_space<semaphore_mem>>) src(%dma_wait3A_215 : memref<32x512xf32, #tpu.memory_space<hbm>>) dst(%dma_wait3A_212 : memref<32x512xf32, #tpu.memory_space<vmem>>)
      %dma_wait3A_216 = arith.constant 1 : i32
      %dma_wait3A_217 = arith.constant 0 : i32
      %dma_wait3A_218 = arith.constant 0 : i32
      %dma_wait3A_219 = tpu.memref_slice %arg9[%dma_wait3A_216, %dma_wait3A_217, %dma_wait3A_218] : memref<2x32x32xf32, #tpu.memory_space<vmem>> -> memref<1x32x32xf32, #tpu.memory_space<vmem>>
      %dma_wait3A_220 = tpu.memref_squeeze %dma_wait3A_219 : memref<1x32x32xf32, #tpu.memory_space<vmem>> -> memref<32x32xf32, #tpu.memory_space<vmem>>
      %dma_wait3A_221 = arith.constant 0 : i32
      %dma_wait3A_222 = arith.constant 0 : i32
      %dma_wait3A_223 = tpu.memref_slice %arg5[%dma_wait3A_221, %dma_wait3A_222] : memref<20480x32xf32, #tpu.memory_space<hbm>> -> memref<32x32xf32, #tpu.memory_space<hbm>>
      %dma_wait3A_224 = arith.constant 0 : i32
      %dma_wait3A_225 = arith.constant 0 : i32
      %dma_wait3A_226 = tpu.memref_slice %arg9[%dma_wait3A_216, %dma_wait3A_224, %dma_wait3A_225] : memref<2x32x32xf32, #tpu.memory_space<vmem>> -> memref<1x32x32xf32, #tpu.memory_space<vmem>>
      %dma_wait3A_227 = tpu.memref_squeeze %dma_wait3A_226 : memref<1x32x32xf32, #tpu.memory_space<vmem>> -> memref<32x32xf32, #tpu.memory_space<vmem>>
      %dma_wait3A_228 = arith.constant 0 : i32
      %dma_wait3A_229 = arith.constant 0 : i32
      %dma_wait3A_230 = tpu.memref_slice %arg5[%dma_wait3A_228, %dma_wait3A_229] : memref<20480x32xf32, #tpu.memory_space<hbm>> -> memref<32x32xf32, #tpu.memory_space<hbm>>
      tpu.wait_dma2 semaphore(%arg20 : memref<!tpu.dma_semaphore, #tpu.memory_space<semaphore_mem>>) src(%dma_wait3A_230 : memref<32x32xf32, #tpu.memory_space<hbm>>) dst(%dma_wait3A_227 : memref<32x32xf32, #tpu.memory_space<vmem>>)
      %not3A_231 = arith.constant true
      %not3A_232 = arith.xori %eq3A_185, %not3A_231 : i1
      %convert_element_type3A_233 = arith.extui %not3A_232 : i1 to i32
      %cond3A_234 = arith.constant 0 : i32
      %cond3A_235 = arith.cmpi ne, %convert_element_type3A_233, %cond3A_234 : i32
      scf.if %cond3A_235 {
        %dma_wait3A_258 = arith.constant 1 : i32
        %dma_wait3A_259 = arith.constant 0 : i32
        %dma_wait3A_260 = arith.constant 0 : i32
        %dma_wait3A_261 = tpu.memref_slice %arg12[%dma_wait3A_258, %dma_wait3A_259, %dma_wait3A_260] : memref<2x32x512xf32, #tpu.memory_space<vmem>> -> memref<1x32x512xf32, #tpu.memory_space<vmem>>
        %dma_wait3A_262 = tpu.memref_squeeze %dma_wait3A_261 : memref<1x32x512xf32, #tpu.memory_space<vmem>> -> memref<32x512xf32, #tpu.memory_space<vmem>>
        %dma_wait3A_263 = arith.constant 0 : i32
        %dma_wait3A_264 = arith.constant 0 : i32
        %dma_wait3A_265 = tpu.memref_slice %arg6[%dma_wait3A_263, %dma_wait3A_264] : memref<32768x512xf32, #tpu.memory_space<hbm>> -> memref<32x512xf32, #tpu.memory_space<hbm>>
        %dma_wait3A_266 = arith.constant 0 : i32
        %dma_wait3A_267 = arith.constant 0 : i32
        %dma_wait3A_268 = tpu.memref_slice %arg6[%dma_wait3A_266, %dma_wait3A_267] : memref<32768x512xf32, #tpu.memory_space<hbm>> -> memref<32x512xf32, #tpu.memory_space<hbm>>
        %dma_wait3A_269 = arith.constant 0 : i32
        %dma_wait3A_270 = arith.constant 0 : i32
        %dma_wait3A_271 = tpu.memref_slice %arg12[%dma_wait3A_258, %dma_wait3A_269, %dma_wait3A_270] : memref<2x32x512xf32, #tpu.memory_space<vmem>> -> memref<1x32x512xf32, #tpu.memory_space<vmem>>
        %dma_wait3A_272 = tpu.memref_squeeze %dma_wait3A_271 : memref<1x32x512xf32, #tpu.memory_space<vmem>> -> memref<32x512xf32, #tpu.memory_space<vmem>>
        tpu.wait_dma2 semaphore(%arg18 : memref<!tpu.dma_semaphore, #tpu.memory_space<semaphore_mem>>) src(%dma_wait3A_272 : memref<32x512xf32, #tpu.memory_space<vmem>>) dst(%dma_wait3A_268 : memref<32x512xf32, #tpu.memory_space<hbm>>)
      } else {
      }
      %scan3A_236 = arith.constant 0 : i32
      %scan3A_237 = arith.constant 0 : i32
      %scan3A_238 = arith.constant 32 : i32
      %scan3A_239 = arith.addi %scan3A_237, %scan3A_238 : i32
      %scan3A_240 = arith.constant 1 : i32
      scf.for %scan3A_258 = %scan3A_237 to %scan3A_239 step %scan3A_240  : i32 {
        %get3A = arith.constant 1 : i32
        %get3A_259 = arith.index_cast %get3A : i32 to index
        %get3A_260 = arith.index_cast %scan3A_258 : i32 to index
        %get3A_261 = arith.constant 0 : index
        %get3A_262 = tpu.vector_load %arg9[%get3A_259, %get3A_260, %get3A_261] {strides = array<i32>} : memref<2x32x32xf32, #tpu.memory_space<vmem>>, vector<1x1x16xf32>,
        %get3A_263 = vector.shape_cast %get3A_262 : vector<1x1x16xf32> to vector<16xf32>
        %get3A_264 = arith.constant 1 : i32
        %get3A_265 = arith.index_cast %get3A_264 : i32 to index
        %get3A_266 = arith.index_cast %scan3A_258 : i32 to index
        %get3A_267 = arith.constant 16 : index
        %get3A_268 = tpu.vector_load %arg9[%get3A_265, %get3A_266, %get3A_267] {strides = array<i32>} : memref<2x32x32xf32, #tpu.memory_space<vmem>>, vector<1x1x16xf32>,
        %get3A_269 = vector.shape_cast %get3A_268 : vector<1x1x16xf32> to vector<16xf32>
        %get3A_270 = arith.constant 1 : i32
        %get3A_271 = arith.index_cast %get3A_270 : i32 to index
        %get3A_272 = arith.index_cast %scan3A_258 : i32 to index
        %get3A_273 = arith.constant 0 : index
        %get3A_274 = tpu.vector_load %arg10[%get3A_271, %get3A_272, %get3A_273] {strides = array<i32>} : memref<2x32x512xf32, #tpu.memory_space<vmem>>, vector<1x1x16xf32>,
        %get3A_275 = vector.shape_cast %get3A_274 : vector<1x1x16xf32> to vector<16xf32>
        %get3A_276 = arith.constant 1 : i32
        %get3A_277 = arith.index_cast %get3A_276 : i32 to index
        %get3A_278 = arith.index_cast %scan3A_258 : i32 to index
        %get3A_279 = arith.constant 0 : index
        %get3A_280 = tpu.vector_load %arg11[%get3A_277, %get3A_278, %get3A_279] {strides = array<i32>} : memref<2x32x512xf32, #tpu.memory_space<vmem>>, vector<1x1x16xf32>,
        %get3A_281 = vector.shape_cast %get3A_280 : vector<1x1x16xf32> to vector<16xf32>
        %mul3A_282 = arith.mulf %get3A_263, %get3A_275 : vector<16xf32>
        %mul3A_283 = arith.mulf %get3A_269, %get3A_281 : vector<16xf32>
        %add3A_284 = arith.addf %mul3A_282, %mul3A_283 : vector<16xf32>
        %swap3A = arith.constant 1 : i32
        %swap3A_285 = arith.index_cast %swap3A : i32 to index
        %swap3A_286 = arith.index_cast %scan3A_258 : i32 to index
        %swap3A_287 = arith.constant 0 : index
        %swap3A_288 = tpu.vector_load %arg12[%swap3A_285, %swap3A_286, %swap3A_287] {strides = array<i32>} : memref<2x32x512xf32, #tpu.memory_space<vmem>>, vector<1x1x16xf32>,
        %swap3A_289 = vector.shape_cast %swap3A_288 : vector<1x1x16xf32> to vector<16xf32>
        %swap3A_290 = vector.shape_cast %add3A_284 : vector<16xf32> to vector<1x1x16xf32>
        tpu.vector_store %arg12[%swap3A_285, %swap3A_286, %swap3A_287], %swap3A_290 {strides = array<i32>} : memref<2x32x512xf32, #tpu.memory_space<vmem>>, vector<1x1x16xf32>,
        %get3A_291 = arith.constant 1 : i32
        %get3A_292 = arith.index_cast %get3A_291 : i32 to index
        %get3A_293 = arith.index_cast %scan3A_258 : i32 to index
        %get3A_294 = arith.constant 16 : index
        %get3A_295 = tpu.vector_load %arg10[%get3A_292, %get3A_293, %get3A_294] {strides = array<i32>} : memref<2x32x512xf32, #tpu.memory_space<vmem>>, vector<1x1x16xf32>,
        %get3A_296 = vector.shape_cast %get3A_295 : vector<1x1x16xf32> to vector<16xf32>
        %get3A_297 = arith.constant 1 : i32
        %get3A_298 = arith.index_cast %get3A_297 : i32 to index
        %get3A_299 = arith.index_cast %scan3A_258 : i32 to index
        %get3A_300 = arith.constant 16 : index
        %get3A_301 = tpu.vector_load %arg11[%get3A_298, %get3A_299, %get3A_300] {strides = array<i32>} : memref<2x32x512xf32, #tpu.memory_space<vmem>>, vector<1x1x16xf32>,
        %get3A_302 = vector.shape_cast %get3A_301 : vector<1x1x16xf32> to vector<16xf32>
        %mul3A_303 = arith.mulf %get3A_263, %get3A_296 : vector<16xf32>
        %mul3A_304 = arith.mulf %get3A_269, %get3A_302 : vector<16xf32>
        %add3A_305 = arith.addf %mul3A_303, %mul3A_304 : vector<16xf32>
        %swap3A_306 = arith.constant 1 : i32
        %swap3A_307 = arith.index_cast %swap3A_306 : i32 to index
        %swap3A_308 = arith.index_cast %scan3A_258 : i32 to index
        %swap3A_309 = arith.constant 16 : index
        %swap3A_310 = tpu.vector_load %arg12[%swap3A_307, %swap3A_308, %swap3A_309] {strides = array<i32>} : memref<2x32x512xf32, #tpu.memory_space<vmem>>, vector<1x1x16xf32>,
        %swap3A_311 = vector.shape_cast %swap3A_310 : vector<1x1x16xf32> to vector<16xf32>
        %swap3A_312 = vector.shape_cast %add3A_305 : vector<16xf32> to vector<1x1x16xf32>
        tpu.vector_store %arg12[%swap3A_307, %swap3A_308, %swap3A_309], %swap3A_312 {strides = array<i32>} : memref<2x32x512xf32, #tpu.memory_space<vmem>>, vector<1x1x16xf32>,
        %get3A_313 = arith.constant 1 : i32
        %get3A_314 = arith.index_cast %get3A_313 : i32 to index
        %get3A_315 = arith.index_cast %scan3A_258 : i32 to index
        %get3A_316 = arith.constant 32 : index
        %get3A_317 = tpu.vector_load %arg10[%get3A_314, %get3A_315, %get3A_316] {strides = array<i32>} : memref<2x32x512xf32, #tpu.memory_space<vmem>>, vector<1x1x16xf32>,
        %get3A_318 = vector.shape_cast %get3A_317 : vector<1x1x16xf32> to vector<16xf32>
        %get3A_319 = arith.constant 1 : i32
        %get3A_320 = arith.index_cast %get3A_319 : i32 to index
        %get3A_321 = arith.index_cast %scan3A_258 : i32 to index
        %get3A_322 = arith.constant 32 : index
        %get3A_323 = tpu.vector_load %arg11[%get3A_320, %get3A_321, %get3A_322] {strides = array<i32>} : memref<2x32x512xf32, #tpu.memory_space<vmem>>, vector<1x1x16xf32>,
        %get3A_324 = vector.shape_cast %get3A_323 : vector<1x1x16xf32> to vector<16xf32>
        %mul3A_325 = arith.mulf %get3A_263, %get3A_318 : vector<16xf32>
        %mul3A_326 = arith.mulf %get3A_269, %get3A_324 : vector<16xf32>
        %add3A_327 = arith.addf %mul3A_325, %mul3A_326 : vector<16xf32>
        %swap3A_328 = arith.constant 1 : i32
        %swap3A_329 = arith.index_cast %swap3A_328 : i32 to index
        %swap3A_330 = arith.index_cast %scan3A_258 : i32 to index
        %swap3A_331 = arith.constant 32 : index
        %swap3A_332 = tpu.vector_load %arg12[%swap3A_329, %swap3A_330, %swap3A_331] {strides = array<i32>} : memref<2x32x512xf32, #tpu.memory_space<vmem>>, vector<1x1x16xf32>,
        %swap3A_333 = vector.shape_cast %swap3A_332 : vector<1x1x16xf32> to vector<16xf32>
        %swap3A_334 = vector.shape_cast %add3A_327 : vector<16xf32> to vector<1x1x16xf32>
        tpu.vector_store %arg12[%swap3A_329, %swap3A_330, %swap3A_331], %swap3A_334 {strides = array<i32>} : memref<2x32x512xf32, #tpu.memory_space<vmem>>, vector<1x1x16xf32>,
        %get3A_335 = arith.constant 1 : i32
        %get3A_336 = arith.index_cast %get3A_335 : i32 to index
        %get3A_337 = arith.index_cast %scan3A_258 : i32 to index
        %get3A_338 = arith.constant 48 : index
        %get3A_339 = tpu.vector_load %arg10[%get3A_336, %get3A_337, %get3A_338] {strides = array<i32>} : memref<2x32x512xf32, #tpu.memory_space<vmem>>, vector<1x1x16xf32>,
        %get3A_340 = vector.shape_cast %get3A_339 : vector<1x1x16xf32> to vector<16xf32>
        %get3A_341 = arith.constant 1 : i32
        %get3A_342 = arith.index_cast %get3A_341 : i32 to index
        %get3A_343 = arith.index_cast %scan3A_258 : i32 to index
        %get3A_344 = arith.constant 48 : index
        %get3A_345 = tpu.vector_load %arg11[%get3A_342, %get3A_343, %get3A_344] {strides = array<i32>} : memref<2x32x512xf32, #tpu.memory_space<vmem>>, vector<1x1x16xf32>,
        %get3A_346 = vector.shape_cast %get3A_345 : vector<1x1x16xf32> to vector<16xf32>
        %mul3A_347 = arith.mulf %get3A_263, %get3A_340 : vector<16xf32>
        %mul3A_348 = arith.mulf %get3A_269, %get3A_346 : vector<16xf32>
        %add3A_349 = arith.addf %mul3A_347, %mul3A_348 : vector<16xf32>
        %swap3A_350 = arith.constant 1 : i32
        %swap3A_351 = arith.index_cast %swap3A_350 : i32 to index
        %swap3A_352 = arith.index_cast %scan3A_258 : i32 to index
        %swap3A_353 = arith.constant 48 : index
        %swap3A_354 = tpu.vector_load %arg12[%swap3A_351, %swap3A_352, %swap3A_353] {strides = array<i32>} : memref<2x32x512xf32, #tpu.memory_space<vmem>>, vector<1x1x16xf32>,
        %swap3A_355 = vector.shape_cast %swap3A_354 : vector<1x1x16xf32> to vector<16xf32>
        %swap3A_356 = vector.shape_cast %add3A_349 : vector<16xf32> to vector<1x1x16xf32>
        tpu.vector_store %arg12[%swap3A_351, %swap3A_352, %swap3A_353], %swap3A_356 {strides = array<i32>} : memref<2x32x512xf32, #tpu.memory_space<vmem>>, vector<1x1x16xf32>,
        %get3A_357 = arith.constant 1 : i32
        %get3A_358 = arith.index_cast %get3A_357 : i32 to index
        %get3A_359 = arith.index_cast %scan3A_258 : i32 to index
        %get3A_360 = arith.constant 64 : index
        %get3A_361 = tpu.vector_load %arg10[%get3A_358, %get3A_359, %get3A_360] {strides = array<i32>} : memref<2x32x512xf32, #tpu.memory_space<vmem>>, vector<1x1x16xf32>,
        %get3A_362 = vector.shape_cast %get3A_361 : vector<1x1x16xf32> to vector<16xf32>
        %get3A_363 = arith.constant 1 : i32
        %get3A_364 = arith.index_cast %get3A_363 : i32 to index
        %get3A_365 = arith.index_cast %scan3A_258 : i32 to index
        %get3A_366 = arith.constant 64 : index
        %get3A_367 = tpu.vector_load %arg11[%get3A_364, %get3A_365, %get3A_366] {strides = array<i32>} : memref<2x32x512xf32, #tpu.memory_space<vmem>>, vector<1x1x16xf32>,
        %get3A_368 = vector.shape_cast %get3A_367 : vector<1x1x16xf32> to vector<16xf32>
        %mul3A_369 = arith.mulf %get3A_263, %get3A_362 : vector<16xf32>
        %mul3A_370 = arith.mulf %get3A_269, %get3A_368 : vector<16xf32>
        %add3A_371 = arith.addf %mul3A_369, %mul3A_370 : vector<16xf32>
        %swap3A_372 = arith.constant 1 : i32
        %swap3A_373 = arith.index_cast %swap3A_372 : i32 to index
        %swap3A_374 = arith.index_cast %scan3A_258 : i32 to index
        %swap3A_375 = arith.constant 64 : index
        %swap3A_376 = tpu.vector_load %arg12[%swap3A_373, %swap3A_374, %swap3A_375] {strides = array<i32>} : memref<2x32x512xf32, #tpu.memory_space<vmem>>, vector<1x1x16xf32>,
        %swap3A_377 = vector.shape_cast %swap3A_376 : vector<1x1x16xf32> to vector<16xf32>
        %swap3A_378 = vector.shape_cast %add3A_371 : vector<16xf32> to vector<1x1x16xf32>
        tpu.vector_store %arg12[%swap3A_373, %swap3A_374, %swap3A_375], %swap3A_378 {strides = array<i32>} : memref<2x32x512xf32, #tpu.memory_space<vmem>>, vector<1x1x16xf32>,
        %get3A_379 = arith.constant 1 : i32
        %get3A_380 = arith.index_cast %get3A_379 : i32 to index
        %get3A_381 = arith.index_cast %scan3A_258 : i32 to index
        %get3A_382 = arith.constant 80 : index
        %get3A_383 = tpu.vector_load %arg10[%get3A_380, %get3A_381, %get3A_382] {strides = array<i32>} : memref<2x32x512xf32, #tpu.memory_space<vmem>>, vector<1x1x16xf32>,
        %get3A_384 = vector.shape_cast %get3A_383 : vector<1x1x16xf32> to vector<16xf32>
        %get3A_385 = arith.constant 1 : i32
        %get3A_386 = arith.index_cast %get3A_385 : i32 to index
        %get3A_387 = arith.index_cast %scan3A_258 : i32 to index
        %get3A_388 = arith.constant 80 : index
        %get3A_389 = tpu.vector_load %arg11[%get3A_386, %get3A_387, %get3A_388] {strides = array<i32>} : memref<2x32x512xf32, #tpu.memory_space<vmem>>, vector<1x1x16xf32>,
        %get3A_390 = vector.shape_cast %get3A_389 : vector<1x1x16xf32> to vector<16xf32>
        %mul3A_391 = arith.mulf %get3A_263, %get3A_384 : vector<16xf32>
        %mul3A_392 = arith.mulf %get3A_269, %get3A_390 : vector<16xf32>
        %add3A_393 = arith.addf %mul3A_391, %mul3A_392 : vector<16xf32>
        %swap3A_394 = arith.constant 1 : i32
        %swap3A_395 = arith.index_cast %swap3A_394 : i32 to index
        %swap3A_396 = arith.index_cast %scan3A_258 : i32 to index
        %swap3A_397 = arith.constant 80 : index
        %swap3A_398 = tpu.vector_load %arg12[%swap3A_395, %swap3A_396, %swap3A_397] {strides = array<i32>} : memref<2x32x512xf32, #tpu.memory_space<vmem>>, vector<1x1x16xf32>,
        %swap3A_399 = vector.shape_cast %swap3A_398 : vector<1x1x16xf32> to vector<16xf32>
        %swap3A_400 = vector.shape_cast %add3A_393 : vector<16xf32> to vector<1x1x16xf32>
        tpu.vector_store %arg12[%swap3A_395, %swap3A_396, %swap3A_397], %swap3A_400 {strides = array<i32>} : memref<2x32x512xf32, #tpu.memory_space<vmem>>, vector<1x1x16xf32>,
        %get3A_401 = arith.constant 1 : i32
        %get3A_402 = arith.index_cast %get3A_401 : i32 to index
        %get3A_403 = arith.index_cast %scan3A_258 : i32 to index
        %get3A_404 = arith.constant 96 : index
        %get3A_405 = tpu.vector_load %arg10[%get3A_402, %get3A_403, %get3A_404] {strides = array<i32>} : memref<2x32x512xf32, #tpu.memory_space<vmem>>, vector<1x1x16xf32>,
        %get3A_406 = vector.shape_cast %get3A_405 : vector<1x1x16xf32> to vector<16xf32>
        %get3A_407 = arith.constant 1 : i32
        %get3A_408 = arith.index_cast %get3A_407 : i32 to index
        %get3A_409 = arith.index_cast %scan3A_258 : i32 to index
        %get3A_410 = arith.constant 96 : index
        %get3A_411 = tpu.vector_load %arg11[%get3A_408, %get3A_409, %get3A_410] {strides = array<i32>} : memref<2x32x512xf32, #tpu.memory_space<vmem>>, vector<1x1x16xf32>,
        %get3A_412 = vector.shape_cast %get3A_411 : vector<1x1x16xf32> to vector<16xf32>
        %mul3A_413 = arith.mulf %get3A_263, %get3A_406 : vector<16xf32>
        %mul3A_414 = arith.mulf %get3A_269, %get3A_412 : vector<16xf32>
        %add3A_415 = arith.addf %mul3A_413, %mul3A_414 : vector<16xf32>
        %swap3A_416 = arith.constant 1 : i32
        %swap3A_417 = arith.index_cast %swap3A_416 : i32 to index
        %swap3A_418 = arith.index_cast %scan3A_258 : i32 to index
        %swap3A_419 = arith.constant 96 : index
        %swap3A_420 = tpu.vector_load %arg12[%swap3A_417, %swap3A_418, %swap3A_419] {strides = array<i32>} : memref<2x32x512xf32, #tpu.memory_space<vmem>>, vector<1x1x16xf32>,
        %swap3A_421 = vector.shape_cast %swap3A_420 : vector<1x1x16xf32> to vector<16xf32>
        %swap3A_422 = vector.shape_cast %add3A_415 : vector<16xf32> to vector<1x1x16xf32>
        tpu.vector_store %arg12[%swap3A_417, %swap3A_418, %swap3A_419], %swap3A_422 {strides = array<i32>} : memref<2x32x512xf32, #tpu.memory_space<vmem>>, vector<1x1x16xf32>,
        %get3A_423 = arith.constant 1 : i32
        %get3A_424 = arith.index_cast %get3A_423 : i32 to index
        %get3A_425 = arith.index_cast %scan3A_258 : i32 to index
        %get3A_426 = arith.constant 112 : index
        %get3A_427 = tpu.vector_load %arg10[%get3A_424, %get3A_425, %get3A_426] {strides = array<i32>} : memref<2x32x512xf32, #tpu.memory_space<vmem>>, vector<1x1x16xf32>,
        %get3A_428 = vector.shape_cast %get3A_427 : vector<1x1x16xf32> to vector<16xf32>
        %get3A_429 = arith.constant 1 : i32
        %get3A_430 = arith.index_cast %get3A_429 : i32 to index
        %get3A_431 = arith.index_cast %scan3A_258 : i32 to index
        %get3A_432 = arith.constant 112 : index
        %get3A_433 = tpu.vector_load %arg11[%get3A_430, %get3A_431, %get3A_432] {strides = array<i32>} : memref<2x32x512xf32, #tpu.memory_space<vmem>>, vector<1x1x16xf32>,
        %get3A_434 = vector.shape_cast %get3A_433 : vector<1x1x16xf32> to vector<16xf32>
        %mul3A_435 = arith.mulf %get3A_263, %get3A_428 : vector<16xf32>
        %mul3A_436 = arith.mulf %get3A_269, %get3A_434 : vector<16xf32>
        %add3A_437 = arith.addf %mul3A_435, %mul3A_436 : vector<16xf32>
        %swap3A_438 = arith.constant 1 : i32
        %swap3A_439 = arith.index_cast %swap3A_438 : i32 to index
        %swap3A_440 = arith.index_cast %scan3A_258 : i32 to index
        %swap3A_441 = arith.constant 112 : index
        %swap3A_442 = tpu.vector_load %arg12[%swap3A_439, %swap3A_440, %swap3A_441] {strides = array<i32>} : memref<2x32x512xf32, #tpu.memory_space<vmem>>, vector<1x1x16xf32>,
        %swap3A_443 = vector.shape_cast %swap3A_442 : vector<1x1x16xf32> to vector<16xf32>
        %swap3A_444 = vector.shape_cast %add3A_437 : vector<16xf32> to vector<1x1x16xf32>
        tpu.vector_store %arg12[%swap3A_439, %swap3A_440, %swap3A_441], %swap3A_444 {strides = array<i32>} : memref<2x32x512xf32, #tpu.memory_space<vmem>>, vector<1x1x16xf32>,
        %get3A_445 = arith.constant 1 : i32
        %get3A_446 = arith.index_cast %get3A_445 : i32 to index
        %get3A_447 = arith.index_cast %scan3A_258 : i32 to index
        %get3A_448 = arith.constant 128 : index
        %get3A_449 = tpu.vector_load %arg10[%get3A_446, %get3A_447, %get3A_448] {strides = array<i32>} : memref<2x32x512xf32, #tpu.memory_space<vmem>>, vector<1x1x16xf32>,
        %get3A_450 = vector.shape_cast %get3A_449 : vector<1x1x16xf32> to vector<16xf32>
        %get3A_451 = arith.constant 1 : i32
        %get3A_452 = arith.index_cast %get3A_451 : i32 to index
        %get3A_453 = arith.index_cast %scan3A_258 : i32 to index
        %get3A_454 = arith.constant 128 : index
        %get3A_455 = tpu.vector_load %arg11[%get3A_452, %get3A_453, %get3A_454] {strides = array<i32>} : memref<2x32x512xf32, #tpu.memory_space<vmem>>, vector<1x1x16xf32>,
        %get3A_456 = vector.shape_cast %get3A_455 : vector<1x1x16xf32> to vector<16xf32>
        %mul3A_457 = arith.mulf %get3A_263, %get3A_450 : vector<16xf32>
        %mul3A_458 = arith.mulf %get3A_269, %get3A_456 : vector<16xf32>
        %add3A_459 = arith.addf %mul3A_457, %mul3A_458 : vector<16xf32>
        %swap3A_460 = arith.constant 1 : i32
        %swap3A_461 = arith.index_cast %swap3A_460 : i32 to index
        %swap3A_462 = arith.index_cast %scan3A_258 : i32 to index
        %swap3A_463 = arith.constant 128 : index
        %swap3A_464 = tpu.vector_load %arg12[%swap3A_461, %swap3A_462, %swap3A_463] {strides = array<i32>} : memref<2x32x512xf32, #tpu.memory_space<vmem>>, vector<1x1x16xf32>,
        %swap3A_465 = vector.shape_cast %swap3A_464 : vector<1x1x16xf32> to vector<16xf32>
        %swap3A_466 = vector.shape_cast %add3A_459 : vector<16xf32> to vector<1x1x16xf32>
        tpu.vector_store %arg12[%swap3A_461, %swap3A_462, %swap3A_463], %swap3A_466 {strides = array<i32>} : memref<2x32x512xf32, #tpu.memory_space<vmem>>, vector<1x1x16xf32>,
        %get3A_467 = arith.constant 1 : i32
        %get3A_468 = arith.index_cast %get3A_467 : i32 to index
        %get3A_469 = arith.index_cast %scan3A_258 : i32 to index
        %get3A_470 = arith.constant 144 : index
        %get3A_471 = tpu.vector_load %arg10[%get3A_468, %get3A_469, %get3A_470] {strides = array<i32>} : memref<2x32x512xf32, #tpu.memory_space<vmem>>, vector<1x1x16xf32>,
        %get3A_472 = vector.shape_cast %get3A_471 : vector<1x1x16xf32> to vector<16xf32>
        %get3A_473 = arith.constant 1 : i32
        %get3A_474 = arith.index_cast %get3A_473 : i32 to index
        %get3A_475 = arith.index_cast %scan3A_258 : i32 to index
        %get3A_476 = arith.constant 144 : index
        %get3A_477 = tpu.vector_load %arg11[%get3A_474, %get3A_475, %get3A_476] {strides = array<i32>} : memref<2x32x512xf32, #tpu.memory_space<vmem>>, vector<1x1x16xf32>,
        %get3A_478 = vector.shape_cast %get3A_477 : vector<1x1x16xf32> to vector<16xf32>
        %mul3A_479 = arith.mulf %get3A_263, %get3A_472 : vector<16xf32>
        %mul3A_480 = arith.mulf %get3A_269, %get3A_478 : vector<16xf32>
        %add3A_481 = arith.addf %mul3A_479, %mul3A_480 : vector<16xf32>
        %swap3A_482 = arith.constant 1 : i32
        %swap3A_483 = arith.index_cast %swap3A_482 : i32 to index
        %swap3A_484 = arith.index_cast %scan3A_258 : i32 to index
        %swap3A_485 = arith.constant 144 : index
        %swap3A_486 = tpu.vector_load %arg12[%swap3A_483, %swap3A_484, %swap3A_485] {strides = array<i32>} : memref<2x32x512xf32, #tpu.memory_space<vmem>>, vector<1x1x16xf32>,
        %swap3A_487 = vector.shape_cast %swap3A_486 : vector<1x1x16xf32> to vector<16xf32>
        %swap3A_488 = vector.shape_cast %add3A_481 : vector<16xf32> to vector<1x1x16xf32>
        tpu.vector_store %arg12[%swap3A_483, %swap3A_484, %swap3A_485], %swap3A_488 {strides = array<i32>} : memref<2x32x512xf32, #tpu.memory_space<vmem>>, vector<1x1x16xf32>,
        %get3A_489 = arith.constant 1 : i32
        %get3A_490 = arith.index_cast %get3A_489 : i32 to index
        %get3A_491 = arith.index_cast %scan3A_258 : i32 to index
        %get3A_492 = arith.constant 160 : index
        %get3A_493 = tpu.vector_load %arg10[%get3A_490, %get3A_491, %get3A_492] {strides = array<i32>} : memref<2x32x512xf32, #tpu.memory_space<vmem>>, vector<1x1x16xf32>,
        %get3A_494 = vector.shape_cast %get3A_493 : vector<1x1x16xf32> to vector<16xf32>
        %get3A_495 = arith.constant 1 : i32
        %get3A_496 = arith.index_cast %get3A_495 : i32 to index
        %get3A_497 = arith.index_cast %scan3A_258 : i32 to index
        %get3A_498 = arith.constant 160 : index
        %get3A_499 = tpu.vector_load %arg11[%get3A_496, %get3A_497, %get3A_498] {strides = array<i32>} : memref<2x32x512xf32, #tpu.memory_space<vmem>>, vector<1x1x16xf32>,
        %get3A_500 = vector.shape_cast %get3A_499 : vector<1x1x16xf32> to vector<16xf32>
        %mul3A_501 = arith.mulf %get3A_263, %get3A_494 : vector<16xf32>
        %mul3A_502 = arith.mulf %get3A_269, %get3A_500 : vector<16xf32>
        %add3A_503 = arith.addf %mul3A_501, %mul3A_502 : vector<16xf32>
        %swap3A_504 = arith.constant 1 : i32
        %swap3A_505 = arith.index_cast %swap3A_504 : i32 to index
        %swap3A_506 = arith.index_cast %scan3A_258 : i32 to index
        %swap3A_507 = arith.constant 160 : index
        %swap3A_508 = tpu.vector_load %arg12[%swap3A_505, %swap3A_506, %swap3A_507] {strides = array<i32>} : memref<2x32x512xf32, #tpu.memory_space<vmem>>, vector<1x1x16xf32>,
        %swap3A_509 = vector.shape_cast %swap3A_508 : vector<1x1x16xf32> to vector<16xf32>
        %swap3A_510 = vector.shape_cast %add3A_503 : vector<16xf32> to vector<1x1x16xf32>
        tpu.vector_store %arg12[%swap3A_505, %swap3A_506, %swap3A_507], %swap3A_510 {strides = array<i32>} : memref<2x32x512xf32, #tpu.memory_space<vmem>>, vector<1x1x16xf32>,
        %get3A_511 = arith.constant 1 : i32
        %get3A_512 = arith.index_cast %get3A_511 : i32 to index
        %get3A_513 = arith.index_cast %scan3A_258 : i32 to index
        %get3A_514 = arith.constant 176 : index
        %get3A_515 = tpu.vector_load %arg10[%get3A_512, %get3A_513, %get3A_514] {strides = array<i32>} : memref<2x32x512xf32, #tpu.memory_space<vmem>>, vector<1x1x16xf32>,
        %get3A_516 = vector.shape_cast %get3A_515 : vector<1x1x16xf32> to vector<16xf32>
        %get3A_517 = arith.constant 1 : i32
        %get3A_518 = arith.index_cast %get3A_517 : i32 to index
        %get3A_519 = arith.index_cast %scan3A_258 : i32 to index
        %get3A_520 = arith.constant 176 : index
        %get3A_521 = tpu.vector_load %arg11[%get3A_518, %get3A_519, %get3A_520] {strides = array<i32>} : memref<2x32x512xf32, #tpu.memory_space<vmem>>, vector<1x1x16xf32>,
        %get3A_522 = vector.shape_cast %get3A_521 : vector<1x1x16xf32> to vector<16xf32>
        %mul3A_523 = arith.mulf %get3A_263, %get3A_516 : vector<16xf32>
        %mul3A_524 = arith.mulf %get3A_269, %get3A_522 : vector<16xf32>
        %add3A_525 = arith.addf %mul3A_523, %mul3A_524 : vector<16xf32>
        %swap3A_526 = arith.constant 1 : i32
        %swap3A_527 = arith.index_cast %swap3A_526 : i32 to index
        %swap3A_528 = arith.index_cast %scan3A_258 : i32 to index
        %swap3A_529 = arith.constant 176 : index
        %swap3A_530 = tpu.vector_load %arg12[%swap3A_527, %swap3A_528, %swap3A_529] {strides = array<i32>} : memref<2x32x512xf32, #tpu.memory_space<vmem>>, vector<1x1x16xf32>,
        %swap3A_531 = vector.shape_cast %swap3A_530 : vector<1x1x16xf32> to vector<16xf32>
        %swap3A_532 = vector.shape_cast %add3A_525 : vector<16xf32> to vector<1x1x16xf32>
        tpu.vector_store %arg12[%swap3A_527, %swap3A_528, %swap3A_529], %swap3A_532 {strides = array<i32>} : memref<2x32x512xf32, #tpu.memory_space<vmem>>, vector<1x1x16xf32>,
        %get3A_533 = arith.constant 1 : i32
        %get3A_534 = arith.index_cast %get3A_533 : i32 to index
        %get3A_535 = arith.index_cast %scan3A_258 : i32 to index
        %get3A_536 = arith.constant 192 : index
        %get3A_537 = tpu.vector_load %arg10[%get3A_534, %get3A_535, %get3A_536] {strides = array<i32>} : memref<2x32x512xf32, #tpu.memory_space<vmem>>, vector<1x1x16xf32>,
        %get3A_538 = vector.shape_cast %get3A_537 : vector<1x1x16xf32> to vector<16xf32>
        %get3A_539 = arith.constant 1 : i32
        %get3A_540 = arith.index_cast %get3A_539 : i32 to index
        %get3A_541 = arith.index_cast %scan3A_258 : i32 to index
        %get3A_542 = arith.constant 192 : index
        %get3A_543 = tpu.vector_load %arg11[%get3A_540, %get3A_541, %get3A_542] {strides = array<i32>} : memref<2x32x512xf32, #tpu.memory_space<vmem>>, vector<1x1x16xf32>,
        %get3A_544 = vector.shape_cast %get3A_543 : vector<1x1x16xf32> to vector<16xf32>
        %mul3A_545 = arith.mulf %get3A_263, %get3A_538 : vector<16xf32>
        %mul3A_546 = arith.mulf %get3A_269, %get3A_544 : vector<16xf32>
        %add3A_547 = arith.addf %mul3A_545, %mul3A_546 : vector<16xf32>
        %swap3A_548 = arith.constant 1 : i32
        %swap3A_549 = arith.index_cast %swap3A_548 : i32 to index
        %swap3A_550 = arith.index_cast %scan3A_258 : i32 to index
        %swap3A_551 = arith.constant 192 : index
        %swap3A_552 = tpu.vector_load %arg12[%swap3A_549, %swap3A_550, %swap3A_551] {strides = array<i32>} : memref<2x32x512xf32, #tpu.memory_space<vmem>>, vector<1x1x16xf32>,
        %swap3A_553 = vector.shape_cast %swap3A_552 : vector<1x1x16xf32> to vector<16xf32>
        %swap3A_554 = vector.shape_cast %add3A_547 : vector<16xf32> to vector<1x1x16xf32>
        tpu.vector_store %arg12[%swap3A_549, %swap3A_550, %swap3A_551], %swap3A_554 {strides = array<i32>} : memref<2x32x512xf32, #tpu.memory_space<vmem>>, vector<1x1x16xf32>,
        %get3A_555 = arith.constant 1 : i32
        %get3A_556 = arith.index_cast %get3A_555 : i32 to index
        %get3A_557 = arith.index_cast %scan3A_258 : i32 to index
        %get3A_558 = arith.constant 208 : index
        %get3A_559 = tpu.vector_load %arg10[%get3A_556, %get3A_557, %get3A_558] {strides = array<i32>} : memref<2x32x512xf32, #tpu.memory_space<vmem>>, vector<1x1x16xf32>,
        %get3A_560 = vector.shape_cast %get3A_559 : vector<1x1x16xf32> to vector<16xf32>
        %get3A_561 = arith.constant 1 : i32
        %get3A_562 = arith.index_cast %get3A_561 : i32 to index
        %get3A_563 = arith.index_cast %scan3A_258 : i32 to index
        %get3A_564 = arith.constant 208 : index
        %get3A_565 = tpu.vector_load %arg11[%get3A_562, %get3A_563, %get3A_564] {strides = array<i32>} : memref<2x32x512xf32, #tpu.memory_space<vmem>>, vector<1x1x16xf32>,
        %get3A_566 = vector.shape_cast %get3A_565 : vector<1x1x16xf32> to vector<16xf32>
        %mul3A_567 = arith.mulf %get3A_263, %get3A_560 : vector<16xf32>
        %mul3A_568 = arith.mulf %get3A_269, %get3A_566 : vector<16xf32>
        %add3A_569 = arith.addf %mul3A_567, %mul3A_568 : vector<16xf32>
        %swap3A_570 = arith.constant 1 : i32
        %swap3A_571 = arith.index_cast %swap3A_570 : i32 to index
        %swap3A_572 = arith.index_cast %scan3A_258 : i32 to index
        %swap3A_573 = arith.constant 208 : index
        %swap3A_574 = tpu.vector_load %arg12[%swap3A_571, %swap3A_572, %swap3A_573] {strides = array<i32>} : memref<2x32x512xf32, #tpu.memory_space<vmem>>, vector<1x1x16xf32>,
        %swap3A_575 = vector.shape_cast %swap3A_574 : vector<1x1x16xf32> to vector<16xf32>
        %swap3A_576 = vector.shape_cast %add3A_569 : vector<16xf32> to vector<1x1x16xf32>
        tpu.vector_store %arg12[%swap3A_571, %swap3A_572, %swap3A_573], %swap3A_576 {strides = array<i32>} : memref<2x32x512xf32, #tpu.memory_space<vmem>>, vector<1x1x16xf32>,
        %get3A_577 = arith.constant 1 : i32
        %get3A_578 = arith.index_cast %get3A_577 : i32 to index
        %get3A_579 = arith.index_cast %scan3A_258 : i32 to index
        %get3A_580 = arith.constant 224 : index
        %get3A_581 = tpu.vector_load %arg10[%get3A_578, %get3A_579, %get3A_580] {strides = array<i32>} : memref<2x32x512xf32, #tpu.memory_space<vmem>>, vector<1x1x16xf32>,
        %get3A_582 = vector.shape_cast %get3A_581 : vector<1x1x16xf32> to vector<16xf32>
        %get3A_583 = arith.constant 1 : i32
        %get3A_584 = arith.index_cast %get3A_583 : i32 to index
        %get3A_585 = arith.index_cast %scan3A_258 : i32 to index
        %get3A_586 = arith.constant 224 : index
        %get3A_587 = tpu.vector_load %arg11[%get3A_584, %get3A_585, %get3A_586] {strides = array<i32>} : memref<2x32x512xf32, #tpu.memory_space<vmem>>, vector<1x1x16xf32>,
        %get3A_588 = vector.shape_cast %get3A_587 : vector<1x1x16xf32> to vector<16xf32>
        %mul3A_589 = arith.mulf %get3A_263, %get3A_582 : vector<16xf32>
        %mul3A_590 = arith.mulf %get3A_269, %get3A_588 : vector<16xf32>
        %add3A_591 = arith.addf %mul3A_589, %mul3A_590 : vector<16xf32>
        %swap3A_592 = arith.constant 1 : i32
        %swap3A_593 = arith.index_cast %swap3A_592 : i32 to index
        %swap3A_594 = arith.index_cast %scan3A_258 : i32 to index
        %swap3A_595 = arith.constant 224 : index
        %swap3A_596 = tpu.vector_load %arg12[%swap3A_593, %swap3A_594, %swap3A_595] {strides = array<i32>} : memref<2x32x512xf32, #tpu.memory_space<vmem>>, vector<1x1x16xf32>,
        %swap3A_597 = vector.shape_cast %swap3A_596 : vector<1x1x16xf32> to vector<16xf32>
        %swap3A_598 = vector.shape_cast %add3A_591 : vector<16xf32> to vector<1x1x16xf32>
        tpu.vector_store %arg12[%swap3A_593, %swap3A_594, %swap3A_595], %swap3A_598 {strides = array<i32>} : memref<2x32x512xf32, #tpu.memory_space<vmem>>, vector<1x1x16xf32>,
        %get3A_599 = arith.constant 1 : i32
        %get3A_600 = arith.index_cast %get3A_599 : i32 to index
        %get3A_601 = arith.index_cast %scan3A_258 : i32 to index
        %get3A_602 = arith.constant 240 : index
        %get3A_603 = tpu.vector_load %arg10[%get3A_600, %get3A_601, %get3A_602] {strides = array<i32>} : memref<2x32x512xf32, #tpu.memory_space<vmem>>, vector<1x1x16xf32>,
        %get3A_604 = vector.shape_cast %get3A_603 : vector<1x1x16xf32> to vector<16xf32>
        %get3A_605 = arith.constant 1 : i32
        %get3A_606 = arith.index_cast %get3A_605 : i32 to index
        %get3A_607 = arith.index_cast %scan3A_258 : i32 to index
        %get3A_608 = arith.constant 240 : index
        %get3A_609 = tpu.vector_load %arg11[%get3A_606, %get3A_607, %get3A_608] {strides = array<i32>} : memref<2x32x512xf32, #tpu.memory_space<vmem>>, vector<1x1x16xf32>,
        %get3A_610 = vector.shape_cast %get3A_609 : vector<1x1x16xf32> to vector<16xf32>
        %mul3A_611 = arith.mulf %get3A_263, %get3A_604 : vector<16xf32>
        %mul3A_612 = arith.mulf %get3A_269, %get3A_610 : vector<16xf32>
        %add3A_613 = arith.addf %mul3A_611, %mul3A_612 : vector<16xf32>
        %swap3A_614 = arith.constant 1 : i32
        %swap3A_615 = arith.index_cast %swap3A_614 : i32 to index
        %swap3A_616 = arith.index_cast %scan3A_258 : i32 to index
        %swap3A_617 = arith.constant 240 : index
        %swap3A_618 = tpu.vector_load %arg12[%swap3A_615, %swap3A_616, %swap3A_617] {strides = array<i32>} : memref<2x32x512xf32, #tpu.memory_space<vmem>>, vector<1x1x16xf32>,
        %swap3A_619 = vector.shape_cast %swap3A_618 : vector<1x1x16xf32> to vector<16xf32>
        %swap3A_620 = vector.shape_cast %add3A_613 : vector<16xf32> to vector<1x1x16xf32>
        tpu.vector_store %arg12[%swap3A_615, %swap3A_616, %swap3A_617], %swap3A_620 {strides = array<i32>} : memref<2x32x512xf32, #tpu.memory_space<vmem>>, vector<1x1x16xf32>,
        %get3A_621 = arith.constant 1 : i32
        %get3A_622 = arith.index_cast %get3A_621 : i32 to index
        %get3A_623 = arith.index_cast %scan3A_258 : i32 to index
        %get3A_624 = arith.constant 256 : index
        %get3A_625 = tpu.vector_load %arg10[%get3A_622, %get3A_623, %get3A_624] {strides = array<i32>} : memref<2x32x512xf32, #tpu.memory_space<vmem>>, vector<1x1x16xf32>,
        %get3A_626 = vector.shape_cast %get3A_625 : vector<1x1x16xf32> to vector<16xf32>
        %get3A_627 = arith.constant 1 : i32
        %get3A_628 = arith.index_cast %get3A_627 : i32 to index
        %get3A_629 = arith.index_cast %scan3A_258 : i32 to index
        %get3A_630 = arith.constant 256 : index
        %get3A_631 = tpu.vector_load %arg11[%get3A_628, %get3A_629, %get3A_630] {strides = array<i32>} : memref<2x32x512xf32, #tpu.memory_space<vmem>>, vector<1x1x16xf32>,
        %get3A_632 = vector.shape_cast %get3A_631 : vector<1x1x16xf32> to vector<16xf32>
        %mul3A_633 = arith.mulf %get3A_263, %get3A_626 : vector<16xf32>
        %mul3A_634 = arith.mulf %get3A_269, %get3A_632 : vector<16xf32>
        %add3A_635 = arith.addf %mul3A_633, %mul3A_634 : vector<16xf32>
        %swap3A_636 = arith.constant 1 : i32
        %swap3A_637 = arith.index_cast %swap3A_636 : i32 to index
        %swap3A_638 = arith.index_cast %scan3A_258 : i32 to index
        %swap3A_639 = arith.constant 256 : index
        %swap3A_640 = tpu.vector_load %arg12[%swap3A_637, %swap3A_638, %swap3A_639] {strides = array<i32>} : memref<2x32x512xf32, #tpu.memory_space<vmem>>, vector<1x1x16xf32>,
        %swap3A_641 = vector.shape_cast %swap3A_640 : vector<1x1x16xf32> to vector<16xf32>
        %swap3A_642 = vector.shape_cast %add3A_635 : vector<16xf32> to vector<1x1x16xf32>
        tpu.vector_store %arg12[%swap3A_637, %swap3A_638, %swap3A_639], %swap3A_642 {strides = array<i32>} : memref<2x32x512xf32, #tpu.memory_space<vmem>>, vector<1x1x16xf32>,
        %get3A_643 = arith.constant 1 : i32
        %get3A_644 = arith.index_cast %get3A_643 : i32 to index
        %get3A_645 = arith.index_cast %scan3A_258 : i32 to index
        %get3A_646 = arith.constant 272 : index
        %get3A_647 = tpu.vector_load %arg10[%get3A_644, %get3A_645, %get3A_646] {strides = array<i32>} : memref<2x32x512xf32, #tpu.memory_space<vmem>>, vector<1x1x16xf32>,
        %get3A_648 = vector.shape_cast %get3A_647 : vector<1x1x16xf32> to vector<16xf32>
        %get3A_649 = arith.constant 1 : i32
        %get3A_650 = arith.index_cast %get3A_649 : i32 to index
        %get3A_651 = arith.index_cast %scan3A_258 : i32 to index
        %get3A_652 = arith.constant 272 : index
        %get3A_653 = tpu.vector_load %arg11[%get3A_650, %get3A_651, %get3A_652] {strides = array<i32>} : memref<2x32x512xf32, #tpu.memory_space<vmem>>, vector<1x1x16xf32>,
        %get3A_654 = vector.shape_cast %get3A_653 : vector<1x1x16xf32> to vector<16xf32>
        %mul3A_655 = arith.mulf %get3A_263, %get3A_648 : vector<16xf32>
        %mul3A_656 = arith.mulf %get3A_269, %get3A_654 : vector<16xf32>
        %add3A_657 = arith.addf %mul3A_655, %mul3A_656 : vector<16xf32>
        %swap3A_658 = arith.constant 1 : i32
        %swap3A_659 = arith.index_cast %swap3A_658 : i32 to index
        %swap3A_660 = arith.index_cast %scan3A_258 : i32 to index
        %swap3A_661 = arith.constant 272 : index
        %swap3A_662 = tpu.vector_load %arg12[%swap3A_659, %swap3A_660, %swap3A_661] {strides = array<i32>} : memref<2x32x512xf32, #tpu.memory_space<vmem>>, vector<1x1x16xf32>,
        %swap3A_663 = vector.shape_cast %swap3A_662 : vector<1x1x16xf32> to vector<16xf32>
        %swap3A_664 = vector.shape_cast %add3A_657 : vector<16xf32> to vector<1x1x16xf32>
        tpu.vector_store %arg12[%swap3A_659, %swap3A_660, %swap3A_661], %swap3A_664 {strides = array<i32>} : memref<2x32x512xf32, #tpu.memory_space<vmem>>, vector<1x1x16xf32>,
        %get3A_665 = arith.constant 1 : i32
        %get3A_666 = arith.index_cast %get3A_665 : i32 to index
        %get3A_667 = arith.index_cast %scan3A_258 : i32 to index
        %get3A_668 = arith.constant 288 : index
        %get3A_669 = tpu.vector_load %arg10[%get3A_666, %get3A_667, %get3A_668] {strides = array<i32>} : memref<2x32x512xf32, #tpu.memory_space<vmem>>, vector<1x1x16xf32>,
        %get3A_670 = vector.shape_cast %get3A_669 : vector<1x1x16xf32> to vector<16xf32>
        %get3A_671 = arith.constant 1 : i32
        %get3A_672 = arith.index_cast %get3A_671 : i32 to index
        %get3A_673 = arith.index_cast %scan3A_258 : i32 to index
        %get3A_674 = arith.constant 288 : index
        %get3A_675 = tpu.vector_load %arg11[%get3A_672, %get3A_673, %get3A_674] {strides = array<i32>} : memref<2x32x512xf32, #tpu.memory_space<vmem>>, vector<1x1x16xf32>,
        %get3A_676 = vector.shape_cast %get3A_675 : vector<1x1x16xf32> to vector<16xf32>
        %mul3A_677 = arith.mulf %get3A_263, %get3A_670 : vector<16xf32>
        %mul3A_678 = arith.mulf %get3A_269, %get3A_676 : vector<16xf32>
        %add3A_679 = arith.addf %mul3A_677, %mul3A_678 : vector<16xf32>
        %swap3A_680 = arith.constant 1 : i32
        %swap3A_681 = arith.index_cast %swap3A_680 : i32 to index
        %swap3A_682 = arith.index_cast %scan3A_258 : i32 to index
        %swap3A_683 = arith.constant 288 : index
        %swap3A_684 = tpu.vector_load %arg12[%swap3A_681, %swap3A_682, %swap3A_683] {strides = array<i32>} : memref<2x32x512xf32, #tpu.memory_space<vmem>>, vector<1x1x16xf32>,
        %swap3A_685 = vector.shape_cast %swap3A_684 : vector<1x1x16xf32> to vector<16xf32>
        %swap3A_686 = vector.shape_cast %add3A_679 : vector<16xf32> to vector<1x1x16xf32>
        tpu.vector_store %arg12[%swap3A_681, %swap3A_682, %swap3A_683], %swap3A_686 {strides = array<i32>} : memref<2x32x512xf32, #tpu.memory_space<vmem>>, vector<1x1x16xf32>,
        %get3A_687 = arith.constant 1 : i32
        %get3A_688 = arith.index_cast %get3A_687 : i32 to index
        %get3A_689 = arith.index_cast %scan3A_258 : i32 to index
        %get3A_690 = arith.constant 304 : index
        %get3A_691 = tpu.vector_load %arg10[%get3A_688, %get3A_689, %get3A_690] {strides = array<i32>} : memref<2x32x512xf32, #tpu.memory_space<vmem>>, vector<1x1x16xf32>,
        %get3A_692 = vector.shape_cast %get3A_691 : vector<1x1x16xf32> to vector<16xf32>
        %get3A_693 = arith.constant 1 : i32
        %get3A_694 = arith.index_cast %get3A_693 : i32 to index
        %get3A_695 = arith.index_cast %scan3A_258 : i32 to index
        %get3A_696 = arith.constant 304 : index
        %get3A_697 = tpu.vector_load %arg11[%get3A_694, %get3A_695, %get3A_696] {strides = array<i32>} : memref<2x32x512xf32, #tpu.memory_space<vmem>>, vector<1x1x16xf32>,
        %get3A_698 = vector.shape_cast %get3A_697 : vector<1x1x16xf32> to vector<16xf32>
        %mul3A_699 = arith.mulf %get3A_263, %get3A_692 : vector<16xf32>
        %mul3A_700 = arith.mulf %get3A_269, %get3A_698 : vector<16xf32>
        %add3A_701 = arith.addf %mul3A_699, %mul3A_700 : vector<16xf32>
        %swap3A_702 = arith.constant 1 : i32
        %swap3A_703 = arith.index_cast %swap3A_702 : i32 to index
        %swap3A_704 = arith.index_cast %scan3A_258 : i32 to index
        %swap3A_705 = arith.constant 304 : index
        %swap3A_706 = tpu.vector_load %arg12[%swap3A_703, %swap3A_704, %swap3A_705] {strides = array<i32>} : memref<2x32x512xf32, #tpu.memory_space<vmem>>, vector<1x1x16xf32>,
        %swap3A_707 = vector.shape_cast %swap3A_706 : vector<1x1x16xf32> to vector<16xf32>
        %swap3A_708 = vector.shape_cast %add3A_701 : vector<16xf32> to vector<1x1x16xf32>
        tpu.vector_store %arg12[%swap3A_703, %swap3A_704, %swap3A_705], %swap3A_708 {strides = array<i32>} : memref<2x32x512xf32, #tpu.memory_space<vmem>>, vector<1x1x16xf32>,
        %get3A_709 = arith.constant 1 : i32
        %get3A_710 = arith.index_cast %get3A_709 : i32 to index
        %get3A_711 = arith.index_cast %scan3A_258 : i32 to index
        %get3A_712 = arith.constant 320 : index
        %get3A_713 = tpu.vector_load %arg10[%get3A_710, %get3A_711, %get3A_712] {strides = array<i32>} : memref<2x32x512xf32, #tpu.memory_space<vmem>>, vector<1x1x16xf32>,
        %get3A_714 = vector.shape_cast %get3A_713 : vector<1x1x16xf32> to vector<16xf32>
        %get3A_715 = arith.constant 1 : i32
        %get3A_716 = arith.index_cast %get3A_715 : i32 to index
        %get3A_717 = arith.index_cast %scan3A_258 : i32 to index
        %get3A_718 = arith.constant 320 : index
        %get3A_719 = tpu.vector_load %arg11[%get3A_716, %get3A_717, %get3A_718] {strides = array<i32>} : memref<2x32x512xf32, #tpu.memory_space<vmem>>, vector<1x1x16xf32>,
        %get3A_720 = vector.shape_cast %get3A_719 : vector<1x1x16xf32> to vector<16xf32>
        %mul3A_721 = arith.mulf %get3A_263, %get3A_714 : vector<16xf32>
        %mul3A_722 = arith.mulf %get3A_269, %get3A_720 : vector<16xf32>
        %add3A_723 = arith.addf %mul3A_721, %mul3A_722 : vector<16xf32>
        %swap3A_724 = arith.constant 1 : i32
        %swap3A_725 = arith.index_cast %swap3A_724 : i32 to index
        %swap3A_726 = arith.index_cast %scan3A_258 : i32 to index
        %swap3A_727 = arith.constant 320 : index
        %swap3A_728 = tpu.vector_load %arg12[%swap3A_725, %swap3A_726, %swap3A_727] {strides = array<i32>} : memref<2x32x512xf32, #tpu.memory_space<vmem>>, vector<1x1x16xf32>,
        %swap3A_729 = vector.shape_cast %swap3A_728 : vector<1x1x16xf32> to vector<16xf32>
        %swap3A_730 = vector.shape_cast %add3A_723 : vector<16xf32> to vector<1x1x16xf32>
        tpu.vector_store %arg12[%swap3A_725, %swap3A_726, %swap3A_727], %swap3A_730 {strides = array<i32>} : memref<2x32x512xf32, #tpu.memory_space<vmem>>, vector<1x1x16xf32>,
        %get3A_731 = arith.constant 1 : i32
        %get3A_732 = arith.index_cast %get3A_731 : i32 to index
        %get3A_733 = arith.index_cast %scan3A_258 : i32 to index
        %get3A_734 = arith.constant 336 : index
        %get3A_735 = tpu.vector_load %arg10[%get3A_732, %get3A_733, %get3A_734] {strides = array<i32>} : memref<2x32x512xf32, #tpu.memory_space<vmem>>, vector<1x1x16xf32>,
        %get3A_736 = vector.shape_cast %get3A_735 : vector<1x1x16xf32> to vector<16xf32>
        %get3A_737 = arith.constant 1 : i32
        %get3A_738 = arith.index_cast %get3A_737 : i32 to index
        %get3A_739 = arith.index_cast %scan3A_258 : i32 to index
        %get3A_740 = arith.constant 336 : index
        %get3A_741 = tpu.vector_load %arg11[%get3A_738, %get3A_739, %get3A_740] {strides = array<i32>} : memref<2x32x512xf32, #tpu.memory_space<vmem>>, vector<1x1x16xf32>,
        %get3A_742 = vector.shape_cast %get3A_741 : vector<1x1x16xf32> to vector<16xf32>
        %mul3A_743 = arith.mulf %get3A_263, %get3A_736 : vector<16xf32>
        %mul3A_744 = arith.mulf %get3A_269, %get3A_742 : vector<16xf32>
        %add3A_745 = arith.addf %mul3A_743, %mul3A_744 : vector<16xf32>
        %swap3A_746 = arith.constant 1 : i32
        %swap3A_747 = arith.index_cast %swap3A_746 : i32 to index
        %swap3A_748 = arith.index_cast %scan3A_258 : i32 to index
        %swap3A_749 = arith.constant 336 : index
        %swap3A_750 = tpu.vector_load %arg12[%swap3A_747, %swap3A_748, %swap3A_749] {strides = array<i32>} : memref<2x32x512xf32, #tpu.memory_space<vmem>>, vector<1x1x16xf32>,
        %swap3A_751 = vector.shape_cast %swap3A_750 : vector<1x1x16xf32> to vector<16xf32>
        %swap3A_752 = vector.shape_cast %add3A_745 : vector<16xf32> to vector<1x1x16xf32>
        tpu.vector_store %arg12[%swap3A_747, %swap3A_748, %swap3A_749], %swap3A_752 {strides = array<i32>} : memref<2x32x512xf32, #tpu.memory_space<vmem>>, vector<1x1x16xf32>,
        %get3A_753 = arith.constant 1 : i32
        %get3A_754 = arith.index_cast %get3A_753 : i32 to index
        %get3A_755 = arith.index_cast %scan3A_258 : i32 to index
        %get3A_756 = arith.constant 352 : index
        %get3A_757 = tpu.vector_load %arg10[%get3A_754, %get3A_755, %get3A_756] {strides = array<i32>} : memref<2x32x512xf32, #tpu.memory_space<vmem>>, vector<1x1x16xf32>,
        %get3A_758 = vector.shape_cast %get3A_757 : vector<1x1x16xf32> to vector<16xf32>
        %get3A_759 = arith.constant 1 : i32
        %get3A_760 = arith.index_cast %get3A_759 : i32 to index
        %get3A_761 = arith.index_cast %scan3A_258 : i32 to index
        %get3A_762 = arith.constant 352 : index
        %get3A_763 = tpu.vector_load %arg11[%get3A_760, %get3A_761, %get3A_762] {strides = array<i32>} : memref<2x32x512xf32, #tpu.memory_space<vmem>>, vector<1x1x16xf32>,
        %get3A_764 = vector.shape_cast %get3A_763 : vector<1x1x16xf32> to vector<16xf32>
        %mul3A_765 = arith.mulf %get3A_263, %get3A_758 : vector<16xf32>
        %mul3A_766 = arith.mulf %get3A_269, %get3A_764 : vector<16xf32>
        %add3A_767 = arith.addf %mul3A_765, %mul3A_766 : vector<16xf32>
        %swap3A_768 = arith.constant 1 : i32
        %swap3A_769 = arith.index_cast %swap3A_768 : i32 to index
        %swap3A_770 = arith.index_cast %scan3A_258 : i32 to index
        %swap3A_771 = arith.constant 352 : index
        %swap3A_772 = tpu.vector_load %arg12[%swap3A_769, %swap3A_770, %swap3A_771] {strides = array<i32>} : memref<2x32x512xf32, #tpu.memory_space<vmem>>, vector<1x1x16xf32>,
        %swap3A_773 = vector.shape_cast %swap3A_772 : vector<1x1x16xf32> to vector<16xf32>
        %swap3A_774 = vector.shape_cast %add3A_767 : vector<16xf32> to vector<1x1x16xf32>
        tpu.vector_store %arg12[%swap3A_769, %swap3A_770, %swap3A_771], %swap3A_774 {strides = array<i32>} : memref<2x32x512xf32, #tpu.memory_space<vmem>>, vector<1x1x16xf32>,
        %get3A_775 = arith.constant 1 : i32
        %get3A_776 = arith.index_cast %get3A_775 : i32 to index
        %get3A_777 = arith.index_cast %scan3A_258 : i32 to index
        %get3A_778 = arith.constant 368 : index
        %get3A_779 = tpu.vector_load %arg10[%get3A_776, %get3A_777, %get3A_778] {strides = array<i32>} : memref<2x32x512xf32, #tpu.memory_space<vmem>>, vector<1x1x16xf32>,
        %get3A_780 = vector.shape_cast %get3A_779 : vector<1x1x16xf32> to vector<16xf32>
        %get3A_781 = arith.constant 1 : i32
        %get3A_782 = arith.index_cast %get3A_781 : i32 to index
        %get3A_783 = arith.index_cast %scan3A_258 : i32 to index
        %get3A_784 = arith.constant 368 : index
        %get3A_785 = tpu.vector_load %arg11[%get3A_782, %get3A_783, %get3A_784] {strides = array<i32>} : memref<2x32x512xf32, #tpu.memory_space<vmem>>, vector<1x1x16xf32>,
        %get3A_786 = vector.shape_cast %get3A_785 : vector<1x1x16xf32> to vector<16xf32>
        %mul3A_787 = arith.mulf %get3A_263, %get3A_780 : vector<16xf32>
        %mul3A_788 = arith.mulf %get3A_269, %get3A_786 : vector<16xf32>
        %add3A_789 = arith.addf %mul3A_787, %mul3A_788 : vector<16xf32>
        %swap3A_790 = arith.constant 1 : i32
        %swap3A_791 = arith.index_cast %swap3A_790 : i32 to index
        %swap3A_792 = arith.index_cast %scan3A_258 : i32 to index
        %swap3A_793 = arith.constant 368 : index
        %swap3A_794 = tpu.vector_load %arg12[%swap3A_791, %swap3A_792, %swap3A_793] {strides = array<i32>} : memref<2x32x512xf32, #tpu.memory_space<vmem>>, vector<1x1x16xf32>,
        %swap3A_795 = vector.shape_cast %swap3A_794 : vector<1x1x16xf32> to vector<16xf32>
        %swap3A_796 = vector.shape_cast %add3A_789 : vector<16xf32> to vector<1x1x16xf32>
        tpu.vector_store %arg12[%swap3A_791, %swap3A_792, %swap3A_793], %swap3A_796 {strides = array<i32>} : memref<2x32x512xf32, #tpu.memory_space<vmem>>, vector<1x1x16xf32>,
        %get3A_797 = arith.constant 1 : i32
        %get3A_798 = arith.index_cast %get3A_797 : i32 to index
        %get3A_799 = arith.index_cast %scan3A_258 : i32 to index
        %get3A_800 = arith.constant 384 : index
        %get3A_801 = tpu.vector_load %arg10[%get3A_798, %get3A_799, %get3A_800] {strides = array<i32>} : memref<2x32x512xf32, #tpu.memory_space<vmem>>, vector<1x1x16xf32>,
        %get3A_802 = vector.shape_cast %get3A_801 : vector<1x1x16xf32> to vector<16xf32>
        %get3A_803 = arith.constant 1 : i32
        %get3A_804 = arith.index_cast %get3A_803 : i32 to index
        %get3A_805 = arith.index_cast %scan3A_258 : i32 to index
        %get3A_806 = arith.constant 384 : index
        %get3A_807 = tpu.vector_load %arg11[%get3A_804, %get3A_805, %get3A_806] {strides = array<i32>} : memref<2x32x512xf32, #tpu.memory_space<vmem>>, vector<1x1x16xf32>,
        %get3A_808 = vector.shape_cast %get3A_807 : vector<1x1x16xf32> to vector<16xf32>
        %mul3A_809 = arith.mulf %get3A_263, %get3A_802 : vector<16xf32>
        %mul3A_810 = arith.mulf %get3A_269, %get3A_808 : vector<16xf32>
        %add3A_811 = arith.addf %mul3A_809, %mul3A_810 : vector<16xf32>
        %swap3A_812 = arith.constant 1 : i32
        %swap3A_813 = arith.index_cast %swap3A_812 : i32 to index
        %swap3A_814 = arith.index_cast %scan3A_258 : i32 to index
        %swap3A_815 = arith.constant 384 : index
        %swap3A_816 = tpu.vector_load %arg12[%swap3A_813, %swap3A_814, %swap3A_815] {strides = array<i32>} : memref<2x32x512xf32, #tpu.memory_space<vmem>>, vector<1x1x16xf32>,
        %swap3A_817 = vector.shape_cast %swap3A_816 : vector<1x1x16xf32> to vector<16xf32>
        %swap3A_818 = vector.shape_cast %add3A_811 : vector<16xf32> to vector<1x1x16xf32>
        tpu.vector_store %arg12[%swap3A_813, %swap3A_814, %swap3A_815], %swap3A_818 {strides = array<i32>} : memref<2x32x512xf32, #tpu.memory_space<vmem>>, vector<1x1x16xf32>,
        %get3A_819 = arith.constant 1 : i32
        %get3A_820 = arith.index_cast %get3A_819 : i32 to index
        %get3A_821 = arith.index_cast %scan3A_258 : i32 to index
        %get3A_822 = arith.constant 400 : index
        %get3A_823 = tpu.vector_load %arg10[%get3A_820, %get3A_821, %get3A_822] {strides = array<i32>} : memref<2x32x512xf32, #tpu.memory_space<vmem>>, vector<1x1x16xf32>,
        %get3A_824 = vector.shape_cast %get3A_823 : vector<1x1x16xf32> to vector<16xf32>
        %get3A_825 = arith.constant 1 : i32
        %get3A_826 = arith.index_cast %get3A_825 : i32 to index
        %get3A_827 = arith.index_cast %scan3A_258 : i32 to index
        %get3A_828 = arith.constant 400 : index
        %get3A_829 = tpu.vector_load %arg11[%get3A_826, %get3A_827, %get3A_828] {strides = array<i32>} : memref<2x32x512xf32, #tpu.memory_space<vmem>>, vector<1x1x16xf32>,
        %get3A_830 = vector.shape_cast %get3A_829 : vector<1x1x16xf32> to vector<16xf32>
        %mul3A_831 = arith.mulf %get3A_263, %get3A_824 : vector<16xf32>
        %mul3A_832 = arith.mulf %get3A_269, %get3A_830 : vector<16xf32>
        %add3A_833 = arith.addf %mul3A_831, %mul3A_832 : vector<16xf32>
        %swap3A_834 = arith.constant 1 : i32
        %swap3A_835 = arith.index_cast %swap3A_834 : i32 to index
        %swap3A_836 = arith.index_cast %scan3A_258 : i32 to index
        %swap3A_837 = arith.constant 400 : index
        %swap3A_838 = tpu.vector_load %arg12[%swap3A_835, %swap3A_836, %swap3A_837] {strides = array<i32>} : memref<2x32x512xf32, #tpu.memory_space<vmem>>, vector<1x1x16xf32>,
        %swap3A_839 = vector.shape_cast %swap3A_838 : vector<1x1x16xf32> to vector<16xf32>
        %swap3A_840 = vector.shape_cast %add3A_833 : vector<16xf32> to vector<1x1x16xf32>
        tpu.vector_store %arg12[%swap3A_835, %swap3A_836, %swap3A_837], %swap3A_840 {strides = array<i32>} : memref<2x32x512xf32, #tpu.memory_space<vmem>>, vector<1x1x16xf32>,
        %get3A_841 = arith.constant 1 : i32
        %get3A_842 = arith.index_cast %get3A_841 : i32 to index
        %get3A_843 = arith.index_cast %scan3A_258 : i32 to index
        %get3A_844 = arith.constant 416 : index
        %get3A_845 = tpu.vector_load %arg10[%get3A_842, %get3A_843, %get3A_844] {strides = array<i32>} : memref<2x32x512xf32, #tpu.memory_space<vmem>>, vector<1x1x16xf32>,
        %get3A_846 = vector.shape_cast %get3A_845 : vector<1x1x16xf32> to vector<16xf32>
        %get3A_847 = arith.constant 1 : i32
        %get3A_848 = arith.index_cast %get3A_847 : i32 to index
        %get3A_849 = arith.index_cast %scan3A_258 : i32 to index
        %get3A_850 = arith.constant 416 : index
        %get3A_851 = tpu.vector_load %arg11[%get3A_848, %get3A_849, %get3A_850] {strides = array<i32>} : memref<2x32x512xf32, #tpu.memory_space<vmem>>, vector<1x1x16xf32>,
        %get3A_852 = vector.shape_cast %get3A_851 : vector<1x1x16xf32> to vector<16xf32>
        %mul3A_853 = arith.mulf %get3A_263, %get3A_846 : vector<16xf32>
        %mul3A_854 = arith.mulf %get3A_269, %get3A_852 : vector<16xf32>
        %add3A_855 = arith.addf %mul3A_853, %mul3A_854 : vector<16xf32>
        %swap3A_856 = arith.constant 1 : i32
        %swap3A_857 = arith.index_cast %swap3A_856 : i32 to index
        %swap3A_858 = arith.index_cast %scan3A_258 : i32 to index
        %swap3A_859 = arith.constant 416 : index
        %swap3A_860 = tpu.vector_load %arg12[%swap3A_857, %swap3A_858, %swap3A_859] {strides = array<i32>} : memref<2x32x512xf32, #tpu.memory_space<vmem>>, vector<1x1x16xf32>,
        %swap3A_861 = vector.shape_cast %swap3A_860 : vector<1x1x16xf32> to vector<16xf32>
        %swap3A_862 = vector.shape_cast %add3A_855 : vector<16xf32> to vector<1x1x16xf32>
        tpu.vector_store %arg12[%swap3A_857, %swap3A_858, %swap3A_859], %swap3A_862 {strides = array<i32>} : memref<2x32x512xf32, #tpu.memory_space<vmem>>, vector<1x1x16xf32>,
        %get3A_863 = arith.constant 1 : i32
        %get3A_864 = arith.index_cast %get3A_863 : i32 to index
        %get3A_865 = arith.index_cast %scan3A_258 : i32 to index
        %get3A_866 = arith.constant 432 : index
        %get3A_867 = tpu.vector_load %arg10[%get3A_864, %get3A_865, %get3A_866] {strides = array<i32>} : memref<2x32x512xf32, #tpu.memory_space<vmem>>, vector<1x1x16xf32>,
        %get3A_868 = vector.shape_cast %get3A_867 : vector<1x1x16xf32> to vector<16xf32>
        %get3A_869 = arith.constant 1 : i32
        %get3A_870 = arith.index_cast %get3A_869 : i32 to index
        %get3A_871 = arith.index_cast %scan3A_258 : i32 to index
        %get3A_872 = arith.constant 432 : index
        %get3A_873 = tpu.vector_load %arg11[%get3A_870, %get3A_871, %get3A_872] {strides = array<i32>} : memref<2x32x512xf32, #tpu.memory_space<vmem>>, vector<1x1x16xf32>,
        %get3A_874 = vector.shape_cast %get3A_873 : vector<1x1x16xf32> to vector<16xf32>
        %mul3A_875 = arith.mulf %get3A_263, %get3A_868 : vector<16xf32>
        %mul3A_876 = arith.mulf %get3A_269, %get3A_874 : vector<16xf32>
        %add3A_877 = arith.addf %mul3A_875, %mul3A_876 : vector<16xf32>
        %swap3A_878 = arith.constant 1 : i32
        %swap3A_879 = arith.index_cast %swap3A_878 : i32 to index
        %swap3A_880 = arith.index_cast %scan3A_258 : i32 to index
        %swap3A_881 = arith.constant 432 : index
        %swap3A_882 = tpu.vector_load %arg12[%swap3A_879, %swap3A_880, %swap3A_881] {strides = array<i32>} : memref<2x32x512xf32, #tpu.memory_space<vmem>>, vector<1x1x16xf32>,
        %swap3A_883 = vector.shape_cast %swap3A_882 : vector<1x1x16xf32> to vector<16xf32>
        %swap3A_884 = vector.shape_cast %add3A_877 : vector<16xf32> to vector<1x1x16xf32>
        tpu.vector_store %arg12[%swap3A_879, %swap3A_880, %swap3A_881], %swap3A_884 {strides = array<i32>} : memref<2x32x512xf32, #tpu.memory_space<vmem>>, vector<1x1x16xf32>,
        %get3A_885 = arith.constant 1 : i32
        %get3A_886 = arith.index_cast %get3A_885 : i32 to index
        %get3A_887 = arith.index_cast %scan3A_258 : i32 to index
        %get3A_888 = arith.constant 448 : index
        %get3A_889 = tpu.vector_load %arg10[%get3A_886, %get3A_887, %get3A_888] {strides = array<i32>} : memref<2x32x512xf32, #tpu.memory_space<vmem>>, vector<1x1x16xf32>,
        %get3A_890 = vector.shape_cast %get3A_889 : vector<1x1x16xf32> to vector<16xf32>
        %get3A_891 = arith.constant 1 : i32
        %get3A_892 = arith.index_cast %get3A_891 : i32 to index
        %get3A_893 = arith.index_cast %scan3A_258 : i32 to index
        %get3A_894 = arith.constant 448 : index
        %get3A_895 = tpu.vector_load %arg11[%get3A_892, %get3A_893, %get3A_894] {strides = array<i32>} : memref<2x32x512xf32, #tpu.memory_space<vmem>>, vector<1x1x16xf32>,
        %get3A_896 = vector.shape_cast %get3A_895 : vector<1x1x16xf32> to vector<16xf32>
        %mul3A_897 = arith.mulf %get3A_263, %get3A_890 : vector<16xf32>
        %mul3A_898 = arith.mulf %get3A_269, %get3A_896 : vector<16xf32>
        %add3A_899 = arith.addf %mul3A_897, %mul3A_898 : vector<16xf32>
        %swap3A_900 = arith.constant 1 : i32
        %swap3A_901 = arith.index_cast %swap3A_900 : i32 to index
        %swap3A_902 = arith.index_cast %scan3A_258 : i32 to index
        %swap3A_903 = arith.constant 448 : index
        %swap3A_904 = tpu.vector_load %arg12[%swap3A_901, %swap3A_902, %swap3A_903] {strides = array<i32>} : memref<2x32x512xf32, #tpu.memory_space<vmem>>, vector<1x1x16xf32>,
        %swap3A_905 = vector.shape_cast %swap3A_904 : vector<1x1x16xf32> to vector<16xf32>
        %swap3A_906 = vector.shape_cast %add3A_899 : vector<16xf32> to vector<1x1x16xf32>
        tpu.vector_store %arg12[%swap3A_901, %swap3A_902, %swap3A_903], %swap3A_906 {strides = array<i32>} : memref<2x32x512xf32, #tpu.memory_space<vmem>>, vector<1x1x16xf32>,
        %get3A_907 = arith.constant 1 : i32
        %get3A_908 = arith.index_cast %get3A_907 : i32 to index
        %get3A_909 = arith.index_cast %scan3A_258 : i32 to index
        %get3A_910 = arith.constant 464 : index
        %get3A_911 = tpu.vector_load %arg10[%get3A_908, %get3A_909, %get3A_910] {strides = array<i32>} : memref<2x32x512xf32, #tpu.memory_space<vmem>>, vector<1x1x16xf32>,
        %get3A_912 = vector.shape_cast %get3A_911 : vector<1x1x16xf32> to vector<16xf32>
        %get3A_913 = arith.constant 1 : i32
        %get3A_914 = arith.index_cast %get3A_913 : i32 to index
        %get3A_915 = arith.index_cast %scan3A_258 : i32 to index
        %get3A_916 = arith.constant 464 : index
        %get3A_917 = tpu.vector_load %arg11[%get3A_914, %get3A_915, %get3A_916] {strides = array<i32>} : memref<2x32x512xf32, #tpu.memory_space<vmem>>, vector<1x1x16xf32>,
        %get3A_918 = vector.shape_cast %get3A_917 : vector<1x1x16xf32> to vector<16xf32>
        %mul3A_919 = arith.mulf %get3A_263, %get3A_912 : vector<16xf32>
        %mul3A_920 = arith.mulf %get3A_269, %get3A_918 : vector<16xf32>
        %add3A_921 = arith.addf %mul3A_919, %mul3A_920 : vector<16xf32>
        %swap3A_922 = arith.constant 1 : i32
        %swap3A_923 = arith.index_cast %swap3A_922 : i32 to index
        %swap3A_924 = arith.index_cast %scan3A_258 : i32 to index
        %swap3A_925 = arith.constant 464 : index
        %swap3A_926 = tpu.vector_load %arg12[%swap3A_923, %swap3A_924, %swap3A_925] {strides = array<i32>} : memref<2x32x512xf32, #tpu.memory_space<vmem>>, vector<1x1x16xf32>,
        %swap3A_927 = vector.shape_cast %swap3A_926 : vector<1x1x16xf32> to vector<16xf32>
        %swap3A_928 = vector.shape_cast %add3A_921 : vector<16xf32> to vector<1x1x16xf32>
        tpu.vector_store %arg12[%swap3A_923, %swap3A_924, %swap3A_925], %swap3A_928 {strides = array<i32>} : memref<2x32x512xf32, #tpu.memory_space<vmem>>, vector<1x1x16xf32>,
        %get3A_929 = arith.constant 1 : i32
        %get3A_930 = arith.index_cast %get3A_929 : i32 to index
        %get3A_931 = arith.index_cast %scan3A_258 : i32 to index
        %get3A_932 = arith.constant 480 : index
        %get3A_933 = tpu.vector_load %arg10[%get3A_930, %get3A_931, %get3A_932] {strides = array<i32>} : memref<2x32x512xf32, #tpu.memory_space<vmem>>, vector<1x1x16xf32>,
        %get3A_934 = vector.shape_cast %get3A_933 : vector<1x1x16xf32> to vector<16xf32>
        %get3A_935 = arith.constant 1 : i32
        %get3A_936 = arith.index_cast %get3A_935 : i32 to index
        %get3A_937 = arith.index_cast %scan3A_258 : i32 to index
        %get3A_938 = arith.constant 480 : index
        %get3A_939 = tpu.vector_load %arg11[%get3A_936, %get3A_937, %get3A_938] {strides = array<i32>} : memref<2x32x512xf32, #tpu.memory_space<vmem>>, vector<1x1x16xf32>,
        %get3A_940 = vector.shape_cast %get3A_939 : vector<1x1x16xf32> to vector<16xf32>
        %mul3A_941 = arith.mulf %get3A_263, %get3A_934 : vector<16xf32>
        %mul3A_942 = arith.mulf %get3A_269, %get3A_940 : vector<16xf32>
        %add3A_943 = arith.addf %mul3A_941, %mul3A_942 : vector<16xf32>
        %swap3A_944 = arith.constant 1 : i32
        %swap3A_945 = arith.index_cast %swap3A_944 : i32 to index
        %swap3A_946 = arith.index_cast %scan3A_258 : i32 to index
        %swap3A_947 = arith.constant 480 : index
        %swap3A_948 = tpu.vector_load %arg12[%swap3A_945, %swap3A_946, %swap3A_947] {strides = array<i32>} : memref<2x32x512xf32, #tpu.memory_space<vmem>>, vector<1x1x16xf32>,
        %swap3A_949 = vector.shape_cast %swap3A_948 : vector<1x1x16xf32> to vector<16xf32>
        %swap3A_950 = vector.shape_cast %add3A_943 : vector<16xf32> to vector<1x1x16xf32>
        tpu.vector_store %arg12[%swap3A_945, %swap3A_946, %swap3A_947], %swap3A_950 {strides = array<i32>} : memref<2x32x512xf32, #tpu.memory_space<vmem>>, vector<1x1x16xf32>,
        %get3A_951 = arith.constant 1 : i32
        %get3A_952 = arith.index_cast %get3A_951 : i32 to index
        %get3A_953 = arith.index_cast %scan3A_258 : i32 to index
        %get3A_954 = arith.constant 496 : index
        %get3A_955 = tpu.vector_load %arg10[%get3A_952, %get3A_953, %get3A_954] {strides = array<i32>} : memref<2x32x512xf32, #tpu.memory_space<vmem>>, vector<1x1x16xf32>,
        %get3A_956 = vector.shape_cast %get3A_955 : vector<1x1x16xf32> to vector<16xf32>
        %get3A_957 = arith.constant 1 : i32
        %get3A_958 = arith.index_cast %get3A_957 : i32 to index
        %get3A_959 = arith.index_cast %scan3A_258 : i32 to index
        %get3A_960 = arith.constant 496 : index
        %get3A_961 = tpu.vector_load %arg11[%get3A_958, %get3A_959, %get3A_960] {strides = array<i32>} : memref<2x32x512xf32, #tpu.memory_space<vmem>>, vector<1x1x16xf32>,
        %get3A_962 = vector.shape_cast %get3A_961 : vector<1x1x16xf32> to vector<16xf32>
        %mul3A_963 = arith.mulf %get3A_263, %get3A_956 : vector<16xf32>
        %mul3A_964 = arith.mulf %get3A_269, %get3A_962 : vector<16xf32>
        %add3A_965 = arith.addf %mul3A_963, %mul3A_964 : vector<16xf32>
        %swap3A_966 = arith.constant 1 : i32
        %swap3A_967 = arith.index_cast %swap3A_966 : i32 to index
        %swap3A_968 = arith.index_cast %scan3A_258 : i32 to index
        %swap3A_969 = arith.constant 496 : index
        %swap3A_970 = tpu.vector_load %arg12[%swap3A_967, %swap3A_968, %swap3A_969] {strides = array<i32>} : memref<2x32x512xf32, #tpu.memory_space<vmem>>, vector<1x1x16xf32>,
        %swap3A_971 = vector.shape_cast %swap3A_970 : vector<1x1x16xf32> to vector<16xf32>
        %swap3A_972 = vector.shape_cast %add3A_965 : vector<16xf32> to vector<1x1x16xf32>
        tpu.vector_store %arg12[%swap3A_967, %swap3A_968, %swap3A_969], %swap3A_972 {strides = array<i32>} : memref<2x32x512xf32, #tpu.memory_space<vmem>>, vector<1x1x16xf32>,
      }
      %scan3A_241 = arith.constant 32 : i32
      %add3A_242 = arith.constant 12288 : i32
      %add3A_243 = arith.addi %add3A_242, %mul3A_2 : i32
      %add3A_244 = arith.addi %add3A_243, %add3A_77 : i32
      %dma_start3A_245 = arith.constant 1 : i32
      %dma_start3A_246 = arith.constant 0 : i32
      %dma_start3A_247 = arith.constant 0 : i32
      %dma_start3A_248 = tpu.memref_slice %arg12[%dma_start3A_245, %dma_start3A_246, %dma_start3A_247] : memref<2x32x512xf32, #tpu.memory_space<vmem>> -> memref<1x32x512xf32, #tpu.memory_space<vmem>>
      %dma_start3A_249 = tpu.memref_squeeze %dma_start3A_248 : memref<1x32x512xf32, #tpu.memory_space<vmem>> -> memref<32x512xf32, #tpu.memory_space<vmem>>
      %dma_start3A_250 = arith.constant 0 : i32
      %dma_start3A_251 = tpu.memref_slice %arg6[%add3A_244, %dma_start3A_250] : memref<32768x512xf32, #tpu.memory_space<hbm>> -> memref<32x512xf32, #tpu.memory_space<hbm>>
      %dma_start3A_252 = arith.constant 0 : i32
      %dma_start3A_253 = tpu.memref_slice %arg6[%add3A_244, %dma_start3A_252] : memref<32768x512xf32, #tpu.memory_space<hbm>> -> memref<32x512xf32, #tpu.memory_space<hbm>>
      %dma_start3A_254 = arith.constant 0 : i32
      %dma_start3A_255 = arith.constant 0 : i32
      %dma_start3A_256 = tpu.memref_slice %arg12[%dma_start3A_245, %dma_start3A_254, %dma_start3A_255] : memref<2x32x512xf32, #tpu.memory_space<vmem>> -> memref<1x32x512xf32, #tpu.memory_space<vmem>>
      %dma_start3A_257 = tpu.memref_squeeze %dma_start3A_256 : memref<1x32x512xf32, #tpu.memory_space<vmem>> -> memref<32x512xf32, #tpu.memory_space<vmem>>
      tpu.enqueue_dma source(%dma_start3A_257 : memref<32x512xf32, #tpu.memory_space<vmem>>) target(%dma_start3A_253 : memref<32x512xf32, #tpu.memory_space<hbm>>) target_semaphore(%arg18 : memref<!tpu.dma_semaphore, #tpu.memory_space<semaphore_mem>>)
    }
    %scan3A_41 = arith.constant 10 : i32
    %dma_wait3A = arith.constant 0 : i32
    %dma_wait3A_42 = arith.constant 0 : i32
    %dma_wait3A_43 = arith.constant 0 : i32
    %dma_wait3A_44 = tpu.memref_slice %arg12[%dma_wait3A, %dma_wait3A_42, %dma_wait3A_43] : memref<2x32x512xf32, #tpu.memory_space<vmem>> -> memref<1x32x512xf32, #tpu.memory_space<vmem>>
    %dma_wait3A_45 = tpu.memref_squeeze %dma_wait3A_44 : memref<1x32x512xf32, #tpu.memory_space<vmem>> -> memref<32x512xf32, #tpu.memory_space<vmem>>
    %dma_wait3A_46 = arith.constant 0 : i32
    %dma_wait3A_47 = arith.constant 0 : i32
    %dma_wait3A_48 = tpu.memref_slice %arg6[%dma_wait3A_46, %dma_wait3A_47] : memref<32768x512xf32, #tpu.memory_space<hbm>> -> memref<32x512xf32, #tpu.memory_space<hbm>>
    %dma_wait3A_49 = arith.constant 0 : i32
    %dma_wait3A_50 = arith.constant 0 : i32
    %dma_wait3A_51 = tpu.memref_slice %arg6[%dma_wait3A_49, %dma_wait3A_50] : memref<32768x512xf32, #tpu.memory_space<hbm>> -> memref<32x512xf32, #tpu.memory_space<hbm>>
    %dma_wait3A_52 = arith.constant 0 : i32
    %dma_wait3A_53 = arith.constant 0 : i32
    %dma_wait3A_54 = tpu.memref_slice %arg12[%dma_wait3A, %dma_wait3A_52, %dma_wait3A_53] : memref<2x32x512xf32, #tpu.memory_space<vmem>> -> memref<1x32x512xf32, #tpu.memory_space<vmem>>
    %dma_wait3A_55 = tpu.memref_squeeze %dma_wait3A_54 : memref<1x32x512xf32, #tpu.memory_space<vmem>> -> memref<32x512xf32, #tpu.memory_space<vmem>>
    tpu.wait_dma2 semaphore(%arg17 : memref<!tpu.dma_semaphore, #tpu.memory_space<semaphore_mem>>) src(%dma_wait3A_55 : memref<32x512xf32, #tpu.memory_space<vmem>>) dst(%dma_wait3A_51 : memref<32x512xf32, #tpu.memory_space<hbm>>)
    %dma_wait3A_56 = arith.constant 1 : i32
    %dma_wait3A_57 = arith.constant 0 : i32
    %dma_wait3A_58 = arith.constant 0 : i32
    %dma_wait3A_59 = tpu.memref_slice %arg12[%dma_wait3A_56, %dma_wait3A_57, %dma_wait3A_58] : memref<2x32x512xf32, #tpu.memory_space<vmem>> -> memref<1x32x512xf32, #tpu.memory_space<vmem>>
    %dma_wait3A_60 = tpu.memref_squeeze %dma_wait3A_59 : memref<1x32x512xf32, #tpu.memory_space<vmem>> -> memref<32x512xf32, #tpu.memory_space<vmem>>
    %dma_wait3A_61 = arith.constant 0 : i32
    %dma_wait3A_62 = arith.constant 0 : i32
    %dma_wait3A_63 = tpu.memref_slice %arg6[%dma_wait3A_61, %dma_wait3A_62] : memref<32768x512xf32, #tpu.memory_space<hbm>> -> memref<32x512xf32, #tpu.memory_space<hbm>>
    %dma_wait3A_64 = arith.constant 0 : i32
    %dma_wait3A_65 = arith.constant 0 : i32
    %dma_wait3A_66 = tpu.memref_slice %arg6[%dma_wait3A_64, %dma_wait3A_65] : memref<32768x512xf32, #tpu.memory_space<hbm>> -> memref<32x512xf32, #tpu.memory_space<hbm>>
    %dma_wait3A_67 = arith.constant 0 : i32
    %dma_wait3A_68 = arith.constant 0 : i32
    %dma_wait3A_69 = tpu.memref_slice %arg12[%dma_wait3A_56, %dma_wait3A_67, %dma_wait3A_68] : memref<2x32x512xf32, #tpu.memory_space<vmem>> -> memref<1x32x512xf32, #tpu.memory_space<vmem>>
    %dma_wait3A_70 = tpu.memref_squeeze %dma_wait3A_69 : memref<1x32x512xf32, #tpu.memory_space<vmem>> -> memref<32x512xf32, #tpu.memory_space<vmem>>
    tpu.wait_dma2 semaphore(%arg18 : memref<!tpu.dma_semaphore, #tpu.memory_space<semaphore_mem>>) src(%dma_wait3A_70 : memref<32x512xf32, #tpu.memory_space<vmem>>) dst(%dma_wait3A_66 : memref<32x512xf32, #tpu.memory_space<hbm>>)
    return
  }
}

module attributes {stable_mosaic.version = 14 : i64} {
  func.func @tc_kernel(%arg0: i32, %arg1: memref<24xi32, #tpu.memory_space<smem>>, %arg2: memref<1x512x8xf32, #tpu.memory_space<vmem>>, %arg3: memref<32768x512xf32, #tpu.memory_space<any>>, %arg4: memref<512x512xf32, #tpu.memory_space<vmem>>, %arg5: memref<2x568x512xf32, #tpu.memory_space<vmem>>, %arg6: memref<2x!tpu.dma_semaphore, #tpu.memory_space<semaphore_mem>>) attributes {dimension_semantics = [#tpu.dimension_semantics<arbitrary>], iteration_bounds = array<i64: 24>, scalar_prefetch = 0 : i64, scratch_operands = 2 : i64, tpu.core_type = #tpu.core_type<tc>, window_params = [{transform_indices = @transform_0, window_bounds = array<i64: 24>}, {transform_indices = @transform_1, window_bounds = array<i64: 1, 512, 8>}, {}, {transform_indices = @transform_3, window_bounds = array<i64: 512, 512>}]} {
    %eq3A = arith.constant 0 : i32
    %eq3A_0 = arith.cmpi eq, %arg0, %eq3A : i32
    %convert_element_type3A = arith.extui %eq3A_0 : i1 to i32
    %cond3A = arith.constant 0 : i32
    %cond3A_1 = arith.cmpi ne, %convert_element_type3A, %cond3A : i32
    scf.if %cond3A_1 {
      %get3A_47 = arith.constant 0 : index
      %get3A_48 = memref.load %arg1[%get3A_47] : memref<24xi32, #tpu.memory_space<smem>>
      %multiple_of3A_49 = tpu.assume_multiple %get3A_48, 8 : i32
      %dma_start3A = arith.constant 0 : i32
      %dma_start3A_50 = arith.constant 0 : i32
      %dma_start3A_51 = tpu.memref_slice %arg6[%dma_start3A_50] : memref<2x!tpu.dma_semaphore, #tpu.memory_space<semaphore_mem>> -> memref<1x!tpu.dma_semaphore, #tpu.memory_space<semaphore_mem>>
      %dma_start3A_52 = tpu.memref_squeeze %dma_start3A_51 : memref<1x!tpu.dma_semaphore, #tpu.memory_space<semaphore_mem>> -> memref<!tpu.dma_semaphore, #tpu.memory_space<semaphore_mem>>
      %dma_start3A_53 = arith.constant 0 : i32
      %dma_start3A_54 = arith.constant 0 : i32
      %dma_start3A_55 = tpu.memref_slice %arg5[%dma_start3A, %dma_start3A_53, %dma_start3A_54] : memref<2x568x512xf32, #tpu.memory_space<vmem>> -> memref<1x568x512xf32, #tpu.memory_space<vmem>>
      %dma_start3A_56 = tpu.memref_squeeze %dma_start3A_55 : memref<1x568x512xf32, #tpu.memory_space<vmem>> -> memref<568x512xf32, #tpu.memory_space<vmem>>
      %dma_start3A_57 = arith.constant 0 : i32
      %dma_start3A_58 = tpu.memref_slice %arg3[%multiple_of3A_49, %dma_start3A_57] : memref<32768x512xf32, #tpu.memory_space<any>> -> memref<568x512xf32, #tpu.memory_space<any>>
      tpu.enqueue_dma source(%dma_start3A_58 : memref<568x512xf32, #tpu.memory_space<any>>) target(%dma_start3A_56 : memref<568x512xf32, #tpu.memory_space<vmem>>) target_semaphore(%dma_start3A_52 : memref<!tpu.dma_semaphore, #tpu.memory_space<semaphore_mem>>)
    } else {
    }
    %rem3A = arith.constant 2 : i32
    %rem3A_2 = arith.remsi %arg0, %rem3A : i32
    %get3A = arith.index_cast %arg0 : i32 to index
    %get3A_3 = memref.load %arg1[%get3A] : memref<24xi32, #tpu.memory_space<smem>>
    %multiple_of3A = tpu.assume_multiple %get3A_3, 8 : i32
    %dma_wait3A = tpu.memref_slice %arg6[%rem3A_2] : memref<2x!tpu.dma_semaphore, #tpu.memory_space<semaphore_mem>> -> memref<1x!tpu.dma_semaphore, #tpu.memory_space<semaphore_mem>>
    %dma_wait3A_4 = tpu.memref_squeeze %dma_wait3A : memref<1x!tpu.dma_semaphore, #tpu.memory_space<semaphore_mem>> -> memref<!tpu.dma_semaphore, #tpu.memory_space<semaphore_mem>>
    %dma_wait3A_5 = arith.constant 0 : i32
    %dma_wait3A_6 = arith.constant 0 : i32
    %dma_wait3A_7 = tpu.memref_slice %arg5[%rem3A_2, %dma_wait3A_5, %dma_wait3A_6] : memref<2x568x512xf32, #tpu.memory_space<vmem>> -> memref<1x568x512xf32, #tpu.memory_space<vmem>>
    %dma_wait3A_8 = tpu.memref_squeeze %dma_wait3A_7 : memref<1x568x512xf32, #tpu.memory_space<vmem>> -> memref<568x512xf32, #tpu.memory_space<vmem>>
    %dma_wait3A_9 = arith.constant 0 : i32
    %dma_wait3A_10 = tpu.memref_slice %arg3[%multiple_of3A, %dma_wait3A_9] : memref<32768x512xf32, #tpu.memory_space<any>> -> memref<568x512xf32, #tpu.memory_space<any>>
    tpu.wait_dma2 semaphore(%dma_wait3A_4 : memref<!tpu.dma_semaphore, #tpu.memory_space<semaphore_mem>>) src(%dma_wait3A_10 : memref<568x512xf32, #tpu.memory_space<any>>) dst(%dma_wait3A_8 : memref<568x512xf32, #tpu.memory_space<vmem>>)
    %add3A = arith.constant 1 : i32
    %add3A_11 = arith.addi %arg0, %add3A : i32
    %lt3A = arith.constant 24 : i32
    %lt3A_12 = arith.cmpi slt, %add3A_11, %lt3A : i32
    %convert_element_type3A_13 = arith.extui %lt3A_12 : i1 to i32
    %cond3A_14 = arith.constant 0 : i32
    %cond3A_15 = arith.cmpi ne, %convert_element_type3A_13, %cond3A_14 : i32
    scf.if %cond3A_15 {
      %add3A_47 = arith.constant 1 : i32
      %add3A_48 = arith.addi %arg0, %add3A_47 : i32
      %rem3A_49 = arith.constant 2 : i32
      %rem3A_50 = arith.remsi %add3A_48, %rem3A_49 : i32
      %add3A_51 = arith.constant 1 : i32
      %add3A_52 = arith.addi %arg0, %add3A_51 : i32
      %get3A_53 = arith.index_cast %add3A_52 : i32 to index
      %get3A_54 = memref.load %arg1[%get3A_53] : memref<24xi32, #tpu.memory_space<smem>>
      %multiple_of3A_55 = tpu.assume_multiple %get3A_54, 8 : i32
      %dma_start3A = tpu.memref_slice %arg6[%rem3A_50] : memref<2x!tpu.dma_semaphore, #tpu.memory_space<semaphore_mem>> -> memref<1x!tpu.dma_semaphore, #tpu.memory_space<semaphore_mem>>
      %dma_start3A_56 = tpu.memref_squeeze %dma_start3A : memref<1x!tpu.dma_semaphore, #tpu.memory_space<semaphore_mem>> -> memref<!tpu.dma_semaphore, #tpu.memory_space<semaphore_mem>>
      %dma_start3A_57 = arith.constant 0 : i32
      %dma_start3A_58 = arith.constant 0 : i32
      %dma_start3A_59 = tpu.memref_slice %arg5[%rem3A_50, %dma_start3A_57, %dma_start3A_58] : memref<2x568x512xf32, #tpu.memory_space<vmem>> -> memref<1x568x512xf32, #tpu.memory_space<vmem>>
      %dma_start3A_60 = tpu.memref_squeeze %dma_start3A_59 : memref<1x568x512xf32, #tpu.memory_space<vmem>> -> memref<568x512xf32, #tpu.memory_space<vmem>>
      %dma_start3A_61 = arith.constant 0 : i32
      %dma_start3A_62 = tpu.memref_slice %arg3[%multiple_of3A_55, %dma_start3A_61] : memref<32768x512xf32, #tpu.memory_space<any>> -> memref<568x512xf32, #tpu.memory_space<any>>
      tpu.enqueue_dma source(%dma_start3A_62 : memref<568x512xf32, #tpu.memory_space<any>>) target(%dma_start3A_60 : memref<568x512xf32, #tpu.memory_space<vmem>>) target_semaphore(%dma_start3A_56 : memref<!tpu.dma_semaphore, #tpu.memory_space<semaphore_mem>>)
    } else {
    }
    %get3A_16 = arith.constant 0 : index
    %get3A_17 = arith.constant 0 : index
    %get3A_18 = arith.constant 0 : index
    %get3A_19 = vector.load %arg2[%get3A_16, %get3A_17, %get3A_18] : memref<1x512x8xf32, #tpu.memory_space<vmem>>, vector<1x512x8xf32>
    %get3A_20 = vector.shape_cast %get3A_19 : vector<1x512x8xf32> to vector<512x8xf32>
    %slice3A = vector.extract_strided_slice %get3A_20 {offsets = [0, 0], sizes = [512, 1], strides = [1, 1]} : vector<512x8xf32> to vector<512x1xf32>
    %slice3A_21 = vector.extract_strided_slice %get3A_20 {offsets = [0, 1], sizes = [512, 1], strides = [1, 1]} : vector<512x8xf32> to vector<512x1xf32>
    %slice3A_22 = vector.extract_strided_slice %get3A_20 {offsets = [0, 2], sizes = [512, 1], strides = [1, 1]} : vector<512x8xf32> to vector<512x1xf32>
    %iota3A = tpu.iota {dimensions = array<i32: 1>} : vector<512x568xi32>
    %convert_element_type3A_23 = arith.sitofp %iota3A : vector<512x568xi32> to vector<512x568xf32>
    %eq3A_24 = vector.broadcast %slice3A : vector<512x1xf32> to vector<512x568xf32>
    %eq3A_25 = arith.cmpf oeq, %convert_element_type3A_23, %eq3A_24 : vector<512x568xf32>
    %jit3A = arith.constant 0.000000e+00 : f32
    %broadcast_in_dim3A = vector.shape_cast %slice3A_21 : vector<512x1xf32> to vector<512x1xf32>
    %broadcast_in_dim3A_26 = vector.broadcast %broadcast_in_dim3A : vector<512x1xf32> to vector<512x568xf32>
    %broadcast_in_dim3A_27 = vector.broadcast %jit3A : f32 to vector<512x568xf32>
    %select_n3A = arith.select %eq3A_25, %broadcast_in_dim3A_26, %broadcast_in_dim3A_27 : vector<512x568xi1>, vector<512x568xf32>
    %add3A_28 = arith.constant 1.000000e+00 : f32
    %add3A_29 = vector.broadcast %add3A_28 : f32 to vector<512x1xf32>
    %add3A_30 = arith.addf %slice3A, %add3A_29 : vector<512x1xf32>
    %eq3A_31 = vector.broadcast %add3A_30 : vector<512x1xf32> to vector<512x568xf32>
    %eq3A_32 = arith.cmpf oeq, %convert_element_type3A_23, %eq3A_31 : vector<512x568xf32>
    %jit3A_33 = arith.constant 0.000000e+00 : f32
    %broadcast_in_dim3A_34 = vector.shape_cast %slice3A_22 : vector<512x1xf32> to vector<512x1xf32>
    %broadcast_in_dim3A_35 = vector.broadcast %broadcast_in_dim3A_34 : vector<512x1xf32> to vector<512x568xf32>
    %broadcast_in_dim3A_36 = vector.broadcast %jit3A_33 : f32 to vector<512x568xf32>
    %select_n3A_37 = arith.select %eq3A_32, %broadcast_in_dim3A_35, %broadcast_in_dim3A_36 : vector<512x568xi1>, vector<512x568xf32>
    %add3A_38 = arith.addf %select_n3A, %select_n3A_37 : vector<512x568xf32>
    %get3A_39 = arith.index_cast %rem3A_2 : i32 to index
    %get3A_40 = arith.constant 0 : index
    %get3A_41 = arith.constant 0 : index
    %get3A_42 = vector.load %arg5[%get3A_39, %get3A_40, %get3A_41] : memref<2x568x512xf32, #tpu.memory_space<vmem>>, vector<1x568x512xf32>
    %get3A_43 = vector.shape_cast %get3A_42 : vector<1x568x512xf32> to vector<568x512xf32>
    %dot_general3A = arith.constant dense<0.000000e+00> : vector<512x512xf32>
    %dot_general3A_44 = tpu.matmul %add3A_38, %get3A_43, %dot_general3A {dimension_numbers = #tpu.dot_dimension_numbers<[1], [0], [0], [1], [0, 0, 1, 1], [], []>, transpose_lhs_hint = false} : vector<512x568xf32>, vector<568x512xf32>, vector<512x512xf32> -> vector<512x512xf32>
    %swap3A = arith.constant 0 : index
    %swap3A_45 = arith.constant 0 : index
    %swap3A_46 = vector.load %arg4[%swap3A, %swap3A_45] : memref<512x512xf32, #tpu.memory_space<vmem>>, vector<512x512xf32>
    tpu.vector_store %arg4[%swap3A, %swap3A_45], %dot_general3A_44 {strides = array<i32>} : memref<512x512xf32, #tpu.memory_space<vmem>>, vector<512x512xf32>,
    return
  }
  func.func @transform_0(%arg0: i32) -> i32 {
    %c0_i32 = arith.constant 0 : i32
    %c0_i32_0 = arith.constant 0 : i32
    return %c0_i32 : i32
  }
  func.func @transform_1(%arg0: i32) -> (i32, i32, i32) {
    %c0_i32 = arith.constant 0 : i32
    %c0_i32_0 = arith.constant 0 : i32
    %c0_i32_1 = arith.constant 0 : i32
    return %arg0, %c0_i32, %c0_i32_0 : i32, i32, i32
  }
  func.func @transform_3(%arg0: i32) -> (i32, i32) {
    %c0_i32 = arith.constant 0 : i32
    %c0_i32_0 = arith.constant 0 : i32
    return %arg0, %c0_i32 : i32, i32
  }
}

</mosaic_0001>

<sc_bundles>
// kernel: kernel.4.cloned.1.call-start
scs
__scs_entry_jumppad:
0x0: {  	(pc) =	sbr.rel $0x88, $3  }
0x1: {  	(tag) =	ssettag $0x0;
	lr =	simm.s32 $0x1  }
0x2: {  	[smem:$0x3FA0] =	sst lr;
	_ =	strace $0xD0000000  }
0x3: {  	_ = 	snop  }
0x4: {  	_ = 	snop  }
0x5: {  	_ = 	snop  }
0x6: {  	_ = 	snop  }
0x7: {  	_ = 	snop  }
__scs_overlays_trampoline_lowered:
0x8: {  	[smem:$0x3FAF] =	sst s0  }
0x9: {  	[smem:$0x3FB0] =	sst s1  }
0xa: {  	[smem:$0x3FB1] =	sst s2  }
0xb: {  	[smem:$0x3FB2] =	sst s3  }
0xc: {  	[smem:$0x3FB3] =	sst s4  }
0xd: {  	[smem:$0x3FB4] =	sst s5  }
0xe: {  	[smem:$0x3FB5] =	sst s6  }
0xf: {  	[smem:$0x3FB6] =	sst s7  }
0x10: {  	[smem:$0x3FB7] =	sst s8  }
0x11: {  	[smem:$0x3FB8] =	sst s9;
	s0 =	simm.s32 @!p0 $0x0  }
0x12: {  	s1 =	sld [smem:$0x3F9E];
	s0 =	simm.s32 @p0 $0x1  }
0x13: {  	[smem:$0x3FB9] =	sst s0;
	s0 =	simm.s32 @!p1 $0x0  }
0x14: {  	s2 =	sld [smem:$0x3F9D];
	s0 =	simm.s32 @p1 $0x1  }
0x15: {  	[smem:$0x3FBA] =	sst s0;
	s0 =	simm.s32 @!p2 $0x0  }
0x16: {  	s3 =	sld [smem:$0x3FDB];
	s0 =	simm.s32 @p2 $0x1  }
0x17: {  	s4 =	simm.s32 $0x1BF5;
	[smem:$0x3FBC] =	sst s0  }
0x18: {  	s0 =	sld [smem:$0x3F9F];
	_ =	swait.ge [sflag:s4], $0x0  }
0x19: {  	s7 =	sld [smem:$0x3FA0]  }
0x1a: {  	s8 =	sadd.s32 $0xFFFFE003, lr  }
0x1b: {  	s9 =	sadd.s32 $0xFFFFFEF7, lr;
	s5 =	simm.s32 $0xFFFFFFFF;
	p2 =	slt.u32 s8, $0xFFFFF086  }
0x1c: {  	p1 =	slt.u32 s9, $0xF7A;
	s5 =	simm.s32 @!p2 $0x0  }
0x1d: {  	s5 =	simm.s32 @p1 $0x1;
	p0 =	seq.s32 s7, s2  }
0x1e: {  	s7 =	smul.u32 @!p0 $0xF7A, s2;
	p2 =	seq.s32 @!p0 s5, $0x0  }
0x1f: {  	s9 =	smul.u32 $0xF7A, s1;
	s8 =	simm.s32 @!p0 $0x1BF5;
	p2 =	por !p2, p0  }
0x20: {  	[sflag:s8] =	ssyncset.s32 @!p0 $0xFFFFF086;
	s6 =	sadd.s32 @!p0 s3, s7;
	s7 =	simm.s32 @!p0 $0x108  }
0x21: {  	s3 =	sadd.s32 s3, s9;
	s6 =	sadd.s32 @!p0 $0x88, s6;
	s7 =	simm.s32 @p2 $0x1082  }
0x22: {  	[simem:s7], [sflag:s8] =	dma.local @!p0 [hbm:s6], $0xF7A  }
0x23: {  	s9 =	sor.u32 $0xD0000000, s2;
	s6 =	simm.s32 $0x108;
	_ =	swait.ge @!p0 [sflag:s8], $0x0  }
0x24: {  	s3 =	sadd.s32 $0x88, s3;
	s6 =	simm.s32 @!p1 $0x1082;
	[sflag:s4] =	ssyncset.s32 $0xFFFFF086  }
0x25: {  	[simem:s6], [sflag:s4] =	dma.local [hbm:s3], $0xF7A  }
0x26: {  	[smem:$0x3FA0] =	sst s1;
	(tag) =	ssettag s2;
	_ =	strace s9  }
0x27: {  	s1 =	sld [smem:$0x3FB0]  }
0x28: {  	s2 =	sld [smem:$0x3FB1]  }
0x29: {  	s4 =	sld [smem:$0x3FB3]  }
0x2a: {  	p0 =	seq.s32 s5, $0x0;
	s5 =	sld [smem:$0x3FB4]  }
0x2b: {  	s6 =	sld [smem:$0x3FB5]  }
0x2c: {  	s7 =	sld [smem:$0x3FB6]  }
0x2d: {  	s3 =	simm.s32 $0x108;
	s8 =	sld [smem:$0x3FB7]  }
0x2e: {  	s3 =	simm.s32 @!p0 $0x1082;
	s9 =	sld [smem:$0x3FB8]  }
0x2f: {  	lr =	sadd.s32 s0, s3;
	s0 =	sld [smem:$0x3FAF]  }
0x30: {  	s3 =	sld [smem:$0x3FB2]  }
0x31: {  	[smem:$0x3FBB] =	sst s10  }
0x32: {  	s10 =	sld [smem:$0x3FB9];
	_ =	sdelay $0x3  }
0x33: {  	p0 =	seq.s32 s10, $0x1;
	s10 =	sld [smem:$0x3FBB];
	_ =	sdelay $0x3  }
0x34: {  	[smem:$0x3FBB] =	sst s10  }
0x35: {  	s10 =	sld [smem:$0x3FBA];
	_ =	sdelay $0x3  }
0x36: {  	p1 =	seq.s32 s10, $0x1;
	s10 =	sld [smem:$0x3FBB];
	_ =	sdelay $0x3  }
0x37: {  	[smem:$0x3FBB] =	sst s10  }
0x38: {  	s10 =	sld [smem:$0x3FBC]  }
0x39: {  	_ = 	snop;
	(pc) =	sbr.ind lr, $3  }
0x3a: {  	_ = 	snop  }
0x3b: {  	_ = 	snop  }
0x3c: {  	p2 =	seq.s32 s10, $0x1;
	s10 =	sld [smem:$0x3FBB]  }
0x3d: {  	_ =	shalt  }
0x3e: {  	_ =	shalt  }
0x3f: {  	_ =	shalt  }
0x40: {  	_ =	shalt  }
0x41: {  	_ =	shalt  }
0x42: {  	_ =	shalt  }
0x43: {  	_ =	shalt  }
0x44: {  	_ =	shalt  }
0x45: {  	_ =	shalt  }
0x46: {  	_ =	shalt  }
0x47: {  	_ =	shalt  }
0x48: {  	_ =	shalt  }
0x49: {  	_ =	shalt  }
0x4a: {  	_ =	shalt  }
0x4b: {  	_ =	shalt  }
0x4c: {  	_ =	shalt  }
0x4d: {  	_ =	shalt  }
0x4e: {  	_ =	shalt  }
0x4f: {  	_ =	shalt  }
0x50: {  	_ =	shalt  }
0x51: {  	_ =	shalt  }
0x52: {  	_ =	shalt  }
0x53: {  	_ =	shalt  }
0x54: {  	_ =	shalt  }
0x55: {  	_ =	shalt  }
0x56: {  	_ =	shalt  }
0x57: {  	_ =	shalt  }
0x58: {  	_ =	shalt  }
0x59: {  	_ =	shalt  }
0x5a: {  	_ =	shalt  }
0x5b: {  	_ =	shalt  }
0x5c: {  	_ =	shalt  }
0x5d: {  	_ =	shalt  }
0x5e: {  	_ =	shalt  }
0x5f: {  	_ =	shalt  }
0x60: {  	_ =	shalt  }
0x61: {  	_ =	shalt  }
0x62: {  	_ =	shalt  }
0x63: {  	_ =	shalt  }
0x64: {  	_ =	shalt  }
0x65: {  	_ =	shalt  }
0x66: {  	_ =	shalt  }
0x67: {  	_ =	shalt  }
0x68: {  	_ =	shalt  }
0x69: {  	_ =	shalt  }
0x6a: {  	_ =	shalt  }
0x6b: {  	_ =	shalt  }
0x6c: {  	_ =	shalt  }
0x6d: {  	_ =	shalt  }
0x6e: {  	_ =	shalt  }
0x6f: {  	_ =	shalt  }
0x70: {  	_ =	shalt  }
0x71: {  	_ =	shalt  }
0x72: {  	_ =	shalt  }
0x73: {  	_ =	shalt  }
0x74: {  	_ =	shalt  }
0x75: {  	_ =	shalt  }
0x76: {  	_ =	shalt  }
0x77: {  	_ =	shalt  }
0x78: {  	_ =	shalt  }
0x79: {  	_ =	shalt  }
0x7a: {  	_ =	shalt  }
0x7b: {  	_ =	shalt  }
0x7c: {  	_ =	shalt  }
0x7d: {  	_ =	shalt  }
0x7e: {  	_ =	shalt  }
0x7f: {  	_ =	shalt  }
0x80: {  	_ =	shalt  }
0x81: {  	_ =	shalt  }
0x82: {  	_ =	shalt  }
0x83: {  	_ =	shalt  }
0x84: {  	_ =	shalt  }
0x85: {  	_ =	shalt  }
0x86: {  	_ =	shalt  }
0x87: {  	_ =	shalt  }
.Lfunc_end0:
.L_simem_size_0:
called_computation_lowered:
.L_overlay_start_0:
0x88: {  	s2 =	sld [smem:$0x3FD9]  }
0x89: {  	s3 =	sld [smem:$0x3FFE];
	_ =	sdelay $0x1  }
0x8a: {  	s1 =	srdreg.scid  }
0x8b: {  	s0 =	sand.u32 $0x1, s1  }
0x8c: {  	s17 =	sshll.u32 s0, $0xA;
	s2 =	sadd.s32 s3, s2  }
0x8d: {  	s2 =	sadd.s32 s2, s17  }
0x8e: {  	[smem:$0x3FC7] =	sst s2  }
0x8f: {  	_ = 	snop  }
0x90: {  	s2 =	sld [smem:$0x3FC9]  }
0x91: {  	s18 =	sld [smem:$0x3FD0];
	(tm) =	ssettm $0x1  }
0x92: {  	s4 =	sld [smem:$0x3FFB];
	_ =	sdelay $0x3  }
0x93: {  	_ =	strace s4  }
0x94: {  	s4 =	sld [smem:$0x3FFC];
	_ =	sdelay $0x3  }
0x95: {  	_ =	strace s4  }
0x96: {  	s4 =	sld [smem:$0x3FFD];
	_ =	sdelay $0x3  }
0x97: {  	_ =	strace s4  }
0x98: {  	_ =	strace $0x8FFFFFFF  }
0x99: {  	s19 =	sld [smem:$0x3FDB];
	_ =	sdelay $0x1  }
0x9a: {  	s5 =	simm.s32 $_scs_section_size  }
0x9b: {  	s6 =	simm.s32 $_size__tile_overlayer_lowered;
	s7 =	simm.s32 $_tile_overlayer_lowered  }
0x9c: {  	s22 =	simm.s32 $0x1BFF;
	s21 =	sshll.u32 s7, $0x1;
	s4 =	sadd.s32 s5, s19  }
0x9d: {  	s8 =	simm.s32 $0x0;
	s20 =	sshll.u32 s6, $0x1;
	s6 =	sadd.s32 s21, s4  }
0x9e: {  	[timem:s8], [sflag:s22] =	dma.local [hbm:s6], s20  }
0x9f: {  	_ =	swait.ge [sflag:s22], s20  }
0xa0: {  	s5 =	ssub.s32 $0x0, s20;
	[sflag:s22] =	ssyncset.done $0x0  }
0xa1: {  	[sflag:s22] =	ssyncadd.s32 s5;
	_ =	sdelay $0x1  }
0xa2: {  	s23 =	simm.s32 $0x1B8B  }
0xa3: {  	_ =	swait.ge [sflag:s23], $0x1  }
0xa4: {  	[sflag:s23] =	ssyncset.done $0x0  }
0xa5: {  	s25 =	simm.s32 $0x1B8E;
	s24 =	sld [smem:$0x3FFE];
	[sflag:s23] =	ssyncadd.s32 $0xFFFFFFFF  }
0xa6: {  	s26 =	simm.s32 $execute0_lowered;
	[smem:$0x3FD2] =	sst s25  }
0xa7: {  	s6 =	sshll.u32 s26, $0x1;
	_ =	strace $0x80000046;
	[dreg:$0x1] =	wrdreg $0xFFFFFFFF  }
0xa8: {  	s28 =	simm.s32 $_size_execute0_lowered;
	s4 =	sadd.s32 s4, s6;
	[dreg:$0x0] =	wrdreg $0x0  }
0xa9: {  	s6 =	sshll.u32 s28, $0x1;
	[dreg:$0x2] =	wrdreg s4  }
0xaa: {  	[dreg:$0x3] =	wrdreg s6  }
0xab: {  	[dreg:$0x4] =	wrdreg $0xC0  }
0xac: {  	_ =	task [dreg:s8], $0x5FFFF  }
0xad: {  	[dreg:$0x1] =	wrdreg $0xFFFFFFFF  }
0xae: {  	[dreg:$0x0] =	wrdreg $0x60  }
0xaf: {  	[dreg:$0x2] =	wrdreg s2  }
0xb0: {  	[dreg:$0x3] =	wrdreg s24  }
0xb1: {  	[dreg:$0x4] =	wrdreg s18  }
0xb2: {  	[dreg:$0x5] =	wrdreg $0x9  }
0xb3: {  	_ =	task.clear_ibuf [dreg:s8], $0x6FFFF;
	_ =	strace $0x90000046  }
0xb4: {  	s29 =	simm.s32 $0x9;
	_ =	strace $0x80000048  }
0xb5: {  	_ =	swait.ge [sflag:s29], $0x1  }
0xb6: {  	[sflag:s29] =	ssyncadd.s32 $0xFFFFFFFF  }
0xb7: {  	_ =	strace $0x90000048  }
0xb8: {  	_ =	sfence  }
0xb9: {  	s30 =	sld [smem:$0x0];
	_ =	sdelay $0x2  }
0xba: {  	s31 =	sshll.u32 s1, $0xD;
	s1 =	sshrl.u32 s1, $0x2  }
0xbb: {  	s3 =	sand.u32 $0x4000, s31;
	s1 =	sadd.s32 s1, s30  }
0xbc: {  	s0 =	sor.u32 s3, s0;
	s1 =	sshll.u32 s1, $0x11  }
0xbd: {  	s0 =	sor.u32 s1, s0  }
0xbe: {  	s0 =	sadd.s32 $0x8F2B, s0  }
0xbf: {  	[sflag:s0] =	ssyncadd.remote.s32 $0x1  }
0xc0: {  	_ =	sfence.sel $0xFFFF  }
0xc1: {  	[dreg:$0x0] =	wrdreg $0xFFFFFFFF;
	(pc) =	sbr.abs _section_cstart, $3  }
0xc2: {  	[dreg:$0x1] =	wrdreg $0xFFFFFFFF  }
0xc3: {  	_ =	task.clear_ibuf [dreg:s8], $0x2FFFF;
	_ =	strace $0x9FFFFFFF  }
0xc4: {  	(tm) =	ssettm $0x7FFFFFFF  }
0xc5: {  	_ =	shalt  }
tec
execute0_lowered:
.L_overlay_start_1:
0x0: {  	(tag) =	ssettag $0x1  }
0x1: {  	s0 =	srdreg.scid;
	s1 =	rddreg [dreg:$0x0]  }
0x2: {  	s2 =	stileid.u32;
	s6 =	rddreg [dreg:$0x1]  }
0x3: {  	s3 =	rddreg [dreg:$0x2];
	s5 =	simm.s32 $0x0;
	s17 =	simm.s32 $0xED00  }
0x4: {  	s18 =	simm.s32 $0xF500;
	s19 =	simm.s32 $0xFD00;
	s20 =	simm.s32 $0x10500  }
0x5: {  	s21 =	simm.s32 $0x10D00;
	s22 =	simm.s32 $0x11500;
	s23 =	simm.s32 $0x11D00  }
0x6: {  	s24 =	simm.s32 $0x1500;
	s25 =	simm.s32 $0x1;
	s28 =	simm.s32 $0x7  }
0x7: {  	s29 =	simm.s32 $0x12500;
	s0 =	sand.u32 $0x1, s0;
	s2 =	sshll.u32 s2, $0x1  }
0x8: {  	s30 =	simm.s32 $0x3;
	s31 =	simm.s32 $0x4;
	s2 =	sor.u32 s0, s2  }
0x9: {  	s10 =	simm.s32 $0x0;
	s0 =	ssub.s32 $0x2, s0;
	s4 =	smul.u32 $0x280, s2  }
0xa: {  	[smem:$0x7FF] =	sst s5;
	s9 =	sadd.s32 $0x100, s1;
	s8 =	sshrl.u32 s0, $0x1  }
0xb: {  	_ =	strace $0x80000047;
	s0 =	ssub.s32 s0, s8;
	s7 =	sshrl.u32 s4, $0x3  }
0xc: {  	s2 =	smul.u32 $0x2800, s2;
	s0 =	smax.u32 s0, $0x1;
	s7 =	sadd.s32 s7, s6  }
0xd: {  	s11 =	sadd.s32 $0x3000, s4;
	[dreg:$0x7] =	wrdreg s0;
	s26 =	sadd.s32 $0x51800, s7  }
0xe: {  	v2 =	vlaneseq.u32;
	s6 =	sadd.s32 $0xE00, s6;
	s7 =	sadd.s32 $0x50E00, s7;
	[dreg:$0x4] =	wrdreg s26  }
0xf: {  	vm0 =	vmmov $0xffff;
	v1 =	vshrl.u32 v2, $0x3;
	s0 =	simm.s32 $0x16500;
	s2 =	sadd.s32 s6, s2;
	[dreg:$0x5] =	wrdreg s7  }
0x10: {  	v0 =	vand.u32 $0x7, v2;
	v2 =	vor.u32 $0x8, v2;
	v1 =	vmul.u32 $0x8, v1;
	[dreg:$0x6] =	wrdreg s2;
	s26 =	simm.s32 $0x2;
	s2 =	simm.s32 $0x8  }
.LBB2_1:
0x11: {  	[dreg:$0x8] =	wrdreg s10  }
0x12: {  	s7 =	rddreg [dreg:$0x4];
	s8 =	simm.s32 $0x9  }
0x13: {  	[tilespmem:s5], [sflag:$0x9] =	stream.linear.gather [hbm4b:s7+s5], $0x280, $0x38;
	[tilespmem:$0x1A500] =	vst v63  }
0x14: {  	_ =	swait.ge [sflag:s8], $0x280  }
0x15: {  	[sflag:s8] =	ssyncset.done $0x0  }
0x16: {  	s12 =	simm.s32 $0x280;
	s10 =	rddreg [dreg:$0x5];
	[sflag:s8] =	ssyncadd.s32 $0xFFFFFD80  }
0x17: {  	[tilespmem:s12], [sflag:$0x9] =	stream.linear.gather [hbm4b:s10+s5], $0x280, $0x38;
	[tilespmem:$0x1A500] =	vst v63  }
0x18: {  	_ =	swait.ge [sflag:s8], $0x280  }
0x19: {  	[sflag:s8] =	ssyncset.done $0x0  }
0x1a: {  	[sflag:s8] =	ssyncadd.s32 $0xFFFFFD80  }
0x1b: {  	v3 =	vld [tilespmem:$0x0];
	_ =	sdelay $0x4  }
0x1c: {  	v4 =	vshll.u32 v3, $0x2  }
0x1d: {  	v3 =	vand.u32 $0x7, v3;
	v4 =	vand.u32 $0xFFFFFFE0, v4  }
0x1e: {  	v3 =	vor.u32 v3, v4  }
0x1f: {  	v4 =	vperm.xlane v3, v0;
	_ =	sdelay $0x1  }
0x20: {  	v4 =	vadd.s32 v1, v4;
	_ =	sdelay $0x1  }
0x21: {  	v3 =	vperm.xlane v3, v2;
	_ =	sdelay $0x1  }
0x22: {  	s13 =	simm.s32 $0x2500;
	v3 =	vadd.s32 v1, v3  }
0x23: {  	[tilespmem:s13], [sflag:$0x1] =	stream.indirect_vreg.gather [hbm4b:s1+s5], $0x80, v4, vm0, $0xb8;
	[tilespmem:$0x1A500] =	vst v63  }
0x24: {  	s14 =	simm.s32 $0x2D00  }
0x25: {  	[tilespmem:s14], [sflag:$0x1] =	stream.indirect_vreg.gather [hbm4b:s9+s5], $0x80, v4, vm0, $0xb8;
	[tilespmem:$0x1A500] =	vst v63  }
0x26: {  	s15 =	simm.s32 $0x3500  }
0x27: {  	[tilespmem:s15], [sflag:$0x1] =	stream.indirect_vreg.gather [hbm4b:s1+s5], $0x80, v3, vm0, $0xb8;
	[tilespmem:$0x1A500] =	vst v63  }
0x28: {  	s16 =	simm.s32 $0x3D00  }
0x29: {  	[tilespmem:s16], [sflag:$0x1] =	stream.indirect_vreg.gather [hbm4b:s9+s5], $0x80, v3, vm0, $0xb8;
	[tilespmem:$0x1A500] =	vst v63  }
0x2a: {  	v3 =	vld [tilespmem:$0x10];
	_ =	sdelay $0x4  }
0x2b: {  	v61 =	vshll.u32 v3, $0x2  }
0x2c: {  	v3 =	vand.u32 $0x7, v3;
	v4 =	vand.u32 $0xFFFFFFE0, v61  }
0x2d: {  	v3 =	vor.u32 v3, v4  }
0x2e: {  	v4 =	vperm.xlane v3, v0;
	_ =	sdelay $0x1  }
0x2f: {  	v4 =	vadd.s32 v1, v4;
	_ =	sdelay $0x1  }
0x30: {  	v3 =	vperm.xlane v3, v2;
	_ =	sdelay $0x1  }
0x31: {  	s8 =	simm.s32 $0x4500;
	v3 =	vadd.s32 v1, v3  }
0x32: {  	[tilespmem:s8], [sflag:$0x1] =	stream.indirect_vreg.gather [hbm4b:s1+s5], $0x80, v4, vm0, $0xb8;
	[tilespmem:$0x1A500] =	vst v63  }
0x33: {  	s10 =	simm.s32 $0x4D00  }
0x34: {  	[tilespmem:s10], [sflag:$0x1] =	stream.indirect_vreg.gather [hbm4b:s9+s5], $0x80, v4, vm0, $0xb8;
	[tilespmem:$0x1A500] =	vst v63  }
0x35: {  	s12 =	simm.s32 $0x5500  }
0x36: {  	[tilespmem:s12], [sflag:$0x1] =	stream.indirect_vreg.gather [hbm4b:s1+s5], $0x80, v3, vm0, $0xb8;
	[tilespmem:$0x1A500] =	vst v63  }
0x37: {  	s13 =	simm.s32 $0x5D00  }
0x38: {  	[tilespmem:s13], [sflag:$0x1] =	stream.indirect_vreg.gather [hbm4b:s9+s5], $0x80, v3, vm0, $0xb8;
	[tilespmem:$0x1A500] =	vst v63  }
0x39: {  	v3 =	vld [tilespmem:$0x280];
	_ =	sdelay $0x4  }
0x3a: {  	v62 =	vshll.u32 v3, $0x2  }
0x3b: {  	v3 =	vand.u32 $0x7, v3;
	v4 =	vand.u32 $0xFFFFFFE0, v62  }
0x3c: {  	v3 =	vor.u32 v3, v4  }
0x3d: {  	v4 =	vperm.xlane v3, v0;
	_ =	sdelay $0x1  }
0x3e: {  	v4 =	vadd.s32 v1, v4;
	_ =	sdelay $0x1  }
0x3f: {  	v3 =	vperm.xlane v3, v2;
	_ =	sdelay $0x1  }
0x40: {  	s14 =	simm.s32 $0xA500;
	v3 =	vadd.s32 v1, v3  }
0x41: {  	[tilespmem:s14], [sflag:$0x2] =	stream.indirect_vreg.gather [hbm4b:s1+s5], $0x80, v4, vm0, $0xb8;
	[tilespmem:$0x1A500] =	vst v63  }
0x42: {  	s15 =	simm.s32 $0xAD00  }
0x43: {  	[tilespmem:s15], [sflag:$0x2] =	stream.indirect_vreg.gather [hbm4b:s9+s5], $0x80, v4, vm0, $0xb8;
	[tilespmem:$0x1A500] =	vst v63  }
0x44: {  	s16 =	simm.s32 $0xB500  }
0x45: {  	[tilespmem:s16], [sflag:$0x2] =	stream.indirect_vreg.gather [hbm4b:s1+s5], $0x80, v3, vm0, $0xb8;
	[tilespmem:$0x1A500] =	vst v63  }
0x46: {  	s8 =	simm.s32 $0xBD00  }
0x47: {  	[tilespmem:s8], [sflag:$0x2] =	stream.indirect_vreg.gather [hbm4b:s9+s5], $0x80, v3, vm0, $0xb8;
	[tilespmem:$0x1A500] =	vst v63  }
0x48: {  	v3 =	vld [tilespmem:$0x290];
	_ =	sdelay $0x4  }
0x49: {  	v63 =	vshll.u32 v3, $0x2  }
0x4a: {  	v3 =	vand.u32 $0x7, v3;
	v4 =	vand.u32 $0xFFFFFFE0, v63  }
0x4b: {  	v3 =	vor.u32 v3, v4  }
0x4c: {  	v4 =	vperm.xlane v3, v0;
	_ =	sdelay $0x1  }
0x4d: {  	v4 =	vadd.s32 v1, v4;
	_ =	sdelay $0x1  }
0x4e: {  	v3 =	vperm.xlane v3, v2;
	_ =	sdelay $0x1  }
0x4f: {  	s10 =	simm.s32 $0xC500;
	v3 =	vadd.s32 v1, v3  }
0x50: {  	[tilespmem:s10], [sflag:$0x2] =	stream.indirect_vreg.gather [hbm4b:s1+s5], $0x80, v4, vm0, $0xb8;
	[tilespmem:$0x1A500] =	vst v63  }
0x51: {  	s12 =	simm.s32 $0xCD00  }
0x52: {  	[tilespmem:s12], [sflag:$0x2] =	stream.indirect_vreg.gather [hbm4b:s9+s5], $0x80, v4, vm0, $0xb8;
	[tilespmem:$0x1A500] =	vst v63  }
0x53: {  	s13 =	simm.s32 $0xD500  }
0x54: {  	[tilespmem:s13], [sflag:$0x2] =	stream.indirect_vreg.gather [hbm4b:s1+s5], $0x80, v3, vm0, $0xb8;
	[tilespmem:$0x1A500] =	vst v63  }
0x55: {  	s14 =	simm.s32 $0xDD00  }
0x56: {  	[tilespmem:s14], [sflag:$0x2] =	stream.indirect_vreg.gather [hbm4b:s9+s5], $0x80, v3, vm0, $0xb8;
	[tilespmem:$0x1A500] =	vst v63  }
0x57: {  	s15 =	rddreg [dreg:$0x6];
	s16 =	simm.s32 $0x500;
	s14 =	simm.s32 $0x0  }
0x58: {  	[tilespmem:s16], [sflag:$0x7] =	stream.linear.gather [hbm4b:s15+s5], $0x1000, $0x38;
	[tilespmem:$0x1A500] =	vst v63  }
.LBB2_2:
0x59: {  	s8 =	sshll.u32 s14, $0x6  }
0x5a: {  	v3 =	vld [tilespmem:s8+$0x20];
	_ =	sdelay $0x4  }
0x5b: {  	v4 =	vshll.u32 v3, $0x2  }
0x5c: {  	v3 =	vand.u32 $0x7, v3;
	v4 =	vand.u32 $0xFFFFFFE0, v4  }
0x5d: {  	v3 =	vor.u32 v3, v4  }
0x5e: {  	v4 =	vperm.xlane v3, v0;
	_ =	sdelay $0x1  }
0x5f: {  	v4 =	vadd.s32 v1, v4;
	_ =	sdelay $0x1  }
0x60: {  	v3 =	vperm.xlane v3, v2;
	_ =	sdelay $0x1  }
0x61: {  	s7 =	simm.s32 $0x6500;
	v3 =	vadd.s32 v1, v3  }
0x62: {  	[tilespmem:s7], [sflag:$0x3] =	stream.indirect_vreg.gather [hbm4b:s1+s5], $0x80, v4, vm0, $0xb8;
	[tilespmem:$0x1A500] =	vst v63  }
0x63: {  	s13 =	simm.s32 $0x6D00  }
0x64: {  	[tilespmem:s13], [sflag:$0x3] =	stream.indirect_vreg.gather [hbm4b:s9+s5], $0x80, v4, vm0, $0xb8;
	[tilespmem:$0x1A500] =	vst v63  }
0x65: {  	s15 =	simm.s32 $0x7500  }
0x66: {  	[tilespmem:s15], [sflag:$0x3] =	stream.indirect_vreg.gather [hbm4b:s1+s5], $0x80, v3, vm0, $0xb8;
	[tilespmem:$0x1A500] =	vst v63  }
0x67: {  	s16 =	simm.s32 $0x7D00  }
0x68: {  	[tilespmem:s16], [sflag:$0x3] =	stream.indirect_vreg.gather [hbm4b:s9+s5], $0x80, v3, vm0, $0xb8;
	[tilespmem:$0x1A500] =	vst v63  }
0x69: {  	v3 =	vld [tilespmem:s8+$0x30];
	_ =	sdelay $0x4  }
0x6a: {  	v4 =	vshll.u32 v3, $0x2  }
0x6b: {  	v3 =	vand.u32 $0x7, v3;
	v4 =	vand.u32 $0xFFFFFFE0, v4  }
0x6c: {  	v3 =	vor.u32 v3, v4  }
0x6d: {  	v4 =	vperm.xlane v3, v0;
	_ =	sdelay $0x1  }
0x6e: {  	v4 =	vadd.s32 v1, v4;
	_ =	sdelay $0x1  }
0x6f: {  	v3 =	vperm.xlane v3, v2;
	_ =	sdelay $0x1  }
0x70: {  	s10 =	simm.s32 $0x8500;
	v3 =	vadd.s32 v1, v3  }
0x71: {  	[tilespmem:s10], [sflag:$0x3] =	stream.indirect_vreg.gather [hbm4b:s1+s5], $0x80, v4, vm0, $0xb8;
	[tilespmem:$0x1A500] =	vst v63  }
0x72: {  	s12 =	simm.s32 $0x8D00  }
0x73: {  	[tilespmem:s12], [sflag:$0x3] =	stream.indirect_vreg.gather [hbm4b:s9+s5], $0x80, v4, vm0, $0xb8;
	[tilespmem:$0x1A500] =	vst v63  }
0x74: {  	s13 =	simm.s32 $0x9500  }
0x75: {  	[tilespmem:s13], [sflag:$0x3] =	stream.indirect_vreg.gather [hbm4b:s1+s5], $0x80, v3, vm0, $0xb8;
	[tilespmem:$0x1A500] =	vst v63  }
0x76: {  	s15 =	simm.s32 $0x9D00  }
0x77: {  	[tilespmem:s15], [sflag:$0x3] =	stream.indirect_vreg.gather [hbm4b:s9+s5], $0x80, v3, vm0, $0xb8;
	[tilespmem:$0x1A500] =	vst v63  }
0x78: {  	v3 =	vld [tilespmem:s8+$0x2A0];
	_ =	sdelay $0x4  }
0x79: {  	v4 =	vshll.u32 v3, $0x2  }
0x7a: {  	v3 =	vand.u32 $0x7, v3;
	v4 =	vand.u32 $0xFFFFFFE0, v4  }
0x7b: {  	v3 =	vor.u32 v3, v4  }
0x7c: {  	v4 =	vperm.xlane v3, v0;
	_ =	sdelay $0x1  }
0x7d: {  	v4 =	vadd.s32 v1, v4;
	_ =	sdelay $0x1  }
0x7e: {  	v3 =	vperm.xlane v3, v2;
	_ =	sdelay $0x1  }
0x7f: {  	s16 =	simm.s32 $0xE500;
	v3 =	vadd.s32 v1, v3  }
0x80: {  	[tilespmem:s16], [sflag:$0x4] =	stream.indirect_vreg.gather [hbm4b:s1+s5], $0x80, v4, vm0, $0xb8;
	[tilespmem:$0x1A500] =	vst v63  }
0x81: {  	_ = 	snop  }
0x82: {  	[tilespmem:s17], [sflag:$0x4] =	stream.indirect_vreg.gather [hbm4b:s9+s5], $0x80, v4, vm0, $0xb8;
	[tilespmem:$0x1A500] =	vst v63  }
0x83: {  	_ = 	snop  }
0x84: {  	[tilespmem:s18], [sflag:$0x4] =	stream.indirect_vreg.gather [hbm4b:s1+s5], $0x80, v3, vm0, $0xb8;
	[tilespmem:$0x1A500] =	vst v63  }
0x85: {  	_ = 	snop  }
0x86: {  	[tilespmem:s19], [sflag:$0x4] =	stream.indirect_vreg.gather [hbm4b:s9+s5], $0x80, v3, vm0, $0xb8;
	[tilespmem:$0x1A500] =	vst v63  }
0x87: {  	v3 =	vld [tilespmem:s8+$0x2B0];
	_ =	sdelay $0x4  }
0x88: {  	v4 =	vshll.u32 v3, $0x2  }
0x89: {  	v3 =	vand.u32 $0x7, v3;
	v4 =	vand.u32 $0xFFFFFFE0, v4  }
0x8a: {  	v3 =	vor.u32 v3, v4  }
0x8b: {  	v4 =	vperm.xlane v3, v0;
	_ =	sdelay $0x1  }
0x8c: {  	v4 =	vadd.s32 v1, v4;
	_ =	sdelay $0x1  }
0x8d: {  	v3 =	vperm.xlane v3, v2;
	_ =	sdelay $0x1  }
0x8e: {  	v3 =	vadd.s32 v1, v3  }
0x8f: {  	[tilespmem:s20], [sflag:$0x4] =	stream.indirect_vreg.gather [hbm4b:s1+s5], $0x80, v4, vm0, $0xb8;
	[tilespmem:$0x1A500] =	vst v63  }
0x90: {  	s7 =	sor.u32 $0x20, s8  }
0x91: {  	[tilespmem:s21], [sflag:$0x4] =	stream.indirect_vreg.gather [hbm4b:s9+s5], $0x80, v4, vm0, $0xb8;
	[tilespmem:$0x1A500] =	vst v63  }
0x92: {  	s10 =	sadd.s32 s4, s7  }
0x93: {  	[tilespmem:s22], [sflag:$0x4] =	stream.indirect_vreg.gather [hbm4b:s1+s5], $0x80, v3, vm0, $0xb8;
	[tilespmem:$0x1A500] =	vst v63  }
0x94: {  	s10 =	sshll.u32 s10, $0x4  }
0x95: {  	[tilespmem:s23], [sflag:$0x4] =	stream.indirect_vreg.gather [hbm4b:s9+s5], $0x80, v3, vm0, $0xb8;
	[tilespmem:$0x1A500] =	vst v63  }
0x96: {  	s10 =	sadd.s32 s6, s10  }
0x97: {  	[tilespmem:s24], [sflag:$0x8] =	stream.linear.gather [hbm4b:s10+s5], $0x1000, $0x38;
	[tilespmem:$0x1A500] =	vst v63  }
0x98: {  	_ =	swait.ge [sflag:s25], $0x4000  }
0x99: {  	[sflag:s25] =	ssyncset.done $0x0  }
0x9a: {  	[sflag:s25] =	ssyncadd.s32 $0xFFFFC000  }
0x9b: {  	_ =	swait.ge [sflag:s26], $0x4000  }
0x9c: {  	[sflag:s26] =	ssyncset.done $0x0  }
0x9d: {  	[sflag:s26] =	ssyncadd.s32 $0xFFFFC000  }
0x9e: {  	_ =	swait.ge [sflag:s28], $0x1000  }
0x9f: {  	p0 =	seq.s32 s14, $0x0;
	[sflag:s28] =	ssyncset.done $0x0  }
0xa0: {  	s10 =	simm.s32 @!p0 $0x5;
	[sflag:s28] =	ssyncadd.s32 $0xFFFFF000  }
0xa1: {  	s12 =	simm.s32 $0x0;
	_ =	swait.ge @!p0 [sflag:s10], $0x4000  }
0xa2: {  	s13 =	sand.u32 $0x3000, s12;
	s15 =	sand.u32 $0x380, s12;
	[sflag:s10] =	ssyncset.done @!p0 $0x0  }
0xa3: {  	[sflag:s10] =	ssyncadd.s32 @!p0 $0xFFFFC000;
	s10 =	sor.u32 s15, s13  }
0xa4: {  	v3 =	vld [tilespmem:s10+$0x2500]  }
0xa5: {  	v14 =	vld [tilespmem:s10+$0x2510]  }
0xa6: {  	v15 =	vld [tilespmem:s10+$0xA510]  }
0xa7: {  	v19 =	vld [tilespmem:s10+$0x2520]  }
0xa8: {  	v18 =	vld [tilespmem:s10+$0xA520]  }
0xa9: {  	v23 =	vld [tilespmem:s10+$0x2530]  }
0xaa: {  	v22 =	vld [tilespmem:s10+$0xA530]  }
0xab: {  	v25 =	vld [tilespmem:s10+$0x2540]  }
0xac: {  	v24 =	vld [tilespmem:s10+$0xA540]  }
0xad: {  	v27 =	vld [tilespmem:s10+$0x2550]  }
0xae: {  	v26 =	vld [tilespmem:s10+$0xA550]  }
0xaf: {  	v29 =	vld [tilespmem:s10+$0x2560]  }
0xb0: {  	v28 =	vld [tilespmem:s10+$0xA560]  }
0xb1: {  	v30 =	vld [tilespmem:s10+$0x2570]  }
0xb2: {  	v31 =	vld [tilespmem:s10+$0xA570]  }
0xb3: {  	v33 =	vld [tilespmem:s10+$0x2900]  }
0xb4: {  	v32 =	vld [tilespmem:s10+$0xA900]  }
0xb5: {  	v35 =	vld [tilespmem:s10+$0x2910]  }
0xb6: {  	v34 =	vld [tilespmem:s10+$0xA910]  }
0xb7: {  	v5 =	vld [tilespmem:s10+$0x2920]  }
0xb8: {  	v4 =	vld [tilespmem:s10+$0xA920]  }
0xb9: {  	v7 =	vld [tilespmem:s10+$0x2930]  }
0xba: {  	v6 =	vld [tilespmem:s10+$0xA930]  }
0xbb: {  	v9 =	vld [tilespmem:s10+$0x2940]  }
0xbc: {  	v8 =	vld [tilespmem:s10+$0xA940]  }
0xbd: {  	v11 =	vld [tilespmem:s10+$0x2950]  }
0xbe: {  	v10 =	vld [tilespmem:s10+$0xA950]  }
0xbf: {  	v13 =	vld [tilespmem:s10+$0x2960]  }
0xc0: {  	v12 =	vld [tilespmem:s10+$0xA960]  }
0xc1: {  	v17 =	vld [tilespmem:s10+$0x2970]  }
0xc2: {  	v16 =	vld [tilespmem:s10+$0xA970]  }
0xc3: {  	v36 =	vld [tilespmem:s10+$0x2D70]  }
0xc4: {  	s15 =	simm.s32 $0x0;
	s13 =	simm.s32 $0x80;
	v37 =	vld [tilespmem:s10+$0xAD70]  }
.LBB2_3:
0xc5: {  	p1 =	sne.s32 s13, $0xF80;
	v21 =	vld [tilespmem:s15+$0x500]  }
0xc6: {  	v20 =	vld [tilespmem:s15+$0x510]  }
0xc7: {  	v38 =	vld [tilespmem:s10+$0x2D00]  }
0xc8: {  	v39 =	vld [tilespmem:s10+$0xAD00]  }
0xc9: {  	v40 =	vld [tilespmem:s10+$0x2D10]  }
0xca: {  	v33 =	vmul.f32 v33, v21;
	v35 =	vmul.f32 v35, v21;
	v41 =	vld [tilespmem:s10+$0x2D20]  }
0xcb: {  	v36 =	vmul.f32 v36, v21;
	v42 =	vld [tilespmem:s10+$0x2D30];
	v37 =	vmul.f32 v37, v20  }
0xcc: {  	v32 =	vmul.f32 v32, v20;
	v34 =	vmul.f32 v34, v20;
	v43 =	vld [tilespmem:s10+$0x2D40]  }
0xcd: {  	v30 =	vmul.f32 v30, v21;
	v31 =	vmul.f32 v31, v20;
	v44 =	vld [tilespmem:s10+$0x2D50];
	v36 =	vadd.f32 v37, v36  }
0xce: {  	v29 =	vmul.f32 v29, v21;
	v32 =	vadd.f32 v32, v33;
	v33 =	vadd.f32 v34, v35;
	v34 =	vld [tilespmem:s10+$0x2D60]  }
0xcf: {  	v27 =	vmul.f32 v27, v21;
	v28 =	vmul.f32 v28, v20;
	v30 =	vadd.f32 v31, v30;
	[tilespmem:s10+$0x12D70] =	vst v36;
	v31 =	vld [tilespmem:s10+$0x3100]  }
0xd0: {  	v25 =	vmul.f32 v25, v21;
	v26 =	vmul.f32 v26, v20;
	[tilespmem:s10+$0x12910] =	vst v33;
	v33 =	vld [tilespmem:s10+$0xB100]  }
0xd1: {  	v23 =	vmul.f32 v23, v21;
	v24 =	vmul.f32 v24, v20;
	v28 =	vadd.f32 v28, v29;
	[tilespmem:s10+$0x12900] =	vst v32;
	v29 =	vld [tilespmem:s10+$0xAD60]  }
0xd2: {  	v19 =	vmul.f32 v19, v21;
	v22 =	vmul.f32 v22, v20;
	v26 =	vadd.f32 v26, v27;
	[tilespmem:s10+$0x12570] =	vst v30;
	v27 =	vld [tilespmem:s10+$0xAD50]  }
0xd3: {  	v14 =	vmul.f32 v14, v21;
	v18 =	vmul.f32 v18, v20;
	v24 =	vadd.f32 v24, v25;
	[tilespmem:s10+$0x12560] =	vst v28;
	v25 =	vld [tilespmem:s10+$0xAD40]  }
0xd4: {  	v15 =	vmul.f32 v15, v20;
	v22 =	vadd.f32 v22, v23;
	[tilespmem:s10+$0x12550] =	vst v26;
	v23 =	vld [tilespmem:s10+$0xAD30];
	v26 =	vmul.f32 v31, v21  }
0xd5: {  	v18 =	vadd.f32 v18, v19;
	[tilespmem:s10+$0x12540] =	vst v24;
	v19 =	vld [tilespmem:s10+$0xAD20];
	v24 =	vmul.f32 v34, v21;
	v28 =	vmul.f32 v33, v20  }
0xd6: {  	v14 =	vadd.f32 v15, v14;
	[tilespmem:s10+$0x12530] =	vst v22;
	v15 =	vld [tilespmem:s10+$0xAD10];
	v22 =	vmul.f32 v44, v21;
	v29 =	vmul.f32 v29, v20  }
0xd7: {  	[tilespmem:s10+$0x12520] =	vst v18;
	v18 =	vmul.f32 v43, v21;
	v27 =	vmul.f32 v27, v20;
	v26 =	vadd.f32 v28, v26;
	v28 =	vld [tilespmem:s10+$0x3110]  }
0xd8: {  	[tilespmem:s10+$0x12510] =	vst v14;
	v14 =	vmul.f32 v42, v21;
	v25 =	vmul.f32 v25, v20;
	v24 =	vadd.f32 v29, v24;
	v29 =	vld [tilespmem:s10+$0xB110]  }
0xd9: {  	v30 =	vmul.f32 v41, v21;
	v23 =	vmul.f32 v23, v20;
	v22 =	vadd.f32 v27, v22;
	[tilespmem:s10+$0x13100] =	vst v26;
	v26 =	vld [tilespmem:s10+$0x3120]  }
0xda: {  	v27 =	vmul.f32 v40, v21;
	v19 =	vmul.f32 v19, v20;
	v18 =	vadd.f32 v25, v18;
	[tilespmem:s10+$0x12D60] =	vst v24;
	v24 =	vld [tilespmem:s10+$0xB120]  }
0xdb: {  	v25 =	vmul.f32 v38, v21;
	v15 =	vmul.f32 v15, v20;
	v14 =	vadd.f32 v23, v14;
	[tilespmem:s10+$0x12D50] =	vst v22;
	v22 =	vld [tilespmem:s10+$0x3130]  }
0xdc: {  	v17 =	vmul.f32 v17, v21;
	v23 =	vmul.f32 v39, v20;
	v19 =	vadd.f32 v19, v30;
	[tilespmem:s10+$0x12D40] =	vst v18;
	v18 =	vld [tilespmem:s10+$0xB130]  }
0xdd: {  	v13 =	vmul.f32 v13, v21;
	v16 =	vmul.f32 v16, v20;
	v15 =	vadd.f32 v15, v27;
	[tilespmem:s10+$0x12D30] =	vst v14;
	v14 =	vld [tilespmem:s10+$0x3140]  }
0xde: {  	v11 =	vmul.f32 v11, v21;
	v12 =	vmul.f32 v12, v20;
	v23 =	vadd.f32 v23, v25;
	[tilespmem:s10+$0x12D20] =	vst v19;
	v19 =	vld [tilespmem:s10+$0xB140]  }
0xdf: {  	v9 =	vmul.f32 v9, v21;
	v10 =	vmul.f32 v10, v20;
	v16 =	vadd.f32 v16, v17;
	[tilespmem:s10+$0x12D10] =	vst v15;
	v15 =	vld [tilespmem:s10+$0x3150]  }
0xe0: {  	v7 =	vmul.f32 v7, v21;
	v8 =	vmul.f32 v8, v20;
	v12 =	vadd.f32 v12, v13;
	[tilespmem:s10+$0x12D00] =	vst v23;
	v13 =	vld [tilespmem:s10+$0xB150]  }
0xe1: {  	v5 =	vmul.f32 v5, v21;
	v6 =	vmul.f32 v6, v20;
	v10 =	vadd.f32 v10, v11;
	[tilespmem:s10+$0x12970] =	vst v16;
	v11 =	vld [tilespmem:s10+$0x3160]  }
0xe2: {  	v4 =	vmul.f32 v4, v20;
	v8 =	vadd.f32 v8, v9;
	v9 =	vmul.f32 v28, v21;
	[tilespmem:s10+$0x12960] =	vst v12;
	v12 =	vld [tilespmem:s10+$0xB160]  }
0xe3: {  	s12 =	sadd.s32 $0x200, s12;
	v6 =	vadd.f32 v6, v7;
	v7 =	vmul.f32 v29, v20;
	[tilespmem:s10+$0x12950] =	vst v10;
	v10 =	vmul.f32 v26, v21;
	v16 =	vld [tilespmem:s10+$0x3170]  }
0xe4: {  	s16 =	sand.u32 $0x380, s13;
	s15 =	sand.u32 $0x3000, s12;
	v4 =	vadd.f32 v4, v5;
	v5 =	vmul.f32 v24, v20;
	[tilespmem:s10+$0x12940] =	vst v8;
	v8 =	vmul.f32 v22, v21;
	v17 =	vld [tilespmem:s10+$0xB170]  }
0xe5: {  	s15 =	sor.u32 s16, s15;
	v22 =	vld [tilespmem:s10+$0xA500];
	[tilespmem:s10+$0x12930] =	vst v6;
	v6 =	vadd.f32 v7, v9;
	v7 =	vmul.f32 v18, v20;
	v9 =	vmul.f32 v14, v21  }
0xe6: {  	v24 =	vld [tilespmem:s15+$0x2500];
	[tilespmem:s10+$0x12920] =	vst v4;
	v4 =	vadd.f32 v5, v10;
	v5 =	vmul.f32 v19, v20;
	v10 =	vmul.f32 v15, v21  }
0xe7: {  	v14 =	vld [tilespmem:s15+$0x2510];
	[tilespmem:s10+$0x13110] =	vst v6;
	v6 =	vadd.f32 v7, v8;
	v7 =	vmul.f32 v13, v20;
	v8 =	vmul.f32 v11, v21  }
0xe8: {  	v15 =	vld [tilespmem:s15+$0xA510];
	[tilespmem:s10+$0x13120] =	vst v4;
	v4 =	vadd.f32 v5, v9;
	v5 =	vmul.f32 v12, v20;
	v9 =	vmul.f32 v16, v21  }
0xe9: {  	v11 =	vmul.f32 v3, v21;
	v19 =	vld [tilespmem:s15+$0x2520];
	[tilespmem:s10+$0x13130] =	vst v6;
	v10 =	vadd.f32 v7, v10;
	v6 =	vmul.f32 v17, v20  }
0xea: {  	v18 =	vld [tilespmem:s15+$0xA520];
	v7 =	vmul.f32 v22, v20;
	[tilespmem:s10+$0x13140] =	vst v4;
	v4 =	vadd.f32 v5, v8  }
0xeb: {  	v23 =	vld [tilespmem:s15+$0x2530];
	[tilespmem:s10+$0x13150] =	vst v10;
	v5 =	vadd.f32 v6, v9;
	v3 =	vmov v24  }
0xec: {  	v22 =	vld [tilespmem:s15+$0xA530];
	v6 =	vadd.f32 v7, v11;
	[tilespmem:s10+$0x13160] =	vst v4  }
0xed: {  	v25 =	vld [tilespmem:s15+$0x2540];
	[tilespmem:s10+$0x13170] =	vst v5  }
0xee: {  	v24 =	vld [tilespmem:s15+$0xA540];
	[tilespmem:s10+$0x12500] =	vst v6;
	s10 =	smov.u32 s15  }
0xef: {  	v27 =	vld [tilespmem:s10+$0x2550]  }
0xf0: {  	v26 =	vld [tilespmem:s10+$0xA550]  }
0xf1: {  	v29 =	vld [tilespmem:s10+$0x2560]  }
0xf2: {  	v28 =	vld [tilespmem:s10+$0xA560]  }
0xf3: {  	v30 =	vld [tilespmem:s10+$0x2570]  }
0xf4: {  	v31 =	vld [tilespmem:s10+$0xA570]  }
0xf5: {  	v33 =	vld [tilespmem:s10+$0x2900]  }
0xf6: {  	v32 =	vld [tilespmem:s10+$0xA900]  }
0xf7: {  	v35 =	vld [tilespmem:s10+$0x2910]  }
0xf8: {  	v34 =	vld [tilespmem:s10+$0xA910]  }
0xf9: {  	v5 =	vld [tilespmem:s10+$0x2920]  }
0xfa: {  	v4 =	vld [tilespmem:s10+$0xA920]  }
0xfb: {  	v7 =	vld [tilespmem:s10+$0x2930]  }
0xfc: {  	v6 =	vld [tilespmem:s10+$0xA930]  }
0xfd: {  	v9 =	vld [tilespmem:s10+$0x2940]  }
0xfe: {  	v8 =	vld [tilespmem:s10+$0xA940]  }
0xff: {  	v11 =	vld [tilespmem:s10+$0x2950]  }
0x100: {  	v10 =	vld [tilespmem:s10+$0xA950]  }
0x101: {  	v13 =	vld [tilespmem:s10+$0x2960]  }
.Ltmp0:
0x102: {  	v12 =	vld [tilespmem:s10+$0xA960];
	(pc) =	sbr.rel @p1 .LBB2_3-.Ltmp0, $4  }
0x103: {  	v17 =	vld [tilespmem:s10+$0x2970]  }
0x104: {  	v16 =	vld [tilespmem:s10+$0xA970]  }
0x105: {  	v36 =	vld [tilespmem:s10+$0x2D70]  }
0x106: {  	s13 =	sadd.s32 $0x80, s13;
	s15 =	sshra.s32 s12, $0x2;
	v37 =	vld [tilespmem:s10+$0xAD70]  }
0x107: {  	v20 =	vld [tilespmem:s15+$0x500]  }
0x108: {  	v21 =	vld [tilespmem:s15+$0x510];
	_ =	sdelay $0x2  }
0x109: {  	v38 =	vld [tilespmem:s10+$0x2D00]  }
0x10a: {  	v39 =	vld [tilespmem:s10+$0xAD00]  }
0x10b: {  	v40 =	vld [tilespmem:s10+$0x2D10];
	v36 =	vmul.f32 v36, v20;
	v37 =	vmul.f32 v37, v21  }
0x10c: {  	v41 =	vld [tilespmem:s10+$0x2D20];
	v35 =	vmul.f32 v35, v20;
	v34 =	vmul.f32 v34, v21  }
0x10d: {  	v42 =	vld [tilespmem:s10+$0x2D30];
	v33 =	vmul.f32 v33, v20;
	v32 =	vmul.f32 v32, v21  }
0x10e: {  	v60 =	vld [tilespmem:s10+$0x2D60];
	v30 =	vmul.f32 v30, v20;
	v31 =	vmul.f32 v31, v21  }
0x10f: {  	v61 =	vld [tilespmem:s10+$0x3100];
	v29 =	vmul.f32 v29, v20;
	v28 =	vmul.f32 v28, v21;
	v36 =	vadd.f32 v37, v36  }
0x110: {  	v62 =	vld [tilespmem:s10+$0xB100];
	v27 =	vmul.f32 v27, v20;
	v26 =	vmul.f32 v26, v21;
	v34 =	vadd.f32 v34, v35  }
0x111: {  	v63 =	vld [tilespmem:s10+$0xAD60];
	v25 =	vmul.f32 v25, v20;
	v24 =	vmul.f32 v24, v21;
	v32 =	vadd.f32 v32, v33;
	[tilespmem:s10+$0x12D70] =	vst v36  }
0x112: {  	v43 =	vld [tilespmem:s10+$0x2D40];
	v23 =	vmul.f32 v23, v20;
	v22 =	vmul.f32 v22, v21;
	v30 =	vadd.f32 v31, v30;
	[tilespmem:s10+$0x12910] =	vst v34  }
0x113: {  	v44 =	vld [tilespmem:s10+$0x2D50];
	v19 =	vmul.f32 v19, v20;
	v18 =	vmul.f32 v18, v21;
	v28 =	vadd.f32 v28, v29;
	[tilespmem:s10+$0x12900] =	vst v32  }
0x114: {  	v45 =	vld [tilespmem:s10+$0xAD30];
	v14 =	vmul.f32 v14, v20;
	v15 =	vmul.f32 v15, v21;
	v26 =	vadd.f32 v26, v27;
	[tilespmem:s10+$0x12570] =	vst v30  }
0x115: {  	v46 =	vld [tilespmem:s10+$0xAD20];
	v48 =	vmul.f32 v61, v20;
	v49 =	vmul.f32 v62, v21;
	v24 =	vadd.f32 v24, v25;
	[tilespmem:s10+$0x12560] =	vst v28  }
0x116: {  	v47 =	vld [tilespmem:s10+$0xAD10];
	v51 =	vmul.f32 v60, v20;
	v52 =	vmul.f32 v63, v21;
	v22 =	vadd.f32 v22, v23;
	[tilespmem:s10+$0x12550] =	vst v26  }
0x117: {  	v50 =	vld [tilespmem:s10+$0x3110];
	v17 =	vmul.f32 v17, v20;
	v16 =	vmul.f32 v16, v21;
	v18 =	vadd.f32 v18, v19;
	[tilespmem:s10+$0x12540] =	vst v24  }
0x118: {  	v53 =	vld [tilespmem:s10+$0xB110];
	v13 =	vmul.f32 v13, v20;
	v12 =	vmul.f32 v12, v21;
	v14 =	vadd.f32 v15, v14;
	[tilespmem:s10+$0x12530] =	vst v22  }
0x119: {  	v56 =	vld [tilespmem:s10+$0x3120];
	v11 =	vmul.f32 v11, v20;
	v10 =	vmul.f32 v10, v21;
	v16 =	vadd.f32 v16, v17;
	[tilespmem:s10+$0x12520] =	vst v18  }
0x11a: {  	v58 =	vld [tilespmem:s10+$0xB120];
	v9 =	vmul.f32 v9, v20;
	v8 =	vmul.f32 v8, v21;
	v12 =	vadd.f32 v12, v13;
	[tilespmem:s10+$0x12510] =	vst v14  }
0x11b: {  	v60 =	vld [tilespmem:s10+$0x3130];
	v7 =	vmul.f32 v7, v20;
	v6 =	vmul.f32 v6, v21;
	v10 =	vadd.f32 v10, v11;
	[tilespmem:s10+$0x12970] =	vst v16  }
0x11c: {  	v62 =	vld [tilespmem:s10+$0xB130];
	v5 =	vmul.f32 v5, v20;
	v4 =	vmul.f32 v4, v21;
	v8 =	vadd.f32 v8, v9;
	[tilespmem:s10+$0x12960] =	vst v12  }
0x11d: {  	v54 =	vmul.f32 v44, v20;
	v63 =	vmul.f32 v40, v20;
	v40 =	vld [tilespmem:s10+$0x3170];
	v6 =	vadd.f32 v6, v7;
	[tilespmem:s10+$0x12950] =	vst v10  }
0x11e: {  	v57 =	vmul.f32 v43, v20;
	v59 =	vmul.f32 v42, v20;
	v43 =	vld [tilespmem:s10+$0xB170];
	v4 =	vadd.f32 v4, v5;
	[tilespmem:s10+$0x12940] =	vst v8  }
0x11f: {  	v25 =	vmul.f32 v45, v21;
	v23 =	vmul.f32 v46, v21;
	v46 =	vld [tilespmem:s10+$0xA500];
	v22 =	vadd.f32 v49, v48;
	[tilespmem:s10+$0x12930] =	vst v6  }
0x120: {  	v61 =	vmul.f32 v41, v20;
	v41 =	vmul.f32 v50, v20;
	v34 =	vld [tilespmem:s10+$0xAD50];
	v18 =	vadd.f32 v52, v51;
	[tilespmem:s10+$0x12920] =	vst v4  }
0x121: {  	v42 =	vmul.f32 v53, v21;
	v19 =	vmul.f32 v47, v21;
	v36 =	vld [tilespmem:s10+$0xAD40];
	v25 =	vadd.f32 v25, v59;
	[tilespmem:s10+$0x13100] =	vst v22  }
0x122: {  	v44 =	vmul.f32 v56, v20;
	v33 =	vmul.f32 v38, v20;
	v35 =	vld [tilespmem:s10+$0xB140];
	v23 =	vadd.f32 v23, v61;
	[tilespmem:s10+$0x12D60] =	vst v18  }
0x123: {  	v37 =	vld [tilespmem:s10+$0xB150];
	v45 =	vmul.f32 v58, v21;
	v19 =	vadd.f32 v19, v63;
	v47 =	vmul.f32 v60, v20;
	[tilespmem:s10+$0x12D30] =	vst v25  }
0x124: {  	v38 =	vld [tilespmem:s10+$0x3160];
	v48 =	vadd.f32 v42, v41;
	v58 =	vmul.f32 v40, v20;
	v60 =	vmul.f32 v43, v21;
	[tilespmem:s10+$0x12D20] =	vst v23  }
0x125: {  	v3 =	vmul.f32 v3, v20;
	v32 =	vld [tilespmem:s10+$0x3140];
	v51 =	vadd.f32 v45, v44;
	[tilespmem:s10+$0x12D10] =	vst v19;
	v61 =	vmul.f32 v46, v21  }
0x126: {  	[tilespmem:s10+$0x13110] =	vst v48;
	v63 =	vadd.f32 v60, v58;
	v55 =	vmul.f32 v34, v21;
	v27 =	vmul.f32 v36, v21;
	v36 =	vld [tilespmem:s10+$0x3150]  }
0x127: {  	[tilespmem:s10+$0x13120] =	vst v51;
	v34 =	vmul.f32 v39, v21;
	v39 =	vld [tilespmem:s10+$0xB160];
	v3 =	vadd.f32 v61, v3  }
0x128: {  	[tilespmem:s10+$0x13170] =	vst v63;
	v24 =	vadd.f32 v55, v54  }
0x129: {  	v49 =	vmul.f32 v62, v21;
	v26 =	vadd.f32 v27, v57;
	[tilespmem:s10+$0x12500] =	vst v3  }
0x12a: {  	v52 =	vmul.f32 v35, v21;
	v50 =	vmul.f32 v32, v20;
	v27 =	vadd.f32 v34, v33;
	[tilespmem:s10+$0x12D50] =	vst v24  }
0x12b: {  	v54 =	vadd.f32 v49, v47;
	v55 =	vmul.f32 v37, v21;
	[tilespmem:s10+$0x12D40] =	vst v26;
	v53 =	vmul.f32 v36, v20  }
0x12c: {  	p1 =	seq.s32 s14, $0x9;
	v13 =	vmul.f32 v38, v20;
	v56 =	vadd.f32 v52, v50;
	[tilespmem:s10+$0x12D00] =	vst v27;
	v57 =	vmul.f32 v39, v21  }
.Ltmp1:
0x12d: {  	[tilespmem:s10+$0x13130] =	vst v54;
	v59 =	vadd.f32 v55, v53;
	(pc) =	sbr.rel @p1 .LBB2_6-.Ltmp1, $4  }
0x12e: {  	s12 =	sadd.s32 s11, s8;
	[tilespmem:s10+$0x13140] =	vst v56;
	v62 =	vadd.f32 v57, v13  }
0x12f: {  	s12 =	sshll.u32 s12, $0x6;
	[tilespmem:s10+$0x13150] =	vst v59  }
0x130: {  	s16 =	sadd.s32 s3, s12;
	[tilespmem:s10+$0x13160] =	vst v62  }
0x131: {  	[hbm4b:s16+s5] =	stream.linear.scatter [tilespmem:s29], [sflag:$0x5], $0x4000, $0x38;
	[tilespmem:$0x1A500] =	vst v63  }
0x132: {  	v3 =	vld [tilespmem:s8+$0x40];
	_ =	sdelay $0x4  }
0x133: {  	v4 =	vshll.u32 v3, $0x2  }
0x134: {  	v3 =	vand.u32 $0x7, v3;
	v4 =	vand.u32 $0xFFFFFFE0, v4  }
0x135: {  	v3 =	vor.u32 v3, v4  }
0x136: {  	v4 =	vperm.xlane v3, v0;
	_ =	sdelay $0x1  }
0x137: {  	v4 =	vadd.s32 v1, v4;
	_ =	sdelay $0x1  }
0x138: {  	v3 =	vperm.xlane v3, v2;
	_ =	sdelay $0x1  }
0x139: {  	s10 =	simm.s32 $0x2500;
	v3 =	vadd.s32 v1, v3  }
0x13a: {  	[tilespmem:s10], [sflag:$0x1] =	stream.indirect_vreg.gather [hbm4b:s1+s5], $0x80, v4, vm0, $0xb8;
	[tilespmem:$0x1A500] =	vst v63  }
0x13b: {  	s16 =	simm.s32 $0x2D00  }
0x13c: {  	[tilespmem:s16], [sflag:$0x1] =	stream.indirect_vreg.gather [hbm4b:s9+s5], $0x80, v4, vm0, $0xb8;
	[tilespmem:$0x1A500] =	vst v63  }
0x13d: {  	s12 =	simm.s32 $0x3500  }
0x13e: {  	[tilespmem:s12], [sflag:$0x1] =	stream.indirect_vreg.gather [hbm4b:s1+s5], $0x80, v3, vm0, $0xb8;
	[tilespmem:$0x1A500] =	vst v63  }
0x13f: {  	s13 =	simm.s32 $0x3D00  }
0x140: {  	[tilespmem:s13], [sflag:$0x1] =	stream.indirect_vreg.gather [hbm4b:s9+s5], $0x80, v3, vm0, $0xb8;
	[tilespmem:$0x1A500] =	vst v63  }
0x141: {  	v3 =	vld [tilespmem:s8+$0x50];
	_ =	sdelay $0x4  }
0x142: {  	v61 =	vshll.u32 v3, $0x2  }
0x143: {  	v3 =	vand.u32 $0x7, v3;
	v4 =	vand.u32 $0xFFFFFFE0, v61  }
0x144: {  	v3 =	vor.u32 v3, v4  }
0x145: {  	v4 =	vperm.xlane v3, v0;
	_ =	sdelay $0x1  }
0x146: {  	v4 =	vadd.s32 v1, v4;
	_ =	sdelay $0x1  }
0x147: {  	v3 =	vperm.xlane v3, v2;
	_ =	sdelay $0x1  }
0x148: {  	s15 =	simm.s32 $0x4500;
	v3 =	vadd.s32 v1, v3  }
0x149: {  	[tilespmem:s15], [sflag:$0x1] =	stream.indirect_vreg.gather [hbm4b:s1+s5], $0x80, v4, vm0, $0xb8;
	[tilespmem:$0x1A500] =	vst v63  }
0x14a: {  	s16 =	simm.s32 $0x4D00  }
0x14b: {  	[tilespmem:s16], [sflag:$0x1] =	stream.indirect_vreg.gather [hbm4b:s9+s5], $0x80, v4, vm0, $0xb8;
	[tilespmem:$0x1A500] =	vst v63  }
0x14c: {  	s12 =	simm.s32 $0x5500  }
0x14d: {  	[tilespmem:s12], [sflag:$0x1] =	stream.indirect_vreg.gather [hbm4b:s1+s5], $0x80, v3, vm0, $0xb8;
	[tilespmem:$0x1A500] =	vst v63  }
0x14e: {  	s13 =	simm.s32 $0x5D00  }
0x14f: {  	[tilespmem:s13], [sflag:$0x1] =	stream.indirect_vreg.gather [hbm4b:s9+s5], $0x80, v3, vm0, $0xb8;
	[tilespmem:$0x1A500] =	vst v63  }
0x150: {  	v3 =	vld [tilespmem:s8+$0x2C0];
	_ =	sdelay $0x4  }
0x151: {  	v62 =	vshll.u32 v3, $0x2  }
0x152: {  	v3 =	vand.u32 $0x7, v3;
	v4 =	vand.u32 $0xFFFFFFE0, v62  }
0x153: {  	v3 =	vor.u32 v3, v4  }
0x154: {  	v4 =	vperm.xlane v3, v0;
	_ =	sdelay $0x1  }
0x155: {  	v4 =	vadd.s32 v1, v4;
	_ =	sdelay $0x1  }
0x156: {  	v3 =	vperm.xlane v3, v2;
	_ =	sdelay $0x1  }
0x157: {  	s15 =	simm.s32 $0xA500;
	v3 =	vadd.s32 v1, v3  }
0x158: {  	[tilespmem:s15], [sflag:$0x2] =	stream.indirect_vreg.gather [hbm4b:s1+s5], $0x80, v4, vm0, $0xb8;
	[tilespmem:$0x1A500] =	vst v63  }
0x159: {  	s16 =	simm.s32 $0xAD00  }
0x15a: {  	[tilespmem:s16], [sflag:$0x2] =	stream.indirect_vreg.gather [hbm4b:s9+s5], $0x80, v4, vm0, $0xb8;
	[tilespmem:$0x1A500] =	vst v63  }
0x15b: {  	s12 =	simm.s32 $0xB500  }
0x15c: {  	[tilespmem:s12], [sflag:$0x2] =	stream.indirect_vreg.gather [hbm4b:s1+s5], $0x80, v3, vm0, $0xb8;
	[tilespmem:$0x1A500] =	vst v63  }
0x15d: {  	s13 =	simm.s32 $0xBD00  }
0x15e: {  	[tilespmem:s13], [sflag:$0x2] =	stream.indirect_vreg.gather [hbm4b:s9+s5], $0x80, v3, vm0, $0xb8;
	[tilespmem:$0x1A500] =	vst v63  }
0x15f: {  	v3 =	vld [tilespmem:s8+$0x2D0];
	_ =	sdelay $0x4  }
0x160: {  	v63 =	vshll.u32 v3, $0x2  }
0x161: {  	v3 =	vand.u32 $0x7, v3;
	v4 =	vand.u32 $0xFFFFFFE0, v63  }
0x162: {  	v3 =	vor.u32 v3, v4  }
0x163: {  	v4 =	vperm.xlane v3, v0;
	_ =	sdelay $0x1  }
0x164: {  	v4 =	vadd.s32 v1, v4;
	_ =	sdelay $0x1  }
0x165: {  	v3 =	vperm.xlane v3, v2;
	_ =	sdelay $0x1  }
0x166: {  	s15 =	simm.s32 $0xC500;
	v3 =	vadd.s32 v1, v3  }
0x167: {  	[tilespmem:s15], [sflag:$0x2] =	stream.indirect_vreg.gather [hbm4b:s1+s5], $0x80, v4, vm0, $0xb8;
	[tilespmem:$0x1A500] =	vst v63  }
0x168: {  	s16 =	simm.s32 $0xCD00;
	s13 =	sadd.s32 $0x40, s8  }
0x169: {  	[tilespmem:s16], [sflag:$0x2] =	stream.indirect_vreg.gather [hbm4b:s9+s5], $0x80, v4, vm0, $0xb8;
	[tilespmem:$0x1A500] =	vst v63  }
0x16a: {  	s12 =	simm.s32 $0xD500;
	s8 =	sadd.s32 s4, s13  }
0x16b: {  	[tilespmem:s12], [sflag:$0x2] =	stream.indirect_vreg.gather [hbm4b:s1+s5], $0x80, v3, vm0, $0xb8;
	[tilespmem:$0x1A500] =	vst v63  }
0x16c: {  	s8 =	sshll.u32 s8, $0x4;
	s15 =	simm.s32 $0xDD00  }
0x16d: {  	[tilespmem:s15], [sflag:$0x2] =	stream.indirect_vreg.gather [hbm4b:s9+s5], $0x80, v3, vm0, $0xb8;
	[tilespmem:$0x1A500] =	vst v63  }
0x16e: {  	s8 =	sadd.s32 s6, s8;
	s16 =	simm.s32 $0x500  }
0x16f: {  	[tilespmem:s16], [sflag:$0x7] =	stream.linear.gather [hbm4b:s8+s5], $0x1000, $0x38;
	[tilespmem:$0x1A500] =	vst v63  }
.LBB2_6:
0x170: {  	_ =	swait.ge [sflag:s30], $0x4000  }
0x171: {  	[sflag:s30] =	ssyncset.done $0x0  }
0x172: {  	[sflag:s30] =	ssyncadd.s32 $0xFFFFC000  }
0x173: {  	_ =	swait.ge [sflag:s31], $0x4000  }
0x174: {  	[sflag:s31] =	ssyncset.done $0x0  }
0x175: {  	[sflag:s31] =	ssyncadd.s32 $0xFFFFC000  }
0x176: {  	_ =	swait.ge [sflag:s2], $0x1000  }
0x177: {  	[sflag:s2] =	ssyncset.done $0x0  }
0x178: {  	s8 =	simm.s32 @!p0 $0x6;
	[sflag:s2] =	ssyncadd.s32 $0xFFFFF000  }
0x179: {  	_ =	swait.ge @!p0 [sflag:s8], $0x4000  }
0x17a: {  	[sflag:s8] =	ssyncset.done @!p0 $0x0  }
0x17b: {  	s10 =	simm.s32 $0x0;
	[sflag:s8] =	ssyncadd.s32 @!p0 $0xFFFFC000;
	s8 =	simm.s32 $0x0  }
.LBB2_7:
0x17c: {  	s12 =	sshra.s32 s8, $0x2  }
0x17d: {  	s13 =	sand.u32 $0x3000, s8;
	s15 =	sand.u32 $0x380, s10;
	v3 =	vld [tilespmem:s12+$0x1500]  }
0x17e: {  	v4 =	vld [tilespmem:s12+$0x1510];
	s15 =	sor.u32 s15, s13  }
0x17f: {  	v5 =	vld [tilespmem:s15+$0x6500]  }
0x180: {  	v6 =	vld [tilespmem:s15+$0xE500]  }
0x181: {  	v7 =	vld [tilespmem:s15+$0x6510]  }
0x182: {  	v8 =	vld [tilespmem:s15+$0xE510]  }
0x183: {  	v9 =	vld [tilespmem:s15+$0x6520]  }
0x184: {  	v10 =	vld [tilespmem:s15+$0xE520]  }
0x185: {  	v11 =	vld [tilespmem:s15+$0x6530]  }
0x186: {  	v12 =	vld [tilespmem:s15+$0xE530]  }
0x187: {  	v13 =	vld [tilespmem:s15+$0x6540]  }
0x188: {  	v14 =	vld [tilespmem:s15+$0xE540]  }
0x189: {  	v15 =	vld [tilespmem:s15+$0x6550]  }
0x18a: {  	v16 =	vld [tilespmem:s15+$0xE550]  }
0x18b: {  	v17 =	vld [tilespmem:s15+$0x6560]  }
0x18c: {  	v18 =	vld [tilespmem:s15+$0xE560]  }
0x18d: {  	v19 =	vld [tilespmem:s15+$0x6570]  }
0x18e: {  	v20 =	vld [tilespmem:s15+$0xE570]  }
0x18f: {  	v21 =	vld [tilespmem:s15+$0x6900]  }
0x190: {  	v22 =	vld [tilespmem:s15+$0xE900]  }
0x191: {  	v23 =	vld [tilespmem:s15+$0x6910]  }
0x192: {  	v24 =	vld [tilespmem:s15+$0xE910]  }
0x193: {  	v25 =	vld [tilespmem:s15+$0x6920]  }
0x194: {  	v26 =	vld [tilespmem:s15+$0xE920]  }
0x195: {  	v27 =	vld [tilespmem:s15+$0x6930]  }
0x196: {  	v28 =	vld [tilespmem:s15+$0xE930]  }
0x197: {  	v29 =	vld [tilespmem:s15+$0x6940]  }
0x198: {  	v30 =	vld [tilespmem:s15+$0xE940]  }
0x199: {  	v31 =	vld [tilespmem:s15+$0x6950]  }
0x19a: {  	v32 =	vld [tilespmem:s15+$0xE950]  }
0x19b: {  	v33 =	vld [tilespmem:s15+$0x6960];
	v5 =	vmul.f32 v5, v3  }
0x19c: {  	v34 =	vld [tilespmem:s15+$0xE960];
	v6 =	vmul.f32 v6, v4;
	v7 =	vmul.f32 v7, v3  }
0x19d: {  	v35 =	vld [tilespmem:s15+$0x6970];
	v8 =	vmul.f32 v8, v4;
	v49 =	vmul.f32 v9, v3  }
0x19e: {  	v40 =	vld [tilespmem:s15+$0xED20];
	v50 =	vmul.f32 v10, v4;
	v51 =	vmul.f32 v11, v3;
	v5 =	vadd.f32 v6, v5  }
0x19f: {  	v44 =	vld [tilespmem:s15+$0x6D30];
	v52 =	vmul.f32 v12, v4;
	v54 =	vmul.f32 v13, v3;
	v7 =	vadd.f32 v8, v7  }
0x1a0: {  	v48 =	vld [tilespmem:s15+$0xED30];
	v55 =	vmul.f32 v14, v4;
	v57 =	vmul.f32 v15, v3;
	v53 =	vadd.f32 v50, v49;
	[tilespmem:s15+$0x16500] =	vst v5  }
0x1a1: {  	v10 =	vld [tilespmem:s15+$0xE970];
	v58 =	vmul.f32 v16, v4;
	v60 =	vmul.f32 v17, v3;
	v56 =	vadd.f32 v52, v51;
	[tilespmem:s15+$0x16510] =	vst v7  }
0x1a2: {  	v12 =	vld [tilespmem:s15+$0x6D00];
	v61 =	vmul.f32 v18, v4;
	v63 =	vmul.f32 v19, v3;
	v59 =	vadd.f32 v55, v54;
	[tilespmem:s15+$0x16520] =	vst v53  }
0x1a3: {  	v13 =	vld [tilespmem:s15+$0xED00];
	v36 =	vmul.f32 v20, v4;
	v38 =	vmul.f32 v21, v3;
	v62 =	vadd.f32 v58, v57;
	[tilespmem:s15+$0x16530] =	vst v56  }
0x1a4: {  	v14 =	vld [tilespmem:s15+$0x6D10];
	v39 =	vmul.f32 v22, v4;
	v42 =	vmul.f32 v23, v3;
	v37 =	vadd.f32 v61, v60;
	[tilespmem:s15+$0x16540] =	vst v59  }
0x1a5: {  	v15 =	vld [tilespmem:s15+$0xED10];
	v43 =	vmul.f32 v24, v4;
	v46 =	vmul.f32 v25, v3;
	v41 =	vadd.f32 v36, v63;
	[tilespmem:s15+$0x16550] =	vst v62  }
0x1a6: {  	v16 =	vld [tilespmem:s15+$0x6D20];
	v47 =	vmul.f32 v26, v4;
	v26 =	vmul.f32 v35, v3;
	v45 =	vadd.f32 v39, v38;
	[tilespmem:s15+$0x16560] =	vst v37  }
0x1a7: {  	v24 =	vld [tilespmem:s15+$0xED50];
	v49 =	vadd.f32 v43, v42;
	v50 =	vmul.f32 v27, v3;
	v51 =	vmul.f32 v28, v4;
	[tilespmem:s15+$0x16570] =	vst v41  }
0x1a8: {  	v35 =	vld [tilespmem:s15+$0x6D70];
	v54 =	vmul.f32 v29, v3;
	v55 =	vmul.f32 v30, v4;
	[tilespmem:s15+$0x16900] =	vst v45;
	v53 =	vadd.f32 v47, v46  }
0x1a9: {  	v52 =	vld [tilespmem:s15+$0x6D40];
	v58 =	vmul.f32 v31, v3;
	[tilespmem:s15+$0x16910] =	vst v49;
	v57 =	vadd.f32 v51, v50;
	v59 =	vmul.f32 v32, v4  }
0x1aa: {  	v60 =	vld [tilespmem:s15+$0x6D50];
	v63 =	vmul.f32 v34, v4;
	v61 =	vadd.f32 v55, v54;
	v62 =	vmul.f32 v33, v3;
	[tilespmem:s15+$0x16920] =	vst v53  }
0x1ab: {  	v27 =	vld [tilespmem:s15+$0x6D60];
	v42 =	vmul.f32 v48, v4;
	v41 =	vmul.f32 v44, v3;
	[tilespmem:s15+$0x16930] =	vst v57;
	v25 =	vadd.f32 v59, v58  }
0x1ac: {  	v31 =	vld [tilespmem:s15+$0xED60];
	v38 =	vmul.f32 v40, v4;
	v10 =	vmul.f32 v10, v4;
	[tilespmem:s15+$0x16940] =	vst v61;
	v28 =	vadd.f32 v63, v62  }
0x1ad: {  	v39 =	vld [tilespmem:s15+$0xED70];
	v29 =	vmul.f32 v12, v3;
	v30 =	vmul.f32 v13, v4;
	v46 =	vadd.f32 v42, v41;
	[tilespmem:s15+$0x16950] =	vst v25  }
0x1ae: {  	v56 =	vld [tilespmem:s15+$0xED40];
	v33 =	vmul.f32 v14, v3;
	v34 =	vmul.f32 v15, v4;
	v32 =	vadd.f32 v10, v26;
	[tilespmem:s15+$0x16960] =	vst v28  }
0x1af: {  	v37 =	vmul.f32 v16, v3;
	v48 =	vmul.f32 v24, v4;
	v36 =	vadd.f32 v30, v29;
	[tilespmem:s15+$0x16D30] =	vst v46  }
0x1b0: {  	v53 =	vmul.f32 v35, v3;
	v40 =	vadd.f32 v34, v33;
	v47 =	vmul.f32 v60, v3;
	[tilespmem:s15+$0x16970] =	vst v32  }
0x1b1: {  	v43 =	vadd.f32 v38, v37;
	v50 =	vmul.f32 v27, v3;
	v51 =	vmul.f32 v31, v4;
	[tilespmem:s15+$0x16D00] =	vst v36  }
0x1b2: {  	v44 =	vmul.f32 v52, v3;
	v54 =	vmul.f32 v39, v4;
	[tilespmem:s15+$0x16D10] =	vst v40;
	v52 =	vadd.f32 v48, v47  }
0x1b3: {  	v45 =	vmul.f32 v56, v4;
	[tilespmem:s15+$0x16D20] =	vst v43;
	v55 =	vadd.f32 v51, v50  }
0x1b4: {  	v56 =	vadd.f32 v54, v53;
	[tilespmem:s15+$0x16D50] =	vst v52  }
0x1b5: {  	s16 =	sand.u32 $0xFFFFF000, s8;
	v49 =	vadd.f32 v45, v44;
	[tilespmem:s15+$0x16D60] =	vst v55  }
0x1b6: {  	s13 =	sadd.s32 s16, s10;
	[tilespmem:s15+$0x16D70] =	vst v56  }
0x1b7: {  	[tilespmem:s15+$0x16D40] =	vst v49;
	s15 =	sor.u32 $0x4C00, s13  }
0x1b8: {  	v5 =	vld [tilespmem:s15+$0x2500]  }
0x1b9: {  	v6 =	vld [tilespmem:s15+$0xA500];
	_ =	sdelay $0x4  }
0x1ba: {  	v5 =	vmul.f32 v5, v3;
	v6 =	vmul.f32 v6, v4;
	_ =	sdelay $0x1  }
0x1bb: {  	v5 =	vadd.f32 v6, v5;
	_ =	sdelay $0x1  }
0x1bc: {  	s16 =	sor.u32 $0x4C10, s13;
	[tilespmem:s15+$0x12500] =	vst v5  }
0x1bd: {  	v5 =	vld [tilespmem:s16+$0x2500]  }
0x1be: {  	v57 =	vld [tilespmem:s16+$0xA500];
	_ =	sdelay $0x4  }
0x1bf: {  	v5 =	vmul.f32 v5, v3;
	v6 =	vmul.f32 v57, v4;
	_ =	sdelay $0x1  }
0x1c0: {  	v5 =	vadd.f32 v6, v5;
	_ =	sdelay $0x1  }
0x1c1: {  	s15 =	sor.u32 $0x4C20, s13;
	[tilespmem:s16+$0x12500] =	vst v5  }
0x1c2: {  	v5 =	vld [tilespmem:s15+$0x2500]  }
0x1c3: {  	v58 =	vld [tilespmem:s15+$0xA500];
	_ =	sdelay $0x4  }
0x1c4: {  	v5 =	vmul.f32 v5, v3;
	v6 =	vmul.f32 v58, v4;
	_ =	sdelay $0x1  }
0x1c5: {  	v5 =	vadd.f32 v6, v5;
	_ =	sdelay $0x1  }
0x1c6: {  	s16 =	sor.u32 $0x4C30, s13;
	[tilespmem:s15+$0x12500] =	vst v5  }
0x1c7: {  	v5 =	vld [tilespmem:s16+$0x2500]  }
0x1c8: {  	v59 =	vld [tilespmem:s16+$0xA500];
	_ =	sdelay $0x4  }
0x1c9: {  	v5 =	vmul.f32 v5, v3;
	v6 =	vmul.f32 v59, v4;
	_ =	sdelay $0x1  }
0x1ca: {  	v5 =	vadd.f32 v6, v5;
	_ =	sdelay $0x1  }
0x1cb: {  	s15 =	sor.u32 $0x4C40, s13;
	[tilespmem:s16+$0x12500] =	vst v5  }
0x1cc: {  	v5 =	vld [tilespmem:s15+$0x2500]  }
0x1cd: {  	v60 =	vld [tilespmem:s15+$0xA500];
	_ =	sdelay $0x4  }
0x1ce: {  	v5 =	vmul.f32 v5, v3;
	v6 =	vmul.f32 v60, v4;
	_ =	sdelay $0x1  }
0x1cf: {  	v5 =	vadd.f32 v6, v5;
	_ =	sdelay $0x1  }
0x1d0: {  	s16 =	sor.u32 $0x4C50, s13;
	[tilespmem:s15+$0x12500] =	vst v5  }
0x1d1: {  	v5 =	vld [tilespmem:s16+$0x2500]  }
0x1d2: {  	v61 =	vld [tilespmem:s16+$0xA500];
	_ =	sdelay $0x4  }
0x1d3: {  	v5 =	vmul.f32 v5, v3;
	v6 =	vmul.f32 v61, v4;
	_ =	sdelay $0x1  }
0x1d4: {  	v5 =	vadd.f32 v6, v5;
	_ =	sdelay $0x1  }
0x1d5: {  	s15 =	sor.u32 $0x4C60, s13;
	[tilespmem:s16+$0x12500] =	vst v5  }
0x1d6: {  	v5 =	vld [tilespmem:s15+$0x2500]  }
0x1d7: {  	v62 =	vld [tilespmem:s15+$0xA500];
	_ =	sdelay $0x4  }
0x1d8: {  	v5 =	vmul.f32 v5, v3;
	v6 =	vmul.f32 v62, v4;
	_ =	sdelay $0x1  }
0x1d9: {  	v5 =	vadd.f32 v6, v5;
	_ =	sdelay $0x1  }
0x1da: {  	s16 =	sor.u32 $0x4C70, s13;
	[tilespmem:s15+$0x12500] =	vst v5  }
0x1db: {  	v5 =	vld [tilespmem:s16+$0x2500]  }
0x1dc: {  	v63 =	vld [tilespmem:s16+$0xA500];
	_ =	sdelay $0x3  }
0x1dd: {  	p0 =	sne.s32 s10, $0xF80  }
.Ltmp2:
0x1de: {  	v3 =	vmul.f32 v5, v3;
	v4 =	vmul.f32 v63, v4;
	(pc) =	sbr.rel @p0 .LBB2_7-.Ltmp2, $3  }
0x1df: {  	_ = 	snop  }
0x1e0: {  	v3 =	vadd.f32 v4, v3;
	_ =	sdelay $0x1  }
0x1e1: {  	s8 =	sadd.s32 $0x200, s8;
	s10 =	sadd.s32 $0x80, s10;
	[tilespmem:s16+$0x12500] =	vst v3  }
0x1e2: {  	s14 =	sadd.s32 $0x1, s14  }
0x1e3: {  	p0 =	sne.s32 s14, $0xA  }
.Ltmp3:
0x1e4: {  	_ = 	snop;
	(pc) =	sbr.rel @p0 .LBB2_2-.Ltmp3, $4  }
0x1e5: {  	s7 =	sadd.s32 s11, s7  }
0x1e6: {  	s7 =	sshll.u32 s7, $0x6  }
0x1e7: {  	s7 =	sadd.s32 s3, s7  }
0x1e8: {  	[hbm4b:s7+s5] =	stream.linear.scatter [tilespmem:s0], [sflag:$0x6], $0x4000, $0x38;
	[tilespmem:$0x1A500] =	vst v63  }
0x1e9: {  	s7 =	simm.s32 $0x5  }
0x1ea: {  	_ =	swait.ge [sflag:s7], $0x4000  }
0x1eb: {  	[sflag:s7] =	ssyncset.done $0x0  }
0x1ec: {  	s8 =	simm.s32 $0x6;
	[sflag:s7] =	ssyncadd.s32 $0xFFFFC000  }
0x1ed: {  	_ =	swait.ge [sflag:s8], $0x4000  }
0x1ee: {  	s10 =	rddreg [dreg:$0x8]  }
0x1ef: {  	s16 =	rddreg [dreg:$0x7];
	s10 =	sadd.s32 $0x1, s10  }
0x1f0: {  	p0 =	sne.s32 s10, s16  }
.Ltmp4:
0x1f1: {  	_ = 	snop;
	(pc) =	sbr.rel @p0 .LBB2_1-.Ltmp4, $3  }
0x1f2: {  	_ =	sdelay $0x1  }
0x1f3: {  	[sflag:s8] =	ssyncset.done $0x0  }
0x1f4: {  	[sflag:s8] =	ssyncadd.s32 $0xFFFFC000  }
0x1f5: {  	_ =	sfence.sel $0x180000  }
0x1f6: {  	[bflag:$0x0] =	sbarrier.arrive $0xFFFF  }
0x1f7: {  	_ =	strace $0x90000047  }
0x1f8: {  	s0 =	stileid.u32;
	[bflag:$0x2] =	sbarrier.arrive $0xFFFF  }
0x1f9: {  	p0 =	sne.s32 s0, $0x0;
	s0 =	rddreg [dreg:$0x3]  }
0x1fa: {  	s0 =	sadd.s32 @!p0 $0x100000, s0  }
0x1fb: {  	[sflag:s0] =	ssyncadd.tile.s32 @!p0 $0x1;
	_ =	shalt  }
.Lfunc_end2:
_tile_overlayer_lowered:
.L_overlay_start_2:
0x1fc: {  	(tag) =	ssettag $0x2  }
0x1fd: {  	s0 =	rddreg [dreg:$0x0];
	s2 =	stileid.u32  }
0x1fe: {  	s1 =	rddreg [dreg:$0x1];
	p0 =	sne.s32 s2, $0x0  }
0x1ff: {  	s3 =	rddreg [dreg:$0x2];
	[bflag:$0x3] =	sbarrier.arrive $0xFFFF;
	s2 =	simm.s32 @!p0 $0x1C09  }
0x200: {  	[timem:s3], [sflag:s2] =	dma.local @!p0 [hbm:s0], s1  }
0x201: {  	s0 =	simm.s32 @!p0 $0x9  }
0x202: {  	_ =	swait.ge @!p0 [sflag:s0], s1  }
0x203: {  	s1 =	ssub.s32 @!p0 $0x0, s1;
	[sflag:s0] =	ssyncset.done @!p0 $0x0  }
0x204: {  	[sflag:s0] =	ssyncadd.s32 @!p0 s1  }
0x205: {  	[bflag:$0x3] =	sbarrier.arrive $0xFFFF  }
0x206: {  	_ =	shalt  }

</sc_bundles>
